<compile_context>
chip_gen: v7x
topology: tpu7x:2x2x1
jax: 0.10.2.dev20260603
libtpu: 0.0.44.dev20260713+nightly
codegen_flags: <defaults>
</compile_context>

<pallas_src>
import functools

import jax
import jax.numpy as jnp
from jax import lax
from jax.experimental import pallas as pl
from jax.experimental.pallas import tpu as pltpu
from jax.experimental.pallas import tpu_sc as plsc

N = 10000
E = 320000
D = 128
G = 64
N_CLS = 10

NPAD = 10240
NBLK = NPAD // 128
NC = 2
NS = 16
NW = NC * NS
CHUNK = 128
NCH = 80
EPW = NCH * CHUNK
EPAD = NW * EPW
ROWS_PER_TILE = NPAD // NS



def _zero_vmem_rows(ref, nrows):
    z = jnp.zeros((16,), jnp.float32)

    @pl.loop(0, nrows)
    def _(i):
        for k in range(8):
            ref[i, pl.ds(k * 16, 16)] = z


def _sc_count_body(ei_hbm, out_hbm, dst_v, ones_v, stage_v, cnt_sh, sem):
    cid = lax.axis_index("c")
    sid = lax.axis_index("s")
    wid = cid * NS + sid

    one = jnp.ones((16,), jnp.float32)
    zero = jnp.zeros((16,), jnp.float32)

    @pl.loop(0, CHUNK // 16)
    def _(i):
        ones_v[pl.ds(i * 16, 16)] = one

    @pl.loop(0, ROWS_PER_TILE // 16)
    def _(i):
        stage_v[pl.ds(i * 16, 16)] = zero

    pltpu.sync_copy(stage_v, cnt_sh.at[pl.ds(sid * ROWS_PER_TILE, ROWS_PER_TILE)])

    pltpu.sync_copy(ei_hbm.at[1, wid], dst_v)
    plsc.subcore_barrier()

    @pl.loop(0, NCH)
    def _(j):
        pltpu.sync_copy(ones_v, cnt_sh.at[dst_v.at[j]], add=True)

    plsc.subcore_barrier()
    pltpu.sync_copy(cnt_sh.at[pl.ds(sid * ROWS_PER_TILE, ROWS_PER_TILE)], stage_v)
    pltpu.sync_copy(stage_v, out_hbm.at[cid, pl.ds(sid * ROWS_PER_TILE, ROWS_PER_TILE)])


@functools.cache
def _get_sc_count():
    mesh = plsc.VectorSubcoreMesh(core_axis_name="c", subcore_axis_name="s")
    return pl.kernel(
        _sc_count_body,
        out_type=jax.ShapeDtypeStruct((NC, NPAD), jnp.float32),
        mesh=mesh,
        scratch_types=[
            pltpu.VMEM((NCH, CHUNK), jnp.int32),
            pltpu.VMEM((CHUNK,), jnp.float32),
            pltpu.VMEM((ROWS_PER_TILE,), jnp.float32),
            pltpu.VMEM_SHARED((NPAD,), jnp.float32),
            pltpu.SemaphoreType.DMA,
        ],
    )


def _sc_scatter_body(ei_hbm, xs_hbm, out_hbm, dst_v, ss0, ss1,
                     r0, r1, acc_sh, g0, g1, i0, i1, s0, s1):
    cid = lax.axis_index("c")
    sid = lax.axis_index("s")
    wid = cid * NS + sid
    sidx = [ss0, ss1]
    bufs = [r0, r1]
    gsems = [g0, g1]
    isems = [i0, i1]
    ssems = [s0, s1]

    _zero_vmem_rows(r0, CHUNK)

    base = sid * ROWS_PER_TILE
    for t in range(ROWS_PER_TILE // CHUNK):
        pltpu.async_copy(r0, acc_sh.at[pl.ds(base + t * CHUNK, CHUNK)], s0)

    pltpu.sync_copy(ei_hbm.at[1, wid], dst_v)
    for b in range(2):
        pltpu.async_copy(ei_hbm.at[0, wid, b], sidx[b], isems[b])
    for t in range(ROWS_PER_TILE // CHUNK):
        pltpu.make_async_copy(r0, acc_sh.at[pl.ds(base + t * CHUNK, CHUNK)], s0).wait()
    plsc.subcore_barrier()

    for b in range(2):
        pltpu.make_async_copy(ei_hbm.at[0, wid, b], sidx[b], isems[b]).wait()
        pltpu.async_copy(xs_hbm.at[sidx[b]], bufs[b], gsems[b])
    for b in range(2):
        pltpu.make_async_copy(xs_hbm.at[sidx[b]], bufs[b], gsems[b]).wait()
        pltpu.async_copy(ei_hbm.at[0, wid, b + 2], sidx[b], isems[b])
        pltpu.async_copy(bufs[b], acc_sh.at[dst_v.at[b]], ssems[b], add=True)

    @pl.loop(1, NCH // 2 - 1)
    def _(i):
        for b in range(2):
            j = 2 * i + b
            pltpu.make_async_copy(
                bufs[b], acc_sh.at[dst_v.at[j - 2]], ssems[b]
            ).wait()
            pltpu.make_async_copy(ei_hbm.at[0, wid, j], sidx[b], isems[b]).wait()
            pltpu.async_copy(xs_hbm.at[sidx[b]], bufs[b], gsems[b])
        for b in range(2):
            j = 2 * i + b
            pltpu.make_async_copy(xs_hbm.at[sidx[b]], bufs[b], gsems[b]).wait()
            pltpu.async_copy(ei_hbm.at[0, wid, j + 2], sidx[b], isems[b])
            pltpu.async_copy(bufs[b], acc_sh.at[dst_v.at[j]], ssems[b], add=True)

    ilast = NCH - 2
    for b in range(2):
        pltpu.make_async_copy(
            bufs[b], acc_sh.at[dst_v.at[ilast + b - 2]], ssems[b]
        ).wait()
        pltpu.make_async_copy(ei_hbm.at[0, wid, ilast + b], sidx[b], isems[b]).wait()
        pltpu.async_copy(xs_hbm.at[sidx[b]], bufs[b], gsems[b])
    for b in range(2):
        pltpu.make_async_copy(xs_hbm.at[sidx[b]], bufs[b], gsems[b]).wait()
        pltpu.async_copy(bufs[b], acc_sh.at[dst_v.at[ilast + b]], ssems[b], add=True)
    for b in range(2):
        pltpu.make_async_copy(bufs[b], acc_sh.at[dst_v.at[ilast + b]], ssems[b]).wait()

    plsc.subcore_barrier()
    pltpu.sync_copy(
        acc_sh.at[pl.ds(base, ROWS_PER_TILE)],
        out_hbm.at[cid, pl.ds(base, ROWS_PER_TILE)],
    )


@functools.cache
def _get_sc_scatter():
    mesh = plsc.VectorSubcoreMesh(core_axis_name="c", subcore_axis_name="s")
    return pl.kernel(
        _sc_scatter_body,
        out_type=jax.ShapeDtypeStruct((NC, NPAD, D), jnp.float32),
        mesh=mesh,
        scratch_types=[
            pltpu.VMEM((NCH, CHUNK), jnp.int32),
            pltpu.VMEM((CHUNK,), jnp.int32),
            pltpu.VMEM((CHUNK,), jnp.int32),
            pltpu.VMEM((CHUNK, D), jnp.float32),
            pltpu.VMEM((CHUNK, D), jnp.float32),
            pltpu.VMEM_SHARED((NPAD, D), jnp.float32),
            pltpu.SemaphoreType.DMA,
            pltpu.SemaphoreType.DMA,
            pltpu.SemaphoreType.DMA,
            pltpu.SemaphoreType.DMA,
            pltpu.SemaphoreType.DMA,
            pltpu.SemaphoreType.DMA,
        ],
    )


def _tc_first_body(cnt_ref, x_ref, w_ref, xs_ref, dinv_ref):
    i = pl.program_id(0)
    cnt = cnt_ref[0, 0, 0, :] + cnt_ref[1, 0, 0, :] + 1.0
    row = i * 128 + lax.broadcasted_iota(jnp.int32, (128,), 0)
    dinv = jnp.where(row < N, lax.rsqrt(cnt), 0.0)
    dinv_ref[0, 0, :] = dinv
    xw = jnp.dot(x_ref[...], w_ref[...], preferred_element_type=jnp.float32)
    xs_ref[...] = xw * dinv[:, None]


def _tc_first(cnt, xpad, W1):
    cnt3 = cnt.reshape(NC, NBLK, 1, 128)
    return pl.pallas_call(
        _tc_first_body,
        grid=(NBLK,),
        in_specs=[
            pl.BlockSpec((NC, 1, 1, 128), lambda i: (0, i, 0, 0)),
            pl.BlockSpec((128, D), lambda i: (i, 0)),
            pl.BlockSpec((D, D), lambda i: (0, 0)),
        ],
        out_specs=[
            pl.BlockSpec((128, D), lambda i: (i, 0)),
            pl.BlockSpec((1, 1, 128), lambda i: (i, 0, 0)),
        ],
        out_shape=[
            jax.ShapeDtypeStruct((NPAD, D), jnp.float32),
            jax.ShapeDtypeStruct((NBLK, 1, 128), jnp.float32),
        ],
    )(cnt3, xpad, W1)


def _tc_mid_body(acc_ref, xs_ref, dinv_ref, b_ref, w_ref, xs2_ref):
    dinv = dinv_ref[0, 0, :][:, None]
    h = acc_ref[0] + acc_ref[1] + xs_ref[...]
    h = jax.nn.relu(h * dinv + b_ref[0, :][None, :])
    xw = jnp.dot(h, w_ref[...], preferred_element_type=jnp.float32)
    xs2_ref[...] = xw * dinv


def _tc_mid(acc, xs, dinv, b, W):
    return pl.pallas_call(
        _tc_mid_body,
        grid=(NBLK,),
        in_specs=[
            pl.BlockSpec((NC, 128, D), lambda i: (0, i, 0)),
            pl.BlockSpec((128, D), lambda i: (i, 0)),
            pl.BlockSpec((1, 1, 128), lambda i: (i, 0, 0)),
            pl.BlockSpec((1, D), lambda i: (0, 0)),
            pl.BlockSpec((D, D), lambda i: (0, 0)),
        ],
        out_specs=pl.BlockSpec((128, D), lambda i: (i, 0)),
        out_shape=jax.ShapeDtypeStruct((NPAD, D), jnp.float32),
    )(acc, xs, dinv, b.reshape(1, D), W)


def _tc_last_body(acc_ref, xs_ref, dinv_ref, b_ref, batch_ref,
                  wl1_ref, bl1_ref, wl2_ref, bl2_ref, out_ref,
                  pool_ref, cnt_ref):
    i = pl.program_id(0)

    @pl.when(i == 0)
    def _():
        pool_ref[...] = jnp.zeros((G, D), jnp.float32)
        cnt_ref[...] = jnp.zeros((G, 128), jnp.float32)

    dinv = dinv_ref[0, 0, :][:, None]
    h = acc_ref[0] + acc_ref[1] + xs_ref[...]
    h = jax.nn.relu(h * dinv + b_ref[0, :][None, :])
    ids = batch_ref[0, 0, :]
    p = (ids[:, None] == lax.broadcasted_iota(jnp.int32, (128, G), 1)).astype(
        jnp.float32
    )
    pool_ref[...] += jnp.dot(p.T, h, preferred_element_type=jnp.float32)
    cnt_ref[...] += jnp.dot(
        p.T, jnp.ones((128, 128), jnp.float32), preferred_element_type=jnp.float32
    )

    @pl.when(i == pl.num_programs(0) - 1)
    def _():
        cnt = jnp.maximum(cnt_ref[:, 0:1], 1.0)
        g = pool_ref[...] / cnt
        g = jax.nn.relu(
            jnp.dot(g, wl1_ref[...], preferred_element_type=jnp.float32)
            + bl1_ref[0, :][None, :]
        )
        out_ref[...] = (
            jnp.dot(g, wl2_ref[...], preferred_element_type=jnp.float32)
            + bl2_ref[0, :][None, :]
        )


def _tc_last(acc, xs, dinv, b, batch3, Wl1, bl1, Wl2p, bl2p):
    return pl.pallas_call(
        _tc_last_body,
        grid=(NBLK,),
        in_specs=[
            pl.BlockSpec((NC, 128, D), lambda i: (0, i, 0)),
            pl.BlockSpec((128, D), lambda i: (i, 0)),
            pl.BlockSpec((1, 1, 128), lambda i: (i, 0, 0)),
            pl.BlockSpec((1, D), lambda i: (0, 0)),
            pl.BlockSpec((1, 1, 128), lambda i: (i, 0, 0)),
            pl.BlockSpec((D, D), lambda i: (0, 0)),
            pl.BlockSpec((1, D), lambda i: (0, 0)),
            pl.BlockSpec((D, 128), lambda i: (0, 0)),
            pl.BlockSpec((1, 128), lambda i: (0, 0)),
        ],
        out_specs=pl.BlockSpec((G, 128), lambda i: (0, 0)),
        out_shape=jax.ShapeDtypeStruct((G, 128), jnp.float32),
        scratch_shapes=[
            pltpu.VMEM((G, D), jnp.float32),
            pltpu.VMEM((G, 128), jnp.float32),
        ],
    )(acc, xs, dinv, b.reshape(1, D), batch3, Wl1, bl1.reshape(1, D), Wl2p, bl2p)


def kernel(x, edge_index, batch, W1, b1, W2, b2, Wl1, bl1, Wl2, bl2):
    xpad = jnp.pad(x, ((0, NPAD - N), (0, 0)))
    ei = edge_index.astype(jnp.int32)
    pad_idx = N + jnp.arange(EPAD - E, dtype=jnp.int32) % (NPAD - N)
    ei = jnp.concatenate([ei, jnp.broadcast_to(pad_idx, (2, EPAD - E))], axis=1)
    ei4 = ei.reshape(2, NW, NCH, CHUNK)
    batch3 = jnp.pad(batch.astype(jnp.int32), (0, NPAD - N), constant_values=-1)
    batch3 = batch3.reshape(NBLK, 1, 128)
    Wl2p = jnp.pad(Wl2, ((0, 0), (0, 128 - N_CLS)))
    bl2p = jnp.pad(bl2, (0, 128 - N_CLS)).reshape(1, 128)

    sc_count = _get_sc_count()
    sc_scatter = _get_sc_scatter()
    cnt = sc_count(ei4)
    xs1, dinv = _tc_first(cnt, xpad, W1)

    acc1 = sc_scatter(ei4, xs1)
    xs2 = _tc_mid(acc1, xs1, dinv, b1, W2)
    acc2 = sc_scatter(ei4, xs2)
    out = _tc_last(acc2, xs2, dinv, b2, batch3, Wl1, bl1, Wl2p, bl2p)
    return out[:, :N_CLS]

# --- scband reference (transcript-rebuilt; emitter-appended) ---
"""Pipeline reference for scband-simple-gnn-90718299226218 (READ-ONLY COPY).

The authoritative reference and input builder live on the scoring server;
editing this copy changes nothing except your own understanding.
"""

import jax, jax.numpy as jnp
import numpy as np

N = 10000
E = 320000
D_IN = 128
D_HID = 128
D_OUT = 128
N_CLS = 10
N_GRAPHS = 64


def setup_inputs(seed: int = 0) -> dict:
    key = jax.random.key(seed)
    ks = jax.random.split(key, 12)
    x = jax.random.normal(ks[0], (N, D_IN), dtype=jnp.float32)
    edge_index = jax.random.randint(ks[1], (2, E), 0, N, dtype=jnp.int64)
    batch = jnp.sort(jax.random.randint(ks[2], (N,), 0, N_GRAPHS, dtype=jnp.int64))
    # GCNConv weights (glorot-ish scale)
    W1 = jax.random.normal(ks[3], (D_IN, D_HID), dtype=jnp.float32) * (1.0 / np.sqrt(D_IN))
    b1 = jnp.zeros((D_HID,), dtype=jnp.float32)
    W2 = jax.random.normal(ks[4], (D_HID, D_OUT), dtype=jnp.float32) * (1.0 / np.sqrt(D_HID))
    b2 = jnp.zeros((D_OUT,), dtype=jnp.float32)
    Wl1 = jax.random.normal(ks[5], (D_OUT, D_OUT), dtype=jnp.float32) * (1.0 / np.sqrt(D_OUT))
    bl1 = jnp.zeros((D_OUT,), dtype=jnp.float32)
    Wl2 = jax.random.normal(ks[6], (D_OUT, N_CLS), dtype=jnp.float32) * (1.0 / np.sqrt(D_OUT))
    bl2 = jnp.zeros((N_CLS,), dtype=jnp.float32)
    return {"x": x, "edge_index": edge_index, "batch": batch,
            "W1": W1, "b1": b1, "W2": W2, "b2": b2,
            "Wl1": Wl1, "bl1": bl1, "Wl2": Wl2, "bl2": bl2}


def _gcn_conv(x, edge_index, W, b):
    n = x.shape[0]
    src = edge_index[0]
    dst = edge_index[1]
    # add self-loops (PyG GCNConv default add_self_loops=True)
    loop = jnp.arange(n, dtype=src.dtype)
    src = jnp.concatenate([src, loop])
    dst = jnp.concatenate([dst, loop])
    xw = x @ W
    # symmetric normalization D^{-1/2} A_hat D^{-1/2}
    ones = jnp.ones_like(dst, dtype=jnp.float32)
    deg = jnp.zeros((n,), dtype=jnp.float32).at[dst].add(ones)
    dinv = jnp.where(deg > 0, deg ** -0.5, 0.0)
    norm = dinv[src] * dinv[dst]
    msg = xw[src] * norm[:, None]
    out = jnp.zeros((n, xw.shape[1]), dtype=xw.dtype).at[dst].add(msg)
    return out + b


def _global_mean_pool(x, batch, num_graphs):
    s = jax.ops.segment_sum(x, batch, num_segments=num_graphs)
    cnt = jax.ops.segment_sum(jnp.ones((x.shape[0],), dtype=x.dtype), batch, num_segments=num_graphs)
    return s / jnp.clip(cnt, 1.0)[:, None]


def reference(x, edge_index, batch, W1, b1, W2, b2, Wl1, bl1, Wl2, bl2):
    h = jax.nn.relu(_gcn_conv(x, edge_index, W1, b1))
    h = jax.nn.relu(_gcn_conv(h, edge_index, W2, b2))
    g = _global_mean_pool(h, batch, N_GRAPHS)
    g = jax.nn.relu(g @ Wl1 + bl1)
    # dropout(p=0.05) is identity in eval mode
    out = g @ Wl2 + bl2
    return out

if __name__ == "__main__":
    import jax
    _d = setup_inputs()
    print(jax.jit(kernel)(*tuple(_d.values())))

</pallas_src>

<mosaic_0001>
#map = affine_map<(d0, d1) -> (0, 0, 0, 0)>
#map1 = affine_map<(d0, d1) -> (0, 0)>
#map2 = affine_map<(d0, d1) -> (0, 0, 0)>
module attributes {stable_mosaic.version = 14 : i64} {
  func.func @_sc_scatter_body(%arg0: i32, %arg1: i32, %arg2: memref<2x32x80x128xi32, #tpu.memory_space<hbm>>, %arg3: memref<10240x128xf32, #tpu.memory_space<hbm>>, %arg4: memref<2x10240x128xf32, #tpu.memory_space<hbm>>, %arg5: memref<80x128xi32, #tpu.memory_space<vmem>>, %arg6: memref<128xi32, #tpu.memory_space<vmem>>, %arg7: memref<128xi32, #tpu.memory_space<vmem>>, %arg8: memref<128x128xf32, #tpu.memory_space<vmem>>, %arg9: memref<128x128xf32, #tpu.memory_space<vmem>>, %arg10: memref<10240x128xf32, #tpu.memory_space<vmem_shared>>, %arg11: memref<!tpu.dma_semaphore, #tpu.memory_space<semaphore_mem>>, %arg12: memref<!tpu.dma_semaphore, #tpu.memory_space<semaphore_mem>>, %arg13: memref<!tpu.dma_semaphore, #tpu.memory_space<semaphore_mem>>, %arg14: memref<!tpu.dma_semaphore, #tpu.memory_space<semaphore_mem>>, %arg15: memref<!tpu.dma_semaphore, #tpu.memory_space<semaphore_mem>>, %arg16: memref<!tpu.dma_semaphore, #tpu.memory_space<semaphore_mem>>) attributes {dimension_semantics = [#tpu.dimension_semantics<core_parallel>, #tpu.dimension_semantics<subcore_parallel>], iteration_bounds = array<i64: 2, 16>, scalar_prefetch = 0 : i64, scratch_operands = 12 : i64, tpu.core_type = #tpu.core_type<sc_vector_subcore>, window_params = [{transform_indices = #map}, {transform_indices = #map1}, {transform_indices = #map2}]} {
    %mul3A = arith.constant 16 : i32
    %mul3A_0 = arith.muli %arg0, %mul3A : i32
    %add3A = arith.addi %mul3A_0, %arg1 : i32
    %broadcast_in_dim3A = arith.constant 0.000000e+00 : f32
    %broadcast_in_dim3A_1 = vector.broadcast %broadcast_in_dim3A : f32 to vector<16xf32>
    %scan3A = arith.constant 0 : i32
    %scan3A_2 = arith.constant 128 : i32
    %scan3A_3 = arith.addi %scan3A, %scan3A_2 : i32
    %scan3A_4 = arith.constant 1 : i32
    scf.for %scan3A_216 = %scan3A to %scan3A_3 step %scan3A_4  : i32 {
      %mul3A_217 = arith.constant 1 : i32
      %mul3A_218 = arith.muli %scan3A_216, %mul3A_217 : i32
      %add3A_219 = arith.constant 0 : i32
      %add3A_220 = arith.addi %add3A_219, %mul3A_218 : i32
      %swap3A = arith.index_cast %add3A_220 : i32 to index
      %swap3A_221 = arith.constant 0 : index
      %swap3A_222 = tpu.vector_load %arg8[%swap3A, %swap3A_221] {strides = array<i32>} : memref<128x128xf32, #tpu.memory_space<vmem>>, vector<1x16xf32>,
      %swap3A_223 = vector.shape_cast %swap3A_222 : vector<1x16xf32> to vector<16xf32>
      %swap3A_224 = vector.shape_cast %broadcast_in_dim3A_1 : vector<16xf32> to vector<1x16xf32>
      tpu.vector_store %arg8[%swap3A, %swap3A_221], %swap3A_224 {strides = array<i32>} : memref<128x128xf32, #tpu.memory_space<vmem>>, vector<1x16xf32>,
      %swap3A_225 = arith.index_cast %add3A_220 : i32 to index
      %swap3A_226 = arith.constant 16 : index
      %swap3A_227 = tpu.vector_load %arg8[%swap3A_225, %swap3A_226] {strides = array<i32>} : memref<128x128xf32, #tpu.memory_space<vmem>>, vector<1x16xf32>,
      %swap3A_228 = vector.shape_cast %swap3A_227 : vector<1x16xf32> to vector<16xf32>
      %swap3A_229 = vector.shape_cast %broadcast_in_dim3A_1 : vector<16xf32> to vector<1x16xf32>
      tpu.vector_store %arg8[%swap3A_225, %swap3A_226], %swap3A_229 {strides = array<i32>} : memref<128x128xf32, #tpu.memory_space<vmem>>, vector<1x16xf32>,
      %swap3A_230 = arith.index_cast %add3A_220 : i32 to index
      %swap3A_231 = arith.constant 32 : index
      %swap3A_232 = tpu.vector_load %arg8[%swap3A_230, %swap3A_231] {strides = array<i32>} : memref<128x128xf32, #tpu.memory_space<vmem>>, vector<1x16xf32>,
      %swap3A_233 = vector.shape_cast %swap3A_232 : vector<1x16xf32> to vector<16xf32>
      %swap3A_234 = vector.shape_cast %broadcast_in_dim3A_1 : vector<16xf32> to vector<1x16xf32>
      tpu.vector_store %arg8[%swap3A_230, %swap3A_231], %swap3A_234 {strides = array<i32>} : memref<128x128xf32, #tpu.memory_space<vmem>>, vector<1x16xf32>,
      %swap3A_235 = arith.index_cast %add3A_220 : i32 to index
      %swap3A_236 = arith.constant 48 : index
      %swap3A_237 = tpu.vector_load %arg8[%swap3A_235, %swap3A_236] {strides = array<i32>} : memref<128x128xf32, #tpu.memory_space<vmem>>, vector<1x16xf32>,
      %swap3A_238 = vector.shape_cast %swap3A_237 : vector<1x16xf32> to vector<16xf32>
      %swap3A_239 = vector.shape_cast %broadcast_in_dim3A_1 : vector<16xf32> to vector<1x16xf32>
      tpu.vector_store %arg8[%swap3A_235, %swap3A_236], %swap3A_239 {strides = array<i32>} : memref<128x128xf32, #tpu.memory_space<vmem>>, vector<1x16xf32>,
      %swap3A_240 = arith.index_cast %add3A_220 : i32 to index
      %swap3A_241 = arith.constant 64 : index
      %swap3A_242 = tpu.vector_load %arg8[%swap3A_240, %swap3A_241] {strides = array<i32>} : memref<128x128xf32, #tpu.memory_space<vmem>>, vector<1x16xf32>,
      %swap3A_243 = vector.shape_cast %swap3A_242 : vector<1x16xf32> to vector<16xf32>
      %swap3A_244 = vector.shape_cast %broadcast_in_dim3A_1 : vector<16xf32> to vector<1x16xf32>
      tpu.vector_store %arg8[%swap3A_240, %swap3A_241], %swap3A_244 {strides = array<i32>} : memref<128x128xf32, #tpu.memory_space<vmem>>, vector<1x16xf32>,
      %swap3A_245 = arith.index_cast %add3A_220 : i32 to index
      %swap3A_246 = arith.constant 80 : index
      %swap3A_247 = tpu.vector_load %arg8[%swap3A_245, %swap3A_246] {strides = array<i32>} : memref<128x128xf32, #tpu.memory_space<vmem>>, vector<1x16xf32>,
      %swap3A_248 = vector.shape_cast %swap3A_247 : vector<1x16xf32> to vector<16xf32>
      %swap3A_249 = vector.shape_cast %broadcast_in_dim3A_1 : vector<16xf32> to vector<1x16xf32>
      tpu.vector_store %arg8[%swap3A_245, %swap3A_246], %swap3A_249 {strides = array<i32>} : memref<128x128xf32, #tpu.memory_space<vmem>>, vector<1x16xf32>,
      %swap3A_250 = arith.index_cast %add3A_220 : i32 to index
      %swap3A_251 = arith.constant 96 : index
      %swap3A_252 = tpu.vector_load %arg8[%swap3A_250, %swap3A_251] {strides = array<i32>} : memref<128x128xf32, #tpu.memory_space<vmem>>, vector<1x16xf32>,
      %swap3A_253 = vector.shape_cast %swap3A_252 : vector<1x16xf32> to vector<16xf32>
      %swap3A_254 = vector.shape_cast %broadcast_in_dim3A_1 : vector<16xf32> to vector<1x16xf32>
      tpu.vector_store %arg8[%swap3A_250, %swap3A_251], %swap3A_254 {strides = array<i32>} : memref<128x128xf32, #tpu.memory_space<vmem>>, vector<1x16xf32>,
      %swap3A_255 = arith.index_cast %add3A_220 : i32 to index
      %swap3A_256 = arith.constant 112 : index
      %swap3A_257 = tpu.vector_load %arg8[%swap3A_255, %swap3A_256] {strides = array<i32>} : memref<128x128xf32, #tpu.memory_space<vmem>>, vector<1x16xf32>,
      %swap3A_258 = vector.shape_cast %swap3A_257 : vector<1x16xf32> to vector<16xf32>
      %swap3A_259 = vector.shape_cast %broadcast_in_dim3A_1 : vector<16xf32> to vector<1x16xf32>
      tpu.vector_store %arg8[%swap3A_255, %swap3A_256], %swap3A_259 {strides = array<i32>} : memref<128x128xf32, #tpu.memory_space<vmem>>, vector<1x16xf32>,
    }
    %scan3A_5 = arith.constant 128 : i32
    %mul3A_6 = arith.constant 640 : i32
    %mul3A_7 = arith.muli %arg1, %mul3A_6 : i32
    %add3A_8 = arith.constant 0 : i32
    %add3A_9 = arith.addi %mul3A_7, %add3A_8 : i32
    %dma_start3A = arith.constant 0 : i32
    %dma_start3A_10 = tpu.memref_slice %arg10[%add3A_9, %dma_start3A] : memref<10240x128xf32, #tpu.memory_space<vmem_shared>> -> memref<128x128xf32, #tpu.memory_space<vmem_shared>>
    %dma_start3A_11 = arith.constant 0 : i32
    %dma_start3A_12 = tpu.memref_slice %arg10[%add3A_9, %dma_start3A_11] : memref<10240x128xf32, #tpu.memory_space<vmem_shared>> -> memref<128x128xf32, #tpu.memory_space<vmem_shared>>
    tpu.enqueue_dma source(%arg8 : memref<128x128xf32, #tpu.memory_space<vmem>>) target(%dma_start3A_12 : memref<128x128xf32, #tpu.memory_space<vmem_shared>>) target_semaphore(%arg15 : memref<!tpu.dma_semaphore, #tpu.memory_space<semaphore_mem>>)
    %add3A_13 = arith.constant 128 : i32
    %add3A_14 = arith.addi %mul3A_7, %add3A_13 : i32
    %dma_start3A_15 = arith.constant 0 : i32
    %dma_start3A_16 = tpu.memref_slice %arg10[%add3A_14, %dma_start3A_15] : memref<10240x128xf32, #tpu.memory_space<vmem_shared>> -> memref<128x128xf32, #tpu.memory_space<vmem_shared>>
    %dma_start3A_17 = arith.constant 0 : i32
    %dma_start3A_18 = tpu.memref_slice %arg10[%add3A_14, %dma_start3A_17] : memref<10240x128xf32, #tpu.memory_space<vmem_shared>> -> memref<128x128xf32, #tpu.memory_space<vmem_shared>>
    tpu.enqueue_dma source(%arg8 : memref<128x128xf32, #tpu.memory_space<vmem>>) target(%dma_start3A_18 : memref<128x128xf32, #tpu.memory_space<vmem_shared>>) target_semaphore(%arg15 : memref<!tpu.dma_semaphore, #tpu.memory_space<semaphore_mem>>)
    %add3A_19 = arith.constant 256 : i32
    %add3A_20 = arith.addi %mul3A_7, %add3A_19 : i32
    %dma_start3A_21 = arith.constant 0 : i32
    %dma_start3A_22 = tpu.memref_slice %arg10[%add3A_20, %dma_start3A_21] : memref<10240x128xf32, #tpu.memory_space<vmem_shared>> -> memref<128x128xf32, #tpu.memory_space<vmem_shared>>
    %dma_start3A_23 = arith.constant 0 : i32
    %dma_start3A_24 = tpu.memref_slice %arg10[%add3A_20, %dma_start3A_23] : memref<10240x128xf32, #tpu.memory_space<vmem_shared>> -> memref<128x128xf32, #tpu.memory_space<vmem_shared>>
    tpu.enqueue_dma source(%arg8 : memref<128x128xf32, #tpu.memory_space<vmem>>) target(%dma_start3A_24 : memref<128x128xf32, #tpu.memory_space<vmem_shared>>) target_semaphore(%arg15 : memref<!tpu.dma_semaphore, #tpu.memory_space<semaphore_mem>>)
    %add3A_25 = arith.constant 384 : i32
    %add3A_26 = arith.addi %mul3A_7, %add3A_25 : i32
    %dma_start3A_27 = arith.constant 0 : i32
    %dma_start3A_28 = tpu.memref_slice %arg10[%add3A_26, %dma_start3A_27] : memref<10240x128xf32, #tpu.memory_space<vmem_shared>> -> memref<128x128xf32, #tpu.memory_space<vmem_shared>>
    %dma_start3A_29 = arith.constant 0 : i32
    %dma_start3A_30 = tpu.memref_slice %arg10[%add3A_26, %dma_start3A_29] : memref<10240x128xf32, #tpu.memory_space<vmem_shared>> -> memref<128x128xf32, #tpu.memory_space<vmem_shared>>
    tpu.enqueue_dma source(%arg8 : memref<128x128xf32, #tpu.memory_space<vmem>>) target(%dma_start3A_30 : memref<128x128xf32, #tpu.memory_space<vmem_shared>>) target_semaphore(%arg15 : memref<!tpu.dma_semaphore, #tpu.memory_space<semaphore_mem>>)
    %add3A_31 = arith.constant 512 : i32
    %add3A_32 = arith.addi %mul3A_7, %add3A_31 : i32
    %dma_start3A_33 = arith.constant 0 : i32
    %dma_start3A_34 = tpu.memref_slice %arg10[%add3A_32, %dma_start3A_33] : memref<10240x128xf32, #tpu.memory_space<vmem_shared>> -> memref<128x128xf32, #tpu.memory_space<vmem_shared>>
    %dma_start3A_35 = arith.constant 0 : i32
    %dma_start3A_36 = tpu.memref_slice %arg10[%add3A_32, %dma_start3A_35] : memref<10240x128xf32, #tpu.memory_space<vmem_shared>> -> memref<128x128xf32, #tpu.memory_space<vmem_shared>>
    tpu.enqueue_dma source(%arg8 : memref<128x128xf32, #tpu.memory_space<vmem>>) target(%dma_start3A_36 : memref<128x128xf32, #tpu.memory_space<vmem_shared>>) target_semaphore(%arg15 : memref<!tpu.dma_semaphore, #tpu.memory_space<semaphore_mem>>)
    %run_scoped3A = arith.constant 1 : i32
    "tpu.region"() ({
      %run_scoped3A_216 = tpu.sem_alloc : memref<!tpu.dma_semaphore, #tpu.memory_space<semaphore_mem>>
      %dma_start3A_217 = arith.constant 0 : i32
      %dma_start3A_218 = arith.constant 0 : i32
      %dma_start3A_219 = tpu.memref_slice %arg2[%run_scoped3A, %add3A, %dma_start3A_217, %dma_start3A_218] : memref<2x32x80x128xi32, #tpu.memory_space<hbm>> -> memref<1x1x80x128xi32, #tpu.memory_space<hbm>>
      %dma_start3A_220 = tpu.memref_squeeze %dma_start3A_219 : memref<1x1x80x128xi32, #tpu.memory_space<hbm>> -> memref<80x128xi32, #tpu.memory_space<hbm>>
      %dma_start3A_221 = arith.constant 0 : i32
      %dma_start3A_222 = arith.constant 0 : i32
      %dma_start3A_223 = tpu.memref_slice %arg2[%run_scoped3A, %add3A, %dma_start3A_221, %dma_start3A_222] : memref<2x32x80x128xi32, #tpu.memory_space<hbm>> -> memref<1x1x80x128xi32, #tpu.memory_space<hbm>>
      %dma_start3A_224 = tpu.memref_squeeze %dma_start3A_223 : memref<1x1x80x128xi32, #tpu.memory_space<hbm>> -> memref<80x128xi32, #tpu.memory_space<hbm>>
      tpu.enqueue_dma source(%dma_start3A_224 : memref<80x128xi32, #tpu.memory_space<hbm>>) target(%arg5 : memref<80x128xi32, #tpu.memory_space<vmem>>) target_semaphore(%run_scoped3A_216 : memref<!tpu.dma_semaphore, #tpu.memory_space<semaphore_mem>>)
      %dma_wait3A_225 = arith.constant 0 : i32
      %dma_wait3A_226 = arith.constant 0 : i32
      %dma_wait3A_227 = tpu.memref_slice %arg2[%run_scoped3A, %add3A, %dma_wait3A_225, %dma_wait3A_226] : memref<2x32x80x128xi32, #tpu.memory_space<hbm>> -> memref<1x1x80x128xi32, #tpu.memory_space<hbm>>
      %dma_wait3A_228 = tpu.memref_squeeze %dma_wait3A_227 : memref<1x1x80x128xi32, #tpu.memory_space<hbm>> -> memref<80x128xi32, #tpu.memory_space<hbm>>
      %dma_wait3A_229 = arith.constant 0 : i32
      %dma_wait3A_230 = arith.constant 0 : i32
      %dma_wait3A_231 = tpu.memref_slice %arg2[%run_scoped3A, %add3A, %dma_wait3A_229, %dma_wait3A_230] : memref<2x32x80x128xi32, #tpu.memory_space<hbm>> -> memref<1x1x80x128xi32, #tpu.memory_space<hbm>>
      %dma_wait3A_232 = tpu.memref_squeeze %dma_wait3A_231 : memref<1x1x80x128xi32, #tpu.memory_space<hbm>> -> memref<80x128xi32, #tpu.memory_space<hbm>>
      tpu.wait_dma2 semaphore(%run_scoped3A_216 : memref<!tpu.dma_semaphore, #tpu.memory_space<semaphore_mem>>) src(%dma_wait3A_232 : memref<80x128xi32, #tpu.memory_space<hbm>>) dst(%arg5 : memref<80x128xi32, #tpu.memory_space<vmem>>)
      tpu.yield
    }) : () -> ()
    %dma_start3A_37 = arith.constant 0 : i32
    %dma_start3A_38 = arith.constant 0 : i32
    %dma_start3A_39 = arith.constant 0 : i32
    %dma_start3A_40 = tpu.memref_slice %arg2[%dma_start3A_37, %add3A, %dma_start3A_38, %dma_start3A_39] : memref<2x32x80x128xi32, #tpu.memory_space<hbm>> -> memref<1x1x1x128xi32, #tpu.memory_space<hbm>>
    %dma_start3A_41 = tpu.memref_squeeze %dma_start3A_40 : memref<1x1x1x128xi32, #tpu.memory_space<hbm>> -> memref<128xi32, #tpu.memory_space<hbm>>
    %dma_start3A_42 = arith.constant 0 : i32
    %dma_start3A_43 = tpu.memref_slice %arg2[%dma_start3A_37, %add3A, %dma_start3A_38, %dma_start3A_42] : memref<2x32x80x128xi32, #tpu.memory_space<hbm>> -> memref<1x1x1x128xi32, #tpu.memory_space<hbm>>
    %dma_start3A_44 = tpu.memref_squeeze %dma_start3A_43 : memref<1x1x1x128xi32, #tpu.memory_space<hbm>> -> memref<128xi32, #tpu.memory_space<hbm>>
    tpu.enqueue_dma source(%dma_start3A_44 : memref<128xi32, #tpu.memory_space<hbm>>) target(%arg6 : memref<128xi32, #tpu.memory_space<vmem>>) target_semaphore(%arg13 : memref<!tpu.dma_semaphore, #tpu.memory_space<semaphore_mem>>)
    %dma_start3A_45 = arith.constant 0 : i32
    %dma_start3A_46 = arith.constant 1 : i32
    %dma_start3A_47 = arith.constant 0 : i32
    %dma_start3A_48 = tpu.memref_slice %arg2[%dma_start3A_45, %add3A, %dma_start3A_46, %dma_start3A_47] : memref<2x32x80x128xi32, #tpu.memory_space<hbm>> -> memref<1x1x1x128xi32, #tpu.memory_space<hbm>>
    %dma_start3A_49 = tpu.memref_squeeze %dma_start3A_48 : memref<1x1x1x128xi32, #tpu.memory_space<hbm>> -> memref<128xi32, #tpu.memory_space<hbm>>
    %dma_start3A_50 = arith.constant 0 : i32
    %dma_start3A_51 = tpu.memref_slice %arg2[%dma_start3A_45, %add3A, %dma_start3A_46, %dma_start3A_50] : memref<2x32x80x128xi32, #tpu.memory_space<hbm>> -> memref<1x1x1x128xi32, #tpu.memory_space<hbm>>
    %dma_start3A_52 = tpu.memref_squeeze %dma_start3A_51 : memref<1x1x1x128xi32, #tpu.memory_space<hbm>> -> memref<128xi32, #tpu.memory_space<hbm>>
    tpu.enqueue_dma source(%dma_start3A_52 : memref<128xi32, #tpu.memory_space<hbm>>) target(%arg7 : memref<128xi32, #tpu.memory_space<vmem>>) target_semaphore(%arg14 : memref<!tpu.dma_semaphore, #tpu.memory_space<semaphore_mem>>)
    %add3A_53 = arith.constant 0 : i32
    %add3A_54 = arith.addi %mul3A_7, %add3A_53 : i32
    %dma_wait3A = arith.constant 0 : i32
    %dma_wait3A_55 = tpu.memref_slice %arg10[%add3A_54, %dma_wait3A] : memref<10240x128xf32, #tpu.memory_space<vmem_shared>> -> memref<128x128xf32, #tpu.memory_space<vmem_shared>>
    %dma_wait3A_56 = arith.constant 0 : i32
    %dma_wait3A_57 = tpu.memref_slice %arg10[%add3A_54, %dma_wait3A_56] : memref<10240x128xf32, #tpu.memory_space<vmem_shared>> -> memref<128x128xf32, #tpu.memory_space<vmem_shared>>
    tpu.wait_dma2 semaphore(%arg15 : memref<!tpu.dma_semaphore, #tpu.memory_space<semaphore_mem>>) src(%arg8 : memref<128x128xf32, #tpu.memory_space<vmem>>) dst(%dma_wait3A_57 : memref<128x128xf32, #tpu.memory_space<vmem_shared>>)
    %add3A_58 = arith.constant 128 : i32
    %add3A_59 = arith.addi %mul3A_7, %add3A_58 : i32
    %dma_wait3A_60 = arith.constant 0 : i32
    %dma_wait3A_61 = tpu.memref_slice %arg10[%add3A_59, %dma_wait3A_60] : memref<10240x128xf32, #tpu.memory_space<vmem_shared>> -> memref<128x128xf32, #tpu.memory_space<vmem_shared>>
    %dma_wait3A_62 = arith.constant 0 : i32
    %dma_wait3A_63 = tpu.memref_slice %arg10[%add3A_59, %dma_wait3A_62] : memref<10240x128xf32, #tpu.memory_space<vmem_shared>> -> memref<128x128xf32, #tpu.memory_space<vmem_shared>>
    tpu.wait_dma2 semaphore(%arg15 : memref<!tpu.dma_semaphore, #tpu.memory_space<semaphore_mem>>) src(%arg8 : memref<128x128xf32, #tpu.memory_space<vmem>>) dst(%dma_wait3A_63 : memref<128x128xf32, #tpu.memory_space<vmem_shared>>)
    %add3A_64 = arith.constant 256 : i32
    %add3A_65 = arith.addi %mul3A_7, %add3A_64 : i32
    %dma_wait3A_66 = arith.constant 0 : i32
    %dma_wait3A_67 = tpu.memref_slice %arg10[%add3A_65, %dma_wait3A_66] : memref<10240x128xf32, #tpu.memory_space<vmem_shared>> -> memref<128x128xf32, #tpu.memory_space<vmem_shared>>
    %dma_wait3A_68 = arith.constant 0 : i32
    %dma_wait3A_69 = tpu.memref_slice %arg10[%add3A_65, %dma_wait3A_68] : memref<10240x128xf32, #tpu.memory_space<vmem_shared>> -> memref<128x128xf32, #tpu.memory_space<vmem_shared>>
    tpu.wait_dma2 semaphore(%arg15 : memref<!tpu.dma_semaphore, #tpu.memory_space<semaphore_mem>>) src(%arg8 : memref<128x128xf32, #tpu.memory_space<vmem>>) dst(%dma_wait3A_69 : memref<128x128xf32, #tpu.memory_space<vmem_shared>>)
    %add3A_70 = arith.constant 384 : i32
    %add3A_71 = arith.addi %mul3A_7, %add3A_70 : i32
    %dma_wait3A_72 = arith.constant 0 : i32
    %dma_wait3A_73 = tpu.memref_slice %arg10[%add3A_71, %dma_wait3A_72] : memref<10240x128xf32, #tpu.memory_space<vmem_shared>> -> memref<128x128xf32, #tpu.memory_space<vmem_shared>>
    %dma_wait3A_74 = arith.constant 0 : i32
    %dma_wait3A_75 = tpu.memref_slice %arg10[%add3A_71, %dma_wait3A_74] : memref<10240x128xf32, #tpu.memory_space<vmem_shared>> -> memref<128x128xf32, #tpu.memory_space<vmem_shared>>
    tpu.wait_dma2 semaphore(%arg15 : memref<!tpu.dma_semaphore, #tpu.memory_space<semaphore_mem>>) src(%arg8 : memref<128x128xf32, #tpu.memory_space<vmem>>) dst(%dma_wait3A_75 : memref<128x128xf32, #tpu.memory_space<vmem_shared>>)
    %add3A_76 = arith.constant 512 : i32
    %add3A_77 = arith.addi %mul3A_7, %add3A_76 : i32
    %dma_wait3A_78 = arith.constant 0 : i32
    %dma_wait3A_79 = tpu.memref_slice %arg10[%add3A_77, %dma_wait3A_78] : memref<10240x128xf32, #tpu.memory_space<vmem_shared>> -> memref<128x128xf32, #tpu.memory_space<vmem_shared>>
    %dma_wait3A_80 = arith.constant 0 : i32
    %dma_wait3A_81 = tpu.memref_slice %arg10[%add3A_77, %dma_wait3A_80] : memref<10240x128xf32, #tpu.memory_space<vmem_shared>> -> memref<128x128xf32, #tpu.memory_space<vmem_shared>>
    tpu.wait_dma2 semaphore(%arg15 : memref<!tpu.dma_semaphore, #tpu.memory_space<semaphore_mem>>) src(%arg8 : memref<128x128xf32, #tpu.memory_space<vmem>>) dst(%dma_wait3A_81 : memref<128x128xf32, #tpu.memory_space<vmem_shared>>)
    %barrier3A = arith.constant 0 : index
    tpu.barrier barrier_id(%barrier3A)
    %dma_wait3A_82 = arith.constant 0 : i32
    %dma_wait3A_83 = arith.constant 0 : i32
    %dma_wait3A_84 = arith.constant 0 : i32
    %dma_wait3A_85 = tpu.memref_slice %arg2[%dma_wait3A_82, %add3A, %dma_wait3A_83, %dma_wait3A_84] : memref<2x32x80x128xi32, #tpu.memory_space<hbm>> -> memref<1x1x1x128xi32, #tpu.memory_space<hbm>>
    %dma_wait3A_86 = tpu.memref_squeeze %dma_wait3A_85 : memref<1x1x1x128xi32, #tpu.memory_space<hbm>> -> memref<128xi32, #tpu.memory_space<hbm>>
    %dma_wait3A_87 = arith.constant 0 : i32
    %dma_wait3A_88 = tpu.memref_slice %arg2[%dma_wait3A_82, %add3A, %dma_wait3A_83, %dma_wait3A_87] : memref<2x32x80x128xi32, #tpu.memory_space<hbm>> -> memref<1x1x1x128xi32, #tpu.memory_space<hbm>>
    %dma_wait3A_89 = tpu.memref_squeeze %dma_wait3A_88 : memref<1x1x1x128xi32, #tpu.memory_space<hbm>> -> memref<128xi32, #tpu.memory_space<hbm>>
    tpu.wait_dma2 semaphore(%arg13 : memref<!tpu.dma_semaphore, #tpu.memory_space<semaphore_mem>>) src(%dma_wait3A_89 : memref<128xi32, #tpu.memory_space<hbm>>) dst(%arg6 : memref<128xi32, #tpu.memory_space<vmem>>)
    %dma_start3A_90 = arith.constant 0 : i32
    %dma_start3A_91 = arith.constant 0 : i32
    %dma_start3A_92 = tpu.memref_slice %arg3[%dma_start3A_90, %dma_start3A_91] : memref<10240x128xf32, #tpu.memory_space<hbm>> -> memref<10240x128xf32, #tpu.memory_space<hbm>>
    tpu.enqueue_indirect_dma source(%dma_start3A_92 : memref<10240x128xf32, #tpu.memory_space<hbm>>) target(%arg8 : memref<128x128xf32, #tpu.memory_space<vmem>>) offsets(%arg6 : memref<128xi32, #tpu.memory_space<vmem>>) semaphore(%arg11 : memref<!tpu.dma_semaphore, #tpu.memory_space<semaphore_mem>>)
    %dma_wait3A_93 = arith.constant 0 : i32
    %dma_wait3A_94 = arith.constant 1 : i32
    %dma_wait3A_95 = arith.constant 0 : i32
    %dma_wait3A_96 = tpu.memref_slice %arg2[%dma_wait3A_93, %add3A, %dma_wait3A_94, %dma_wait3A_95] : memref<2x32x80x128xi32, #tpu.memory_space<hbm>> -> memref<1x1x1x128xi32, #tpu.memory_space<hbm>>
    %dma_wait3A_97 = tpu.memref_squeeze %dma_wait3A_96 : memref<1x1x1x128xi32, #tpu.memory_space<hbm>> -> memref<128xi32, #tpu.memory_space<hbm>>
    %dma_wait3A_98 = arith.constant 0 : i32
    %dma_wait3A_99 = tpu.memref_slice %arg2[%dma_wait3A_93, %add3A, %dma_wait3A_94, %dma_wait3A_98] : memref<2x32x80x128xi32, #tpu.memory_space<hbm>> -> memref<1x1x1x128xi32, #tpu.memory_space<hbm>>
    %dma_wait3A_100 = tpu.memref_squeeze %dma_wait3A_99 : memref<1x1x1x128xi32, #tpu.memory_space<hbm>> -> memref<128xi32, #tpu.memory_space<hbm>>
    tpu.wait_dma2 semaphore(%arg14 : memref<!tpu.dma_semaphore, #tpu.memory_space<semaphore_mem>>) src(%dma_wait3A_100 : memref<128xi32, #tpu.memory_space<hbm>>) dst(%arg7 : memref<128xi32, #tpu.memory_space<vmem>>)
    %dma_start3A_101 = arith.constant 0 : i32
    %dma_start3A_102 = arith.constant 0 : i32
    %dma_start3A_103 = tpu.memref_slice %arg3[%dma_start3A_101, %dma_start3A_102] : memref<10240x128xf32, #tpu.memory_space<hbm>> -> memref<10240x128xf32, #tpu.memory_space<hbm>>
    tpu.enqueue_indirect_dma source(%dma_start3A_103 : memref<10240x128xf32, #tpu.memory_space<hbm>>) target(%arg9 : memref<128x128xf32, #tpu.memory_space<vmem>>) offsets(%arg7 : memref<128xi32, #tpu.memory_space<vmem>>) semaphore(%arg12 : memref<!tpu.dma_semaphore, #tpu.memory_space<semaphore_mem>>)
    %dma_wait3A_104 = arith.constant 0 : i32
    %dma_wait3A_105 = arith.constant 0 : i32
    %dma_wait3A_106 = tpu.memref_slice %arg3[%dma_wait3A_104, %dma_wait3A_105] : memref<10240x128xf32, #tpu.memory_space<hbm>> -> memref<10240x128xf32, #tpu.memory_space<hbm>>
    tpu.wait_indirect_dma semaphore(%arg11 : memref<!tpu.dma_semaphore, #tpu.memory_space<semaphore_mem>>) src(%dma_wait3A_106 : memref<10240x128xf32, #tpu.memory_space<hbm>>) dst(%arg8 : memref<128x128xf32, #tpu.memory_space<vmem>>)
    %dma_start3A_107 = arith.constant 0 : i32
    %dma_start3A_108 = arith.constant 2 : i32
    %dma_start3A_109 = arith.constant 0 : i32
    %dma_start3A_110 = tpu.memref_slice %arg2[%dma_start3A_107, %add3A, %dma_start3A_108, %dma_start3A_109] : memref<2x32x80x128xi32, #tpu.memory_space<hbm>> -> memref<1x1x1x128xi32, #tpu.memory_space<hbm>>
    %dma_start3A_111 = tpu.memref_squeeze %dma_start3A_110 : memref<1x1x1x128xi32, #tpu.memory_space<hbm>> -> memref<128xi32, #tpu.memory_space<hbm>>
    %dma_start3A_112 = arith.constant 0 : i32
    %dma_start3A_113 = tpu.memref_slice %arg2[%dma_start3A_107, %add3A, %dma_start3A_108, %dma_start3A_112] : memref<2x32x80x128xi32, #tpu.memory_space<hbm>> -> memref<1x1x1x128xi32, #tpu.memory_space<hbm>>
    %dma_start3A_114 = tpu.memref_squeeze %dma_start3A_113 : memref<1x1x1x128xi32, #tpu.memory_space<hbm>> -> memref<128xi32, #tpu.memory_space<hbm>>
    tpu.enqueue_dma source(%dma_start3A_114 : memref<128xi32, #tpu.memory_space<hbm>>) target(%arg6 : memref<128xi32, #tpu.memory_space<vmem>>) target_semaphore(%arg13 : memref<!tpu.dma_semaphore, #tpu.memory_space<semaphore_mem>>)
    %dma_start3A_115 = arith.constant 0 : i32
    %dma_start3A_116 = arith.constant 0 : i32
    %dma_start3A_117 = tpu.memref_slice %arg5[%dma_start3A_115, %dma_start3A_116] : memref<80x128xi32, #tpu.memory_space<vmem>> -> memref<1x128xi32, #tpu.memory_space<vmem>>
    %dma_start3A_118 = tpu.memref_squeeze %dma_start3A_117 : memref<1x128xi32, #tpu.memory_space<vmem>> -> memref<128xi32, #tpu.memory_space<vmem>>
    %dma_start3A_119 = arith.constant 0 : i32
    %dma_start3A_120 = arith.constant 0 : i32
    %dma_start3A_121 = tpu.memref_slice %arg10[%dma_start3A_119, %dma_start3A_120] : memref<10240x128xf32, #tpu.memory_space<vmem_shared>> -> memref<10240x128xf32, #tpu.memory_space<vmem_shared>>
    tpu.enqueue_indirect_dma source(%arg8 : memref<128x128xf32, #tpu.memory_space<vmem>>) target(%dma_start3A_121 : memref<10240x128xf32, #tpu.memory_space<vmem_shared>>) offsets(%dma_start3A_118 : memref<128xi32, #tpu.memory_space<vmem>>) semaphore(%arg15 : memref<!tpu.dma_semaphore, #tpu.memory_space<semaphore_mem>>) {add = true}
    %dma_wait3A_122 = arith.constant 0 : i32
    %dma_wait3A_123 = arith.constant 0 : i32
    %dma_wait3A_124 = tpu.memref_slice %arg3[%dma_wait3A_122, %dma_wait3A_123] : memref<10240x128xf32, #tpu.memory_space<hbm>> -> memref<10240x128xf32, #tpu.memory_space<hbm>>
    tpu.wait_indirect_dma semaphore(%arg12 : memref<!tpu.dma_semaphore, #tpu.memory_space<semaphore_mem>>) src(%dma_wait3A_124 : memref<10240x128xf32, #tpu.memory_space<hbm>>) dst(%arg9 : memref<128x128xf32, #tpu.memory_space<vmem>>)
    %dma_start3A_125 = arith.constant 0 : i32
    %dma_start3A_126 = arith.constant 3 : i32
    %dma_start3A_127 = arith.constant 0 : i32
    %dma_start3A_128 = tpu.memref_slice %arg2[%dma_start3A_125, %add3A, %dma_start3A_126, %dma_start3A_127] : memref<2x32x80x128xi32, #tpu.memory_space<hbm>> -> memref<1x1x1x128xi32, #tpu.memory_space<hbm>>
    %dma_start3A_129 = tpu.memref_squeeze %dma_start3A_128 : memref<1x1x1x128xi32, #tpu.memory_space<hbm>> -> memref<128xi32, #tpu.memory_space<hbm>>
    %dma_start3A_130 = arith.constant 0 : i32
    %dma_start3A_131 = tpu.memref_slice %arg2[%dma_start3A_125, %add3A, %dma_start3A_126, %dma_start3A_130] : memref<2x32x80x128xi32, #tpu.memory_space<hbm>> -> memref<1x1x1x128xi32, #tpu.memory_space<hbm>>
    %dma_start3A_132 = tpu.memref_squeeze %dma_start3A_131 : memref<1x1x1x128xi32, #tpu.memory_space<hbm>> -> memref<128xi32, #tpu.memory_space<hbm>>
    tpu.enqueue_dma source(%dma_start3A_132 : memref<128xi32, #tpu.memory_space<hbm>>) target(%arg7 : memref<128xi32, #tpu.memory_space<vmem>>) target_semaphore(%arg14 : memref<!tpu.dma_semaphore, #tpu.memory_space<semaphore_mem>>)
    %dma_start3A_133 = arith.constant 1 : i32
    %dma_start3A_134 = arith.constant 0 : i32
    %dma_start3A_135 = tpu.memref_slice %arg5[%dma_start3A_133, %dma_start3A_134] : memref<80x128xi32, #tpu.memory_space<vmem>> -> memref<1x128xi32, #tpu.memory_space<vmem>>
    %dma_start3A_136 = tpu.memref_squeeze %dma_start3A_135 : memref<1x128xi32, #tpu.memory_space<vmem>> -> memref<128xi32, #tpu.memory_space<vmem>>
    %dma_start3A_137 = arith.constant 0 : i32
    %dma_start3A_138 = arith.constant 0 : i32
    %dma_start3A_139 = tpu.memref_slice %arg10[%dma_start3A_137, %dma_start3A_138] : memref<10240x128xf32, #tpu.memory_space<vmem_shared>> -> memref<10240x128xf32, #tpu.memory_space<vmem_shared>>
    tpu.enqueue_indirect_dma source(%arg9 : memref<128x128xf32, #tpu.memory_space<vmem>>) target(%dma_start3A_139 : memref<10240x128xf32, #tpu.memory_space<vmem_shared>>) offsets(%dma_start3A_136 : memref<128xi32, #tpu.memory_space<vmem>>) semaphore(%arg16 : memref<!tpu.dma_semaphore, #tpu.memory_space<semaphore_mem>>) {add = true}
    %scan3A_140 = arith.constant 0 : i32
    %scan3A_141 = arith.constant 38 : i32
    %scan3A_142 = arith.addi %scan3A_140, %scan3A_141 : i32
    %scan3A_143 = arith.constant 1 : i32
    scf.for %scan3A_216 = %scan3A_140 to %scan3A_142 step %scan3A_143  : i32 {
      %mul3A_217 = arith.constant 1 : i32
      %mul3A_218 = arith.muli %scan3A_216, %mul3A_217 : i32
      %add3A_219 = arith.constant 1 : i32
      %add3A_220 = arith.addi %add3A_219, %mul3A_218 : i32
      %mul3A_221 = arith.constant 2 : i32
      %mul3A_222 = arith.muli %mul3A_221, %add3A_220 : i32
      %add3A_223 = arith.constant 0 : i32
      %add3A_224 = arith.addi %mul3A_222, %add3A_223 : i32
      %sub3A = arith.constant 2 : i32
      %sub3A_225 = arith.subi %add3A_224, %sub3A : i32
      %dma_wait3A_226 = arith.constant 0 : i32
      %dma_wait3A_227 = tpu.memref_slice %arg5[%sub3A_225, %dma_wait3A_226] : memref<80x128xi32, #tpu.memory_space<vmem>> -> memref<1x128xi32, #tpu.memory_space<vmem>>
      %dma_wait3A_228 = tpu.memref_squeeze %dma_wait3A_227 : memref<1x128xi32, #tpu.memory_space<vmem>> -> memref<128xi32, #tpu.memory_space<vmem>>
      %dma_wait3A_229 = arith.constant 0 : i32
      %dma_wait3A_230 = arith.constant 0 : i32
      %dma_wait3A_231 = tpu.memref_slice %arg10[%dma_wait3A_229, %dma_wait3A_230] : memref<10240x128xf32, #tpu.memory_space<vmem_shared>> -> memref<10240x128xf32, #tpu.memory_space<vmem_shared>>
      tpu.wait_indirect_dma semaphore(%arg15 : memref<!tpu.dma_semaphore, #tpu.memory_space<semaphore_mem>>) src(%arg8 : memref<128x128xf32, #tpu.memory_space<vmem>>) dst(%dma_wait3A_231 : memref<10240x128xf32, #tpu.memory_space<vmem_shared>>)
      %dma_wait3A_232 = arith.constant 0 : i32
      %dma_wait3A_233 = arith.constant 0 : i32
      %dma_wait3A_234 = tpu.memref_slice %arg2[%dma_wait3A_232, %add3A, %add3A_224, %dma_wait3A_233] : memref<2x32x80x128xi32, #tpu.memory_space<hbm>> -> memref<1x1x1x128xi32, #tpu.memory_space<hbm>>
      %dma_wait3A_235 = tpu.memref_squeeze %dma_wait3A_234 : memref<1x1x1x128xi32, #tpu.memory_space<hbm>> -> memref<128xi32, #tpu.memory_space<hbm>>
      %dma_wait3A_236 = arith.constant 0 : i32
      %dma_wait3A_237 = tpu.memref_slice %arg2[%dma_wait3A_232, %add3A, %add3A_224, %dma_wait3A_236] : memref<2x32x80x128xi32, #tpu.memory_space<hbm>> -> memref<1x1x1x128xi32, #tpu.memory_space<hbm>>
      %dma_wait3A_238 = tpu.memref_squeeze %dma_wait3A_237 : memref<1x1x1x128xi32, #tpu.memory_space<hbm>> -> memref<128xi32, #tpu.memory_space<hbm>>
      tpu.wait_dma2 semaphore(%arg13 : memref<!tpu.dma_semaphore, #tpu.memory_space<semaphore_mem>>) src(%dma_wait3A_238 : memref<128xi32, #tpu.memory_space<hbm>>) dst(%arg6 : memref<128xi32, #tpu.memory_space<vmem>>)
      %dma_start3A_239 = arith.constant 0 : i32
      %dma_start3A_240 = arith.constant 0 : i32
      %dma_start3A_241 = tpu.memref_slice %arg3[%dma_start3A_239, %dma_start3A_240] : memref<10240x128xf32, #tpu.memory_space<hbm>> -> memref<10240x128xf32, #tpu.memory_space<hbm>>
      tpu.enqueue_indirect_dma source(%dma_start3A_241 : memref<10240x128xf32, #tpu.memory_space<hbm>>) target(%arg8 : memref<128x128xf32, #tpu.memory_space<vmem>>) offsets(%arg6 : memref<128xi32, #tpu.memory_space<vmem>>) semaphore(%arg11 : memref<!tpu.dma_semaphore, #tpu.memory_space<semaphore_mem>>)
      %mul3A_242 = arith.constant 2 : i32
      %mul3A_243 = arith.muli %mul3A_242, %add3A_220 : i32
      %add3A_244 = arith.constant 1 : i32
      %add3A_245 = arith.addi %mul3A_243, %add3A_244 : i32
      %sub3A_246 = arith.constant 2 : i32
      %sub3A_247 = arith.subi %add3A_245, %sub3A_246 : i32
      %dma_wait3A_248 = arith.constant 0 : i32
      %dma_wait3A_249 = tpu.memref_slice %arg5[%sub3A_247, %dma_wait3A_248] : memref<80x128xi32, #tpu.memory_space<vmem>> -> memref<1x128xi32, #tpu.memory_space<vmem>>
      %dma_wait3A_250 = tpu.memref_squeeze %dma_wait3A_249 : memref<1x128xi32, #tpu.memory_space<vmem>> -> memref<128xi32, #tpu.memory_space<vmem>>
      %dma_wait3A_251 = arith.constant 0 : i32
      %dma_wait3A_252 = arith.constant 0 : i32
      %dma_wait3A_253 = tpu.memref_slice %arg10[%dma_wait3A_251, %dma_wait3A_252] : memref<10240x128xf32, #tpu.memory_space<vmem_shared>> -> memref<10240x128xf32, #tpu.memory_space<vmem_shared>>
      tpu.wait_indirect_dma semaphore(%arg16 : memref<!tpu.dma_semaphore, #tpu.memory_space<semaphore_mem>>) src(%arg9 : memref<128x128xf32, #tpu.memory_space<vmem>>) dst(%dma_wait3A_253 : memref<10240x128xf32, #tpu.memory_space<vmem_shared>>)
      %dma_wait3A_254 = arith.constant 0 : i32
      %dma_wait3A_255 = arith.constant 0 : i32
      %dma_wait3A_256 = tpu.memref_slice %arg2[%dma_wait3A_254, %add3A, %add3A_245, %dma_wait3A_255] : memref<2x32x80x128xi32, #tpu.memory_space<hbm>> -> memref<1x1x1x128xi32, #tpu.memory_space<hbm>>
      %dma_wait3A_257 = tpu.memref_squeeze %dma_wait3A_256 : memref<1x1x1x128xi32, #tpu.memory_space<hbm>> -> memref<128xi32, #tpu.memory_space<hbm>>
      %dma_wait3A_258 = arith.constant 0 : i32
      %dma_wait3A_259 = tpu.memref_slice %arg2[%dma_wait3A_254, %add3A, %add3A_245, %dma_wait3A_258] : memref<2x32x80x128xi32, #tpu.memory_space<hbm>> -> memref<1x1x1x128xi32, #tpu.memory_space<hbm>>
      %dma_wait3A_260 = tpu.memref_squeeze %dma_wait3A_259 : memref<1x1x1x128xi32, #tpu.memory_space<hbm>> -> memref<128xi32, #tpu.memory_space<hbm>>
      tpu.wait_dma2 semaphore(%arg14 : memref<!tpu.dma_semaphore, #tpu.memory_space<semaphore_mem>>) src(%dma_wait3A_260 : memref<128xi32, #tpu.memory_space<hbm>>) dst(%arg7 : memref<128xi32, #tpu.memory_space<vmem>>)
      %dma_start3A_261 = arith.constant 0 : i32
      %dma_start3A_262 = arith.constant 0 : i32
      %dma_start3A_263 = tpu.memref_slice %arg3[%dma_start3A_261, %dma_start3A_262] : memref<10240x128xf32, #tpu.memory_space<hbm>> -> memref<10240x128xf32, #tpu.memory_space<hbm>>
      tpu.enqueue_indirect_dma source(%dma_start3A_263 : memref<10240x128xf32, #tpu.memory_space<hbm>>) target(%arg9 : memref<128x128xf32, #tpu.memory_space<vmem>>) offsets(%arg7 : memref<128xi32, #tpu.memory_space<vmem>>) semaphore(%arg12 : memref<!tpu.dma_semaphore, #tpu.memory_space<semaphore_mem>>)
      %mul3A_264 = arith.constant 2 : i32
      %mul3A_265 = arith.muli %mul3A_264, %add3A_220 : i32
      %add3A_266 = arith.constant 0 : i32
      %add3A_267 = arith.addi %mul3A_265, %add3A_266 : i32
      %dma_wait3A_268 = arith.constant 0 : i32
      %dma_wait3A_269 = arith.constant 0 : i32
      %dma_wait3A_270 = tpu.memref_slice %arg3[%dma_wait3A_268, %dma_wait3A_269] : memref<10240x128xf32, #tpu.memory_space<hbm>> -> memref<10240x128xf32, #tpu.memory_space<hbm>>
      tpu.wait_indirect_dma semaphore(%arg11 : memref<!tpu.dma_semaphore, #tpu.memory_space<semaphore_mem>>) src(%dma_wait3A_270 : memref<10240x128xf32, #tpu.memory_space<hbm>>) dst(%arg8 : memref<128x128xf32, #tpu.memory_space<vmem>>)
      %add3A_271 = arith.constant 2 : i32
      %add3A_272 = arith.addi %add3A_267, %add3A_271 : i32
      %dma_start3A_273 = arith.constant 0 : i32
      %dma_start3A_274 = arith.constant 0 : i32
      %dma_start3A_275 = tpu.memref_slice %arg2[%dma_start3A_273, %add3A, %add3A_272, %dma_start3A_274] : memref<2x32x80x128xi32, #tpu.memory_space<hbm>> -> memref<1x1x1x128xi32, #tpu.memory_space<hbm>>
      %dma_start3A_276 = tpu.memref_squeeze %dma_start3A_275 : memref<1x1x1x128xi32, #tpu.memory_space<hbm>> -> memref<128xi32, #tpu.memory_space<hbm>>
      %dma_start3A_277 = arith.constant 0 : i32
      %dma_start3A_278 = tpu.memref_slice %arg2[%dma_start3A_273, %add3A, %add3A_272, %dma_start3A_277] : memref<2x32x80x128xi32, #tpu.memory_space<hbm>> -> memref<1x1x1x128xi32, #tpu.memory_space<hbm>>
      %dma_start3A_279 = tpu.memref_squeeze %dma_start3A_278 : memref<1x1x1x128xi32, #tpu.memory_space<hbm>> -> memref<128xi32, #tpu.memory_space<hbm>>
      tpu.enqueue_dma source(%dma_start3A_279 : memref<128xi32, #tpu.memory_space<hbm>>) target(%arg6 : memref<128xi32, #tpu.memory_space<vmem>>) target_semaphore(%arg13 : memref<!tpu.dma_semaphore, #tpu.memory_space<semaphore_mem>>)
      %dma_start3A_280 = arith.constant 0 : i32
      %dma_start3A_281 = tpu.memref_slice %arg5[%add3A_267, %dma_start3A_280] : memref<80x128xi32, #tpu.memory_space<vmem>> -> memref<1x128xi32, #tpu.memory_space<vmem>>
      %dma_start3A_282 = tpu.memref_squeeze %dma_start3A_281 : memref<1x128xi32, #tpu.memory_space<vmem>> -> memref<128xi32, #tpu.memory_space<vmem>>
      %dma_start3A_283 = arith.constant 0 : i32
      %dma_start3A_284 = arith.constant 0 : i32
      %dma_start3A_285 = tpu.memref_slice %arg10[%dma_start3A_283, %dma_start3A_284] : memref<10240x128xf32, #tpu.memory_space<vmem_shared>> -> memref<10240x128xf32, #tpu.memory_space<vmem_shared>>
      tpu.enqueue_indirect_dma source(%arg8 : memref<128x128xf32, #tpu.memory_space<vmem>>) target(%dma_start3A_285 : memref<10240x128xf32, #tpu.memory_space<vmem_shared>>) offsets(%dma_start3A_282 : memref<128xi32, #tpu.memory_space<vmem>>) semaphore(%arg15 : memref<!tpu.dma_semaphore, #tpu.memory_space<semaphore_mem>>) {add = true}
      %mul3A_286 = arith.constant 2 : i32
      %mul3A_287 = arith.muli %mul3A_286, %add3A_220 : i32
      %add3A_288 = arith.constant 1 : i32
      %add3A_289 = arith.addi %mul3A_287, %add3A_288 : i32
      %dma_wait3A_290 = arith.constant 0 : i32
      %dma_wait3A_291 = arith.constant 0 : i32
      %dma_wait3A_292 = tpu.memref_slice %arg3[%dma_wait3A_290, %dma_wait3A_291] : memref<10240x128xf32, #tpu.memory_space<hbm>> -> memref<10240x128xf32, #tpu.memory_space<hbm>>
      tpu.wait_indirect_dma semaphore(%arg12 : memref<!tpu.dma_semaphore, #tpu.memory_space<semaphore_mem>>) src(%dma_wait3A_292 : memref<10240x128xf32, #tpu.memory_space<hbm>>) dst(%arg9 : memref<128x128xf32, #tpu.memory_space<vmem>>)
      %add3A_293 = arith.constant 2 : i32
      %add3A_294 = arith.addi %add3A_289, %add3A_293 : i32
      %dma_start3A_295 = arith.constant 0 : i32
      %dma_start3A_296 = arith.constant 0 : i32
      %dma_start3A_297 = tpu.memref_slice %arg2[%dma_start3A_295, %add3A, %add3A_294, %dma_start3A_296] : memref<2x32x80x128xi32, #tpu.memory_space<hbm>> -> memref<1x1x1x128xi32, #tpu.memory_space<hbm>>
      %dma_start3A_298 = tpu.memref_squeeze %dma_start3A_297 : memref<1x1x1x128xi32, #tpu.memory_space<hbm>> -> memref<128xi32, #tpu.memory_space<hbm>>
      %dma_start3A_299 = arith.constant 0 : i32
      %dma_start3A_300 = tpu.memref_slice %arg2[%dma_start3A_295, %add3A, %add3A_294, %dma_start3A_299] : memref<2x32x80x128xi32, #tpu.memory_space<hbm>> -> memref<1x1x1x128xi32, #tpu.memory_space<hbm>>
      %dma_start3A_301 = tpu.memref_squeeze %dma_start3A_300 : memref<1x1x1x128xi32, #tpu.memory_space<hbm>> -> memref<128xi32, #tpu.memory_space<hbm>>
      tpu.enqueue_dma source(%dma_start3A_301 : memref<128xi32, #tpu.memory_space<hbm>>) target(%arg7 : memref<128xi32, #tpu.memory_space<vmem>>) target_semaphore(%arg14 : memref<!tpu.dma_semaphore, #tpu.memory_space<semaphore_mem>>)
      %dma_start3A_302 = arith.constant 0 : i32
      %dma_start3A_303 = tpu.memref_slice %arg5[%add3A_289, %dma_start3A_302] : memref<80x128xi32, #tpu.memory_space<vmem>> -> memref<1x128xi32, #tpu.memory_space<vmem>>
      %dma_start3A_304 = tpu.memref_squeeze %dma_start3A_303 : memref<1x128xi32, #tpu.memory_space<vmem>> -> memref<128xi32, #tpu.memory_space<vmem>>
      %dma_start3A_305 = arith.constant 0 : i32
      %dma_start3A_306 = arith.constant 0 : i32
      %dma_start3A_307 = tpu.memref_slice %arg10[%dma_start3A_305, %dma_start3A_306] : memref<10240x128xf32, #tpu.memory_space<vmem_shared>> -> memref<10240x128xf32, #tpu.memory_space<vmem_shared>>
      tpu.enqueue_indirect_dma source(%arg9 : memref<128x128xf32, #tpu.memory_space<vmem>>) target(%dma_start3A_307 : memref<10240x128xf32, #tpu.memory_space<vmem_shared>>) offsets(%dma_start3A_304 : memref<128xi32, #tpu.memory_space<vmem>>) semaphore(%arg16 : memref<!tpu.dma_semaphore, #tpu.memory_space<semaphore_mem>>) {add = true}
    }
    %scan3A_144 = arith.constant 38 : i32
    %dma_wait3A_145 = arith.constant 76 : i32
    %dma_wait3A_146 = arith.constant 0 : i32
    %dma_wait3A_147 = tpu.memref_slice %arg5[%dma_wait3A_145, %dma_wait3A_146] : memref<80x128xi32, #tpu.memory_space<vmem>> -> memref<1x128xi32, #tpu.memory_space<vmem>>
    %dma_wait3A_148 = tpu.memref_squeeze %dma_wait3A_147 : memref<1x128xi32, #tpu.memory_space<vmem>> -> memref<128xi32, #tpu.memory_space<vmem>>
    %dma_wait3A_149 = arith.constant 0 : i32
    %dma_wait3A_150 = arith.constant 0 : i32
    %dma_wait3A_151 = tpu.memref_slice %arg10[%dma_wait3A_149, %dma_wait3A_150] : memref<10240x128xf32, #tpu.memory_space<vmem_shared>> -> memref<10240x128xf32, #tpu.memory_space<vmem_shared>>
    tpu.wait_indirect_dma semaphore(%arg15 : memref<!tpu.dma_semaphore, #tpu.memory_space<semaphore_mem>>) src(%arg8 : memref<128x128xf32, #tpu.memory_space<vmem>>) dst(%dma_wait3A_151 : memref<10240x128xf32, #tpu.memory_space<vmem_shared>>)
    %dma_wait3A_152 = arith.constant 0 : i32
    %dma_wait3A_153 = arith.constant 78 : i32
    %dma_wait3A_154 = arith.constant 0 : i32
    %dma_wait3A_155 = tpu.memref_slice %arg2[%dma_wait3A_152, %add3A, %dma_wait3A_153, %dma_wait3A_154] : memref<2x32x80x128xi32, #tpu.memory_space<hbm>> -> memref<1x1x1x128xi32, #tpu.memory_space<hbm>>
    %dma_wait3A_156 = tpu.memref_squeeze %dma_wait3A_155 : memref<1x1x1x128xi32, #tpu.memory_space<hbm>> -> memref<128xi32, #tpu.memory_space<hbm>>
    %dma_wait3A_157 = arith.constant 0 : i32
    %dma_wait3A_158 = tpu.memref_slice %arg2[%dma_wait3A_152, %add3A, %dma_wait3A_153, %dma_wait3A_157] : memref<2x32x80x128xi32, #tpu.memory_space<hbm>> -> memref<1x1x1x128xi32, #tpu.memory_space<hbm>>
    %dma_wait3A_159 = tpu.memref_squeeze %dma_wait3A_158 : memref<1x1x1x128xi32, #tpu.memory_space<hbm>> -> memref<128xi32, #tpu.memory_space<hbm>>
    tpu.wait_dma2 semaphore(%arg13 : memref<!tpu.dma_semaphore, #tpu.memory_space<semaphore_mem>>) src(%dma_wait3A_159 : memref<128xi32, #tpu.memory_space<hbm>>) dst(%arg6 : memref<128xi32, #tpu.memory_space<vmem>>)
    %dma_start3A_160 = arith.constant 0 : i32
    %dma_start3A_161 = arith.constant 0 : i32
    %dma_start3A_162 = tpu.memref_slice %arg3[%dma_start3A_160, %dma_start3A_161] : memref<10240x128xf32, #tpu.memory_space<hbm>> -> memref<10240x128xf32, #tpu.memory_space<hbm>>
    tpu.enqueue_indirect_dma source(%dma_start3A_162 : memref<10240x128xf32, #tpu.memory_space<hbm>>) target(%arg8 : memref<128x128xf32, #tpu.memory_space<vmem>>) offsets(%arg6 : memref<128xi32, #tpu.memory_space<vmem>>) semaphore(%arg11 : memref<!tpu.dma_semaphore, #tpu.memory_space<semaphore_mem>>)
    %dma_wait3A_163 = arith.constant 77 : i32
    %dma_wait3A_164 = arith.constant 0 : i32
    %dma_wait3A_165 = tpu.memref_slice %arg5[%dma_wait3A_163, %dma_wait3A_164] : memref<80x128xi32, #tpu.memory_space<vmem>> -> memref<1x128xi32, #tpu.memory_space<vmem>>
    %dma_wait3A_166 = tpu.memref_squeeze %dma_wait3A_165 : memref<1x128xi32, #tpu.memory_space<vmem>> -> memref<128xi32, #tpu.memory_space<vmem>>
    %dma_wait3A_167 = arith.constant 0 : i32
    %dma_wait3A_168 = arith.constant 0 : i32
    %dma_wait3A_169 = tpu.memref_slice %arg10[%dma_wait3A_167, %dma_wait3A_168] : memref<10240x128xf32, #tpu.memory_space<vmem_shared>> -> memref<10240x128xf32, #tpu.memory_space<vmem_shared>>
    tpu.wait_indirect_dma semaphore(%arg16 : memref<!tpu.dma_semaphore, #tpu.memory_space<semaphore_mem>>) src(%arg9 : memref<128x128xf32, #tpu.memory_space<vmem>>) dst(%dma_wait3A_169 : memref<10240x128xf32, #tpu.memory_space<vmem_shared>>)
    %dma_wait3A_170 = arith.constant 0 : i32
    %dma_wait3A_171 = arith.constant 79 : i32
    %dma_wait3A_172 = arith.constant 0 : i32
    %dma_wait3A_173 = tpu.memref_slice %arg2[%dma_wait3A_170, %add3A, %dma_wait3A_171, %dma_wait3A_172] : memref<2x32x80x128xi32, #tpu.memory_space<hbm>> -> memref<1x1x1x128xi32, #tpu.memory_space<hbm>>
    %dma_wait3A_174 = tpu.memref_squeeze %dma_wait3A_173 : memref<1x1x1x128xi32, #tpu.memory_space<hbm>> -> memref<128xi32, #tpu.memory_space<hbm>>
    %dma_wait3A_175 = arith.constant 0 : i32
    %dma_wait3A_176 = tpu.memref_slice %arg2[%dma_wait3A_170, %add3A, %dma_wait3A_171, %dma_wait3A_175] : memref<2x32x80x128xi32, #tpu.memory_space<hbm>> -> memref<1x1x1x128xi32, #tpu.memory_space<hbm>>
    %dma_wait3A_177 = tpu.memref_squeeze %dma_wait3A_176 : memref<1x1x1x128xi32, #tpu.memory_space<hbm>> -> memref<128xi32, #tpu.memory_space<hbm>>
    tpu.wait_dma2 semaphore(%arg14 : memref<!tpu.dma_semaphore, #tpu.memory_space<semaphore_mem>>) src(%dma_wait3A_177 : memref<128xi32, #tpu.memory_space<hbm>>) dst(%arg7 : memref<128xi32, #tpu.memory_space<vmem>>)
    %dma_start3A_178 = arith.constant 0 : i32
    %dma_start3A_179 = arith.constant 0 : i32
    %dma_start3A_180 = tpu.memref_slice %arg3[%dma_start3A_178, %dma_start3A_179] : memref<10240x128xf32, #tpu.memory_space<hbm>> -> memref<10240x128xf32, #tpu.memory_space<hbm>>
    tpu.enqueue_indirect_dma source(%dma_start3A_180 : memref<10240x128xf32, #tpu.memory_space<hbm>>) target(%arg9 : memref<128x128xf32, #tpu.memory_space<vmem>>) offsets(%arg7 : memref<128xi32, #tpu.memory_space<vmem>>) semaphore(%arg12 : memref<!tpu.dma_semaphore, #tpu.memory_space<semaphore_mem>>)
    %dma_wait3A_181 = arith.constant 0 : i32
    %dma_wait3A_182 = arith.constant 0 : i32
    %dma_wait3A_183 = tpu.memref_slice %arg3[%dma_wait3A_181, %dma_wait3A_182] : memref<10240x128xf32, #tpu.memory_space<hbm>> -> memref<10240x128xf32, #tpu.memory_space<hbm>>
    tpu.wait_indirect_dma semaphore(%arg11 : memref<!tpu.dma_semaphore, #tpu.memory_space<semaphore_mem>>) src(%dma_wait3A_183 : memref<10240x128xf32, #tpu.memory_space<hbm>>) dst(%arg8 : memref<128x128xf32, #tpu.memory_space<vmem>>)
    %dma_start3A_184 = arith.constant 78 : i32
    %dma_start3A_185 = arith.constant 0 : i32
    %dma_start3A_186 = tpu.memref_slice %arg5[%dma_start3A_184, %dma_start3A_185] : memref<80x128xi32, #tpu.memory_space<vmem>> -> memref<1x128xi32, #tpu.memory_space<vmem>>
    %dma_start3A_187 = tpu.memref_squeeze %dma_start3A_186 : memref<1x128xi32, #tpu.memory_space<vmem>> -> memref<128xi32, #tpu.memory_space<vmem>>
    %dma_start3A_188 = arith.constant 0 : i32
    %dma_start3A_189 = arith.constant 0 : i32
    %dma_start3A_190 = tpu.memref_slice %arg10[%dma_start3A_188, %dma_start3A_189] : memref<10240x128xf32, #tpu.memory_space<vmem_shared>> -> memref<10240x128xf32, #tpu.memory_space<vmem_shared>>
    tpu.enqueue_indirect_dma source(%arg8 : memref<128x128xf32, #tpu.memory_space<vmem>>) target(%dma_start3A_190 : memref<10240x128xf32, #tpu.memory_space<vmem_shared>>) offsets(%dma_start3A_187 : memref<128xi32, #tpu.memory_space<vmem>>) semaphore(%arg15 : memref<!tpu.dma_semaphore, #tpu.memory_space<semaphore_mem>>) {add = true}
    %dma_wait3A_191 = arith.constant 0 : i32
    %dma_wait3A_192 = arith.constant 0 : i32
    %dma_wait3A_193 = tpu.memref_slice %arg3[%dma_wait3A_191, %dma_wait3A_192] : memref<10240x128xf32, #tpu.memory_space<hbm>> -> memref<10240x128xf32, #tpu.memory_space<hbm>>
    tpu.wait_indirect_dma semaphore(%arg12 : memref<!tpu.dma_semaphore, #tpu.memory_space<semaphore_mem>>) src(%dma_wait3A_193 : memref<10240x128xf32, #tpu.memory_space<hbm>>) dst(%arg9 : memref<128x128xf32, #tpu.memory_space<vmem>>)
    %dma_start3A_194 = arith.constant 79 : i32
    %dma_start3A_195 = arith.constant 0 : i32
    %dma_start3A_196 = tpu.memref_slice %arg5[%dma_start3A_194, %dma_start3A_195] : memref<80x128xi32, #tpu.memory_space<vmem>> -> memref<1x128xi32, #tpu.memory_space<vmem>>
    %dma_start3A_197 = tpu.memref_squeeze %dma_start3A_196 : memref<1x128xi32, #tpu.memory_space<vmem>> -> memref<128xi32, #tpu.memory_space<vmem>>
    %dma_start3A_198 = arith.constant 0 : i32
    %dma_start3A_199 = arith.constant 0 : i32
    %dma_start3A_200 = tpu.memref_slice %arg10[%dma_start3A_198, %dma_start3A_199] : memref<10240x128xf32, #tpu.memory_space<vmem_shared>> -> memref<10240x128xf32, #tpu.memory_space<vmem_shared>>
    tpu.enqueue_indirect_dma source(%arg9 : memref<128x128xf32, #tpu.memory_space<vmem>>) target(%dma_start3A_200 : memref<10240x128xf32, #tpu.memory_space<vmem_shared>>) offsets(%dma_start3A_197 : memref<128xi32, #tpu.memory_space<vmem>>) semaphore(%arg16 : memref<!tpu.dma_semaphore, #tpu.memory_space<semaphore_mem>>) {add = true}
    %dma_wait3A_201 = arith.constant 78 : i32
    %dma_wait3A_202 = arith.constant 0 : i32
    %dma_wait3A_203 = tpu.memref_slice %arg5[%dma_wait3A_201, %dma_wait3A_202] : memref<80x128xi32, #tpu.memory_space<vmem>> -> memref<1x128xi32, #tpu.memory_space<vmem>>
    %dma_wait3A_204 = tpu.memref_squeeze %dma_wait3A_203 : memref<1x128xi32, #tpu.memory_space<vmem>> -> memref<128xi32, #tpu.memory_space<vmem>>
    %dma_wait3A_205 = arith.constant 0 : i32
    %dma_wait3A_206 = arith.constant 0 : i32
    %dma_wait3A_207 = tpu.memref_slice %arg10[%dma_wait3A_205, %dma_wait3A_206] : memref<10240x128xf32, #tpu.memory_space<vmem_shared>> -> memref<10240x128xf32, #tpu.memory_space<vmem_shared>>
    tpu.wait_indirect_dma semaphore(%arg15 : memref<!tpu.dma_semaphore, #tpu.memory_space<semaphore_mem>>) src(%arg8 : memref<128x128xf32, #tpu.memory_space<vmem>>) dst(%dma_wait3A_207 : memref<10240x128xf32, #tpu.memory_space<vmem_shared>>)
    %dma_wait3A_208 = arith.constant 79 : i32
    %dma_wait3A_209 = arith.constant 0 : i32
    %dma_wait3A_210 = tpu.memref_slice %arg5[%dma_wait3A_208, %dma_wait3A_209] : memref<80x128xi32, #tpu.memory_space<vmem>> -> memref<1x128xi32, #tpu.memory_space<vmem>>
    %dma_wait3A_211 = tpu.memref_squeeze %dma_wait3A_210 : memref<1x128xi32, #tpu.memory_space<vmem>> -> memref<128xi32, #tpu.memory_space<vmem>>
    %dma_wait3A_212 = arith.constant 0 : i32
    %dma_wait3A_213 = arith.constant 0 : i32
    %dma_wait3A_214 = tpu.memref_slice %arg10[%dma_wait3A_212, %dma_wait3A_213] : memref<10240x128xf32, #tpu.memory_space<vmem_shared>> -> memref<10240x128xf32, #tpu.memory_space<vmem_shared>>
    tpu.wait_indirect_dma semaphore(%arg16 : memref<!tpu.dma_semaphore, #tpu.memory_space<semaphore_mem>>) src(%arg9 : memref<128x128xf32, #tpu.memory_space<vmem>>) dst(%dma_wait3A_214 : memref<10240x128xf32, #tpu.memory_space<vmem_shared>>)
    %barrier3A_215 = arith.constant 0 : index
    tpu.barrier barrier_id(%barrier3A_215)
    "tpu.region"() ({
      %run_scoped3A_216 = tpu.sem_alloc : memref<!tpu.dma_semaphore, #tpu.memory_space<semaphore_mem>>
      %dma_start3A_217 = arith.constant 0 : i32
      %dma_start3A_218 = tpu.memref_slice %arg4[%arg0, %mul3A_7, %dma_start3A_217] : memref<2x10240x128xf32, #tpu.memory_space<hbm>> -> memref<1x640x128xf32, #tpu.memory_space<hbm>>
      %dma_start3A_219 = tpu.memref_squeeze %dma_start3A_218 : memref<1x640x128xf32, #tpu.memory_space<hbm>> -> memref<640x128xf32, #tpu.memory_space<hbm>>
      %dma_start3A_220 = arith.constant 0 : i32
      %dma_start3A_221 = tpu.memref_slice %arg10[%mul3A_7, %dma_start3A_220] : memref<10240x128xf32, #tpu.memory_space<vmem_shared>> -> memref<640x128xf32, #tpu.memory_space<vmem_shared>>
      tpu.enqueue_dma source(%dma_start3A_221 : memref<640x128xf32, #tpu.memory_space<vmem_shared>>) target(%dma_start3A_219 : memref<640x128xf32, #tpu.memory_space<hbm>>) target_semaphore(%run_scoped3A_216 : memref<!tpu.dma_semaphore, #tpu.memory_space<semaphore_mem>>)
      %dma_wait3A_222 = arith.constant 0 : i32
      %dma_wait3A_223 = tpu.memref_slice %arg4[%arg0, %mul3A_7, %dma_wait3A_222] : memref<2x10240x128xf32, #tpu.memory_space<hbm>> -> memref<1x640x128xf32, #tpu.memory_space<hbm>>
      %dma_wait3A_224 = tpu.memref_squeeze %dma_wait3A_223 : memref<1x640x128xf32, #tpu.memory_space<hbm>> -> memref<640x128xf32, #tpu.memory_space<hbm>>
      %dma_wait3A_225 = arith.constant 0 : i32
      %dma_wait3A_226 = tpu.memref_slice %arg10[%mul3A_7, %dma_wait3A_225] : memref<10240x128xf32, #tpu.memory_space<vmem_shared>> -> memref<640x128xf32, #tpu.memory_space<vmem_shared>>
      tpu.wait_dma2 semaphore(%run_scoped3A_216 : memref<!tpu.dma_semaphore, #tpu.memory_space<semaphore_mem>>) src(%dma_wait3A_226 : memref<640x128xf32, #tpu.memory_space<vmem_shared>>) dst(%dma_wait3A_224 : memref<640x128xf32, #tpu.memory_space<hbm>>)
      tpu.yield
    }) : () -> ()
    return
  }
}

#map = affine_map<(d0, d1) -> (0, 0, 0, 0)>
#map1 = affine_map<(d0, d1) -> (0, 0)>
module attributes {stable_mosaic.version = 14 : i64} {
  func.func @_sc_count_body(%arg0: i32, %arg1: i32, %arg2: memref<2x32x80x128xi32, #tpu.memory_space<hbm>>, %arg3: memref<2x10240xf32, #tpu.memory_space<hbm>>, %arg4: memref<80x128xi32, #tpu.memory_space<vmem>>, %arg5: memref<128xf32, #tpu.memory_space<vmem>>, %arg6: memref<640xf32, #tpu.memory_space<vmem>>, %arg7: memref<10240xf32, #tpu.memory_space<vmem_shared>>, %arg8: memref<!tpu.dma_semaphore, #tpu.memory_space<semaphore_mem>>) attributes {dimension_semantics = [#tpu.dimension_semantics<core_parallel>, #tpu.dimension_semantics<subcore_parallel>], iteration_bounds = array<i64: 2, 16>, scalar_prefetch = 0 : i64, scratch_operands = 5 : i64, tpu.core_type = #tpu.core_type<sc_vector_subcore>, window_params = [{transform_indices = #map}, {transform_indices = #map1}]} {
    %mul3A = arith.constant 16 : i32
    %mul3A_0 = arith.muli %arg0, %mul3A : i32
    %add3A = arith.addi %mul3A_0, %arg1 : i32
    %broadcast_in_dim3A = arith.constant 1.000000e+00 : f32
    %broadcast_in_dim3A_1 = vector.broadcast %broadcast_in_dim3A : f32 to vector<16xf32>
    %broadcast_in_dim3A_2 = arith.constant 0.000000e+00 : f32
    %broadcast_in_dim3A_3 = vector.broadcast %broadcast_in_dim3A_2 : f32 to vector<16xf32>
    %scan3A = arith.constant 0 : i32
    %scan3A_4 = arith.constant 8 : i32
    %scan3A_5 = arith.addi %scan3A, %scan3A_4 : i32
    %scan3A_6 = arith.constant 1 : i32
    scf.for %scan3A_25 = %scan3A to %scan3A_5 step %scan3A_6  : i32 {
      %mul3A_26 = arith.constant 1 : i32
      %mul3A_27 = arith.muli %scan3A_25, %mul3A_26 : i32
      %add3A_28 = arith.constant 0 : i32
      %add3A_29 = arith.addi %add3A_28, %mul3A_27 : i32
      %mul3A_30 = arith.constant 16 : i32
      %mul3A_31 = arith.muli %add3A_29, %mul3A_30 : i32
      %swap3A = arith.index_cast %mul3A_31 : i32 to index
      %swap3A_32 = tpu.vector_load %arg5[%swap3A] {strides = array<i32>} : memref<128xf32, #tpu.memory_space<vmem>>, vector<16xf32>,
      %swap3A_33 = vector.shape_cast %swap3A_32 : vector<16xf32> to vector<16xf32>
      %swap3A_34 = vector.shape_cast %broadcast_in_dim3A_1 : vector<16xf32> to vector<16xf32>
      tpu.vector_store %arg5[%swap3A], %swap3A_34 {strides = array<i32>} : memref<128xf32, #tpu.memory_space<vmem>>, vector<16xf32>,
    }
    %scan3A_7 = arith.constant 8 : i32
    %scan3A_8 = arith.constant 0 : i32
    %scan3A_9 = arith.constant 40 : i32
    %scan3A_10 = arith.addi %scan3A_8, %scan3A_9 : i32
    %scan3A_11 = arith.constant 1 : i32
    scf.for %scan3A_25 = %scan3A_8 to %scan3A_10 step %scan3A_11  : i32 {
      %mul3A_26 = arith.constant 1 : i32
      %mul3A_27 = arith.muli %scan3A_25, %mul3A_26 : i32
      %add3A_28 = arith.constant 0 : i32
      %add3A_29 = arith.addi %add3A_28, %mul3A_27 : i32
      %mul3A_30 = arith.constant 16 : i32
      %mul3A_31 = arith.muli %add3A_29, %mul3A_30 : i32
      %swap3A = arith.index_cast %mul3A_31 : i32 to index
      %swap3A_32 = tpu.vector_load %arg6[%swap3A] {strides = array<i32>} : memref<640xf32, #tpu.memory_space<vmem>>, vector<16xf32>,
      %swap3A_33 = vector.shape_cast %swap3A_32 : vector<16xf32> to vector<16xf32>
      %swap3A_34 = vector.shape_cast %broadcast_in_dim3A_3 : vector<16xf32> to vector<16xf32>
      tpu.vector_store %arg6[%swap3A], %swap3A_34 {strides = array<i32>} : memref<640xf32, #tpu.memory_space<vmem>>, vector<16xf32>,
    }
    %scan3A_12 = arith.constant 40 : i32
    %mul3A_13 = arith.constant 640 : i32
    %mul3A_14 = arith.muli %arg1, %mul3A_13 : i32
    "tpu.region"() ({
      %run_scoped3A_25 = tpu.sem_alloc : memref<!tpu.dma_semaphore, #tpu.memory_space<semaphore_mem>>
      %dma_start3A = tpu.memref_slice %arg7[%mul3A_14] : memref<10240xf32, #tpu.memory_space<vmem_shared>> -> memref<640xf32, #tpu.memory_space<vmem_shared>>
      %dma_start3A_26 = tpu.memref_slice %arg7[%mul3A_14] : memref<10240xf32, #tpu.memory_space<vmem_shared>> -> memref<640xf32, #tpu.memory_space<vmem_shared>>
      tpu.enqueue_dma source(%arg6 : memref<640xf32, #tpu.memory_space<vmem>>) target(%dma_start3A_26 : memref<640xf32, #tpu.memory_space<vmem_shared>>) target_semaphore(%run_scoped3A_25 : memref<!tpu.dma_semaphore, #tpu.memory_space<semaphore_mem>>)
      %dma_wait3A = tpu.memref_slice %arg7[%mul3A_14] : memref<10240xf32, #tpu.memory_space<vmem_shared>> -> memref<640xf32, #tpu.memory_space<vmem_shared>>
      %dma_wait3A_27 = tpu.memref_slice %arg7[%mul3A_14] : memref<10240xf32, #tpu.memory_space<vmem_shared>> -> memref<640xf32, #tpu.memory_space<vmem_shared>>
      tpu.wait_dma2 semaphore(%run_scoped3A_25 : memref<!tpu.dma_semaphore, #tpu.memory_space<semaphore_mem>>) src(%arg6 : memref<640xf32, #tpu.memory_space<vmem>>) dst(%dma_wait3A_27 : memref<640xf32, #tpu.memory_space<vmem_shared>>)
      tpu.yield
    }) : () -> ()
    %run_scoped3A = arith.constant 1 : i32
    "tpu.region"() ({
      %run_scoped3A_25 = tpu.sem_alloc : memref<!tpu.dma_semaphore, #tpu.memory_space<semaphore_mem>>
      %dma_start3A = arith.constant 0 : i32
      %dma_start3A_26 = arith.constant 0 : i32
      %dma_start3A_27 = tpu.memref_slice %arg2[%run_scoped3A, %add3A, %dma_start3A, %dma_start3A_26] : memref<2x32x80x128xi32, #tpu.memory_space<hbm>> -> memref<1x1x80x128xi32, #tpu.memory_space<hbm>>
      %dma_start3A_28 = tpu.memref_squeeze %dma_start3A_27 : memref<1x1x80x128xi32, #tpu.memory_space<hbm>> -> memref<80x128xi32, #tpu.memory_space<hbm>>
      %dma_start3A_29 = arith.constant 0 : i32
      %dma_start3A_30 = arith.constant 0 : i32
      %dma_start3A_31 = tpu.memref_slice %arg2[%run_scoped3A, %add3A, %dma_start3A_29, %dma_start3A_30] : memref<2x32x80x128xi32, #tpu.memory_space<hbm>> -> memref<1x1x80x128xi32, #tpu.memory_space<hbm>>
      %dma_start3A_32 = tpu.memref_squeeze %dma_start3A_31 : memref<1x1x80x128xi32, #tpu.memory_space<hbm>> -> memref<80x128xi32, #tpu.memory_space<hbm>>
      tpu.enqueue_dma source(%dma_start3A_32 : memref<80x128xi32, #tpu.memory_space<hbm>>) target(%arg4 : memref<80x128xi32, #tpu.memory_space<vmem>>) target_semaphore(%run_scoped3A_25 : memref<!tpu.dma_semaphore, #tpu.memory_space<semaphore_mem>>)
      %dma_wait3A = arith.constant 0 : i32
      %dma_wait3A_33 = arith.constant 0 : i32
      %dma_wait3A_34 = tpu.memref_slice %arg2[%run_scoped3A, %add3A, %dma_wait3A, %dma_wait3A_33] : memref<2x32x80x128xi32, #tpu.memory_space<hbm>> -> memref<1x1x80x128xi32, #tpu.memory_space<hbm>>
      %dma_wait3A_35 = tpu.memref_squeeze %dma_wait3A_34 : memref<1x1x80x128xi32, #tpu.memory_space<hbm>> -> memref<80x128xi32, #tpu.memory_space<hbm>>
      %dma_wait3A_36 = arith.constant 0 : i32
      %dma_wait3A_37 = arith.constant 0 : i32
      %dma_wait3A_38 = tpu.memref_slice %arg2[%run_scoped3A, %add3A, %dma_wait3A_36, %dma_wait3A_37] : memref<2x32x80x128xi32, #tpu.memory_space<hbm>> -> memref<1x1x80x128xi32, #tpu.memory_space<hbm>>
      %dma_wait3A_39 = tpu.memref_squeeze %dma_wait3A_38 : memref<1x1x80x128xi32, #tpu.memory_space<hbm>> -> memref<80x128xi32, #tpu.memory_space<hbm>>
      tpu.wait_dma2 semaphore(%run_scoped3A_25 : memref<!tpu.dma_semaphore, #tpu.memory_space<semaphore_mem>>) src(%dma_wait3A_39 : memref<80x128xi32, #tpu.memory_space<hbm>>) dst(%arg4 : memref<80x128xi32, #tpu.memory_space<vmem>>)
      tpu.yield
    }) : () -> ()
    %barrier3A = arith.constant 0 : index
    tpu.barrier barrier_id(%barrier3A)
    %scan3A_15 = arith.constant 0 : i32
    %scan3A_16 = arith.constant 80 : i32
    %scan3A_17 = arith.addi %scan3A_15, %scan3A_16 : i32
    %scan3A_18 = arith.constant 1 : i32
    scf.for %scan3A_25 = %scan3A_15 to %scan3A_17 step %scan3A_18  : i32 {
      %mul3A_26 = arith.constant 1 : i32
      %mul3A_27 = arith.muli %scan3A_25, %mul3A_26 : i32
      %add3A_28 = arith.constant 0 : i32
      %add3A_29 = arith.addi %add3A_28, %mul3A_27 : i32
      "tpu.region"() ({
        %run_scoped3A_30 = tpu.sem_alloc : memref<!tpu.dma_semaphore, #tpu.memory_space<semaphore_mem>>
        %dma_start3A = arith.constant 0 : i32
        %dma_start3A_31 = tpu.memref_slice %arg4[%add3A_29, %dma_start3A] : memref<80x128xi32, #tpu.memory_space<vmem>> -> memref<1x128xi32, #tpu.memory_space<vmem>>
        %dma_start3A_32 = tpu.memref_squeeze %dma_start3A_31 : memref<1x128xi32, #tpu.memory_space<vmem>> -> memref<128xi32, #tpu.memory_space<vmem>>
        %dma_start3A_33 = arith.constant 0 : i32
        %dma_start3A_34 = tpu.memref_slice %arg7[%dma_start3A_33] : memref<10240xf32, #tpu.memory_space<vmem_shared>> -> memref<10240xf32, #tpu.memory_space<vmem_shared>>
        tpu.enqueue_indirect_dma source(%arg5 : memref<128xf32, #tpu.memory_space<vmem>>) target(%dma_start3A_34 : memref<10240xf32, #tpu.memory_space<vmem_shared>>) offsets(%dma_start3A_32 : memref<128xi32, #tpu.memory_space<vmem>>) semaphore(%run_scoped3A_30 : memref<!tpu.dma_semaphore, #tpu.memory_space<semaphore_mem>>) {add = true}
        %dma_wait3A = arith.constant 0 : i32
        %dma_wait3A_35 = tpu.memref_slice %arg4[%add3A_29, %dma_wait3A] : memref<80x128xi32, #tpu.memory_space<vmem>> -> memref<1x128xi32, #tpu.memory_space<vmem>>
        %dma_wait3A_36 = tpu.memref_squeeze %dma_wait3A_35 : memref<1x128xi32, #tpu.memory_space<vmem>> -> memref<128xi32, #tpu.memory_space<vmem>>
        %dma_wait3A_37 = arith.constant 0 : i32
        %dma_wait3A_38 = tpu.memref_slice %arg7[%dma_wait3A_37] : memref<10240xf32, #tpu.memory_space<vmem_shared>> -> memref<10240xf32, #tpu.memory_space<vmem_shared>>
        tpu.wait_indirect_dma semaphore(%run_scoped3A_30 : memref<!tpu.dma_semaphore, #tpu.memory_space<semaphore_mem>>) src(%arg5 : memref<128xf32, #tpu.memory_space<vmem>>) dst(%dma_wait3A_38 : memref<10240xf32, #tpu.memory_space<vmem_shared>>)
        tpu.yield
      }) : () -> ()
    }
    %scan3A_19 = arith.constant 80 : i32
    %barrier3A_20 = arith.constant 0 : index
    tpu.barrier barrier_id(%barrier3A_20)
    %mul3A_21 = arith.constant 640 : i32
    %mul3A_22 = arith.muli %arg1, %mul3A_21 : i32
    "tpu.region"() ({
      %run_scoped3A_25 = tpu.sem_alloc : memref<!tpu.dma_semaphore, #tpu.memory_space<semaphore_mem>>
      %dma_start3A = tpu.memref_slice %arg7[%mul3A_22] : memref<10240xf32, #tpu.memory_space<vmem_shared>> -> memref<640xf32, #tpu.memory_space<vmem_shared>>
      %dma_start3A_26 = tpu.memref_slice %arg7[%mul3A_22] : memref<10240xf32, #tpu.memory_space<vmem_shared>> -> memref<640xf32, #tpu.memory_space<vmem_shared>>
      tpu.enqueue_dma source(%dma_start3A_26 : memref<640xf32, #tpu.memory_space<vmem_shared>>) target(%arg6 : memref<640xf32, #tpu.memory_space<vmem>>) target_semaphore(%run_scoped3A_25 : memref<!tpu.dma_semaphore, #tpu.memory_space<semaphore_mem>>)
      %dma_wait3A = tpu.memref_slice %arg7[%mul3A_22] : memref<10240xf32, #tpu.memory_space<vmem_shared>> -> memref<640xf32, #tpu.memory_space<vmem_shared>>
      %dma_wait3A_27 = tpu.memref_slice %arg7[%mul3A_22] : memref<10240xf32, #tpu.memory_space<vmem_shared>> -> memref<640xf32, #tpu.memory_space<vmem_shared>>
      tpu.wait_dma2 semaphore(%run_scoped3A_25 : memref<!tpu.dma_semaphore, #tpu.memory_space<semaphore_mem>>) src(%dma_wait3A_27 : memref<640xf32, #tpu.memory_space<vmem_shared>>) dst(%arg6 : memref<640xf32, #tpu.memory_space<vmem>>)
      tpu.yield
    }) : () -> ()
    %mul3A_23 = arith.constant 640 : i32
    %mul3A_24 = arith.muli %arg1, %mul3A_23 : i32
    "tpu.region"() ({
      %run_scoped3A_25 = tpu.sem_alloc : memref<!tpu.dma_semaphore, #tpu.memory_space<semaphore_mem>>
      %dma_start3A = tpu.memref_slice %arg3[%arg0, %mul3A_24] : memref<2x10240xf32, #tpu.memory_space<hbm>> -> memref<1x640xf32, #tpu.memory_space<hbm>>
      %dma_start3A_26 = tpu.memref_squeeze %dma_start3A : memref<1x640xf32, #tpu.memory_space<hbm>> -> memref<640xf32, #tpu.memory_space<hbm>>
      %dma_start3A_27 = tpu.memref_slice %arg3[%arg0, %mul3A_24] : memref<2x10240xf32, #tpu.memory_space<hbm>> -> memref<1x640xf32, #tpu.memory_space<hbm>>
      %dma_start3A_28 = tpu.memref_squeeze %dma_start3A_27 : memref<1x640xf32, #tpu.memory_space<hbm>> -> memref<640xf32, #tpu.memory_space<hbm>>
      tpu.enqueue_dma source(%arg6 : memref<640xf32, #tpu.memory_space<vmem>>) target(%dma_start3A_28 : memref<640xf32, #tpu.memory_space<hbm>>) target_semaphore(%run_scoped3A_25 : memref<!tpu.dma_semaphore, #tpu.memory_space<semaphore_mem>>)
      %dma_wait3A = tpu.memref_slice %arg3[%arg0, %mul3A_24] : memref<2x10240xf32, #tpu.memory_space<hbm>> -> memref<1x640xf32, #tpu.memory_space<hbm>>
      %dma_wait3A_29 = tpu.memref_squeeze %dma_wait3A : memref<1x640xf32, #tpu.memory_space<hbm>> -> memref<640xf32, #tpu.memory_space<hbm>>
      %dma_wait3A_30 = tpu.memref_slice %arg3[%arg0, %mul3A_24] : memref<2x10240xf32, #tpu.memory_space<hbm>> -> memref<1x640xf32, #tpu.memory_space<hbm>>
      %dma_wait3A_31 = tpu.memref_squeeze %dma_wait3A_30 : memref<1x640xf32, #tpu.memory_space<hbm>> -> memref<640xf32, #tpu.memory_space<hbm>>
      tpu.wait_dma2 semaphore(%run_scoped3A_25 : memref<!tpu.dma_semaphore, #tpu.memory_space<semaphore_mem>>) src(%arg6 : memref<640xf32, #tpu.memory_space<vmem>>) dst(%dma_wait3A_31 : memref<640xf32, #tpu.memory_space<hbm>>)
      tpu.yield
    }) : () -> ()
    return
  }
}

#map = affine_map<(d0, d1) -> (0, 0, 0, 0)>
#map1 = affine_map<(d0, d1) -> (0, 0)>
#map2 = affine_map<(d0, d1) -> (0, 0, 0)>
module attributes {stable_mosaic.version = 14 : i64} {
  func.func @_sc_scatter_body(%arg0: i32, %arg1: i32, %arg2: memref<2x32x80x128xi32, #tpu.memory_space<hbm>>, %arg3: memref<10240x128xf32, #tpu.memory_space<hbm>>, %arg4: memref<2x10240x128xf32, #tpu.memory_space<hbm>>, %arg5: memref<80x128xi32, #tpu.memory_space<vmem>>, %arg6: memref<128xi32, #tpu.memory_space<vmem>>, %arg7: memref<128xi32, #tpu.memory_space<vmem>>, %arg8: memref<128x128xf32, #tpu.memory_space<vmem>>, %arg9: memref<128x128xf32, #tpu.memory_space<vmem>>, %arg10: memref<10240x128xf32, #tpu.memory_space<vmem_shared>>, %arg11: memref<!tpu.dma_semaphore, #tpu.memory_space<semaphore_mem>>, %arg12: memref<!tpu.dma_semaphore, #tpu.memory_space<semaphore_mem>>, %arg13: memref<!tpu.dma_semaphore, #tpu.memory_space<semaphore_mem>>, %arg14: memref<!tpu.dma_semaphore, #tpu.memory_space<semaphore_mem>>, %arg15: memref<!tpu.dma_semaphore, #tpu.memory_space<semaphore_mem>>, %arg16: memref<!tpu.dma_semaphore, #tpu.memory_space<semaphore_mem>>) attributes {dimension_semantics = [#tpu.dimension_semantics<core_parallel>, #tpu.dimension_semantics<subcore_parallel>], iteration_bounds = array<i64: 2, 16>, scalar_prefetch = 0 : i64, scratch_operands = 12 : i64, tpu.core_type = #tpu.core_type<sc_vector_subcore>, window_params = [{transform_indices = #map}, {transform_indices = #map1}, {transform_indices = #map2}]} {
    %mul3A = arith.constant 16 : i32
    %mul3A_0 = arith.muli %arg0, %mul3A : i32
    %add3A = arith.addi %mul3A_0, %arg1 : i32
    %broadcast_in_dim3A = arith.constant 0.000000e+00 : f32
    %broadcast_in_dim3A_1 = vector.broadcast %broadcast_in_dim3A : f32 to vector<16xf32>
    %scan3A = arith.constant 0 : i32
    %scan3A_2 = arith.constant 128 : i32
    %scan3A_3 = arith.addi %scan3A, %scan3A_2 : i32
    %scan3A_4 = arith.constant 1 : i32
    scf.for %scan3A_216 = %scan3A to %scan3A_3 step %scan3A_4  : i32 {
      %mul3A_217 = arith.constant 1 : i32
      %mul3A_218 = arith.muli %scan3A_216, %mul3A_217 : i32
      %add3A_219 = arith.constant 0 : i32
      %add3A_220 = arith.addi %add3A_219, %mul3A_218 : i32
      %swap3A = arith.index_cast %add3A_220 : i32 to index
      %swap3A_221 = arith.constant 0 : index
      %swap3A_222 = tpu.vector_load %arg8[%swap3A, %swap3A_221] {strides = array<i32>} : memref<128x128xf32, #tpu.memory_space<vmem>>, vector<1x16xf32>,
      %swap3A_223 = vector.shape_cast %swap3A_222 : vector<1x16xf32> to vector<16xf32>
      %swap3A_224 = vector.shape_cast %broadcast_in_dim3A_1 : vector<16xf32> to vector<1x16xf32>
      tpu.vector_store %arg8[%swap3A, %swap3A_221], %swap3A_224 {strides = array<i32>} : memref<128x128xf32, #tpu.memory_space<vmem>>, vector<1x16xf32>,
      %swap3A_225 = arith.index_cast %add3A_220 : i32 to index
      %swap3A_226 = arith.constant 16 : index
      %swap3A_227 = tpu.vector_load %arg8[%swap3A_225, %swap3A_226] {strides = array<i32>} : memref<128x128xf32, #tpu.memory_space<vmem>>, vector<1x16xf32>,
      %swap3A_228 = vector.shape_cast %swap3A_227 : vector<1x16xf32> to vector<16xf32>
      %swap3A_229 = vector.shape_cast %broadcast_in_dim3A_1 : vector<16xf32> to vector<1x16xf32>
      tpu.vector_store %arg8[%swap3A_225, %swap3A_226], %swap3A_229 {strides = array<i32>} : memref<128x128xf32, #tpu.memory_space<vmem>>, vector<1x16xf32>,
      %swap3A_230 = arith.index_cast %add3A_220 : i32 to index
      %swap3A_231 = arith.constant 32 : index
      %swap3A_232 = tpu.vector_load %arg8[%swap3A_230, %swap3A_231] {strides = array<i32>} : memref<128x128xf32, #tpu.memory_space<vmem>>, vector<1x16xf32>,
      %swap3A_233 = vector.shape_cast %swap3A_232 : vector<1x16xf32> to vector<16xf32>
      %swap3A_234 = vector.shape_cast %broadcast_in_dim3A_1 : vector<16xf32> to vector<1x16xf32>
      tpu.vector_store %arg8[%swap3A_230, %swap3A_231], %swap3A_234 {strides = array<i32>} : memref<128x128xf32, #tpu.memory_space<vmem>>, vector<1x16xf32>,
      %swap3A_235 = arith.index_cast %add3A_220 : i32 to index
      %swap3A_236 = arith.constant 48 : index
      %swap3A_237 = tpu.vector_load %arg8[%swap3A_235, %swap3A_236] {strides = array<i32>} : memref<128x128xf32, #tpu.memory_space<vmem>>, vector<1x16xf32>,
      %swap3A_238 = vector.shape_cast %swap3A_237 : vector<1x16xf32> to vector<16xf32>
      %swap3A_239 = vector.shape_cast %broadcast_in_dim3A_1 : vector<16xf32> to vector<1x16xf32>
      tpu.vector_store %arg8[%swap3A_235, %swap3A_236], %swap3A_239 {strides = array<i32>} : memref<128x128xf32, #tpu.memory_space<vmem>>, vector<1x16xf32>,
      %swap3A_240 = arith.index_cast %add3A_220 : i32 to index
      %swap3A_241 = arith.constant 64 : index
      %swap3A_242 = tpu.vector_load %arg8[%swap3A_240, %swap3A_241] {strides = array<i32>} : memref<128x128xf32, #tpu.memory_space<vmem>>, vector<1x16xf32>,
      %swap3A_243 = vector.shape_cast %swap3A_242 : vector<1x16xf32> to vector<16xf32>
      %swap3A_244 = vector.shape_cast %broadcast_in_dim3A_1 : vector<16xf32> to vector<1x16xf32>
      tpu.vector_store %arg8[%swap3A_240, %swap3A_241], %swap3A_244 {strides = array<i32>} : memref<128x128xf32, #tpu.memory_space<vmem>>, vector<1x16xf32>,
      %swap3A_245 = arith.index_cast %add3A_220 : i32 to index
      %swap3A_246 = arith.constant 80 : index
      %swap3A_247 = tpu.vector_load %arg8[%swap3A_245, %swap3A_246] {strides = array<i32>} : memref<128x128xf32, #tpu.memory_space<vmem>>, vector<1x16xf32>,
      %swap3A_248 = vector.shape_cast %swap3A_247 : vector<1x16xf32> to vector<16xf32>
      %swap3A_249 = vector.shape_cast %broadcast_in_dim3A_1 : vector<16xf32> to vector<1x16xf32>
      tpu.vector_store %arg8[%swap3A_245, %swap3A_246], %swap3A_249 {strides = array<i32>} : memref<128x128xf32, #tpu.memory_space<vmem>>, vector<1x16xf32>,
      %swap3A_250 = arith.index_cast %add3A_220 : i32 to index
      %swap3A_251 = arith.constant 96 : index
      %swap3A_252 = tpu.vector_load %arg8[%swap3A_250, %swap3A_251] {strides = array<i32>} : memref<128x128xf32, #tpu.memory_space<vmem>>, vector<1x16xf32>,
      %swap3A_253 = vector.shape_cast %swap3A_252 : vector<1x16xf32> to vector<16xf32>
      %swap3A_254 = vector.shape_cast %broadcast_in_dim3A_1 : vector<16xf32> to vector<1x16xf32>
      tpu.vector_store %arg8[%swap3A_250, %swap3A_251], %swap3A_254 {strides = array<i32>} : memref<128x128xf32, #tpu.memory_space<vmem>>, vector<1x16xf32>,
      %swap3A_255 = arith.index_cast %add3A_220 : i32 to index
      %swap3A_256 = arith.constant 112 : index
      %swap3A_257 = tpu.vector_load %arg8[%swap3A_255, %swap3A_256] {strides = array<i32>} : memref<128x128xf32, #tpu.memory_space<vmem>>, vector<1x16xf32>,
      %swap3A_258 = vector.shape_cast %swap3A_257 : vector<1x16xf32> to vector<16xf32>
      %swap3A_259 = vector.shape_cast %broadcast_in_dim3A_1 : vector<16xf32> to vector<1x16xf32>
      tpu.vector_store %arg8[%swap3A_255, %swap3A_256], %swap3A_259 {strides = array<i32>} : memref<128x128xf32, #tpu.memory_space<vmem>>, vector<1x16xf32>,
    }
    %scan3A_5 = arith.constant 128 : i32
    %mul3A_6 = arith.constant 640 : i32
    %mul3A_7 = arith.muli %arg1, %mul3A_6 : i32
    %add3A_8 = arith.constant 0 : i32
    %add3A_9 = arith.addi %mul3A_7, %add3A_8 : i32
    %dma_start3A = arith.constant 0 : i32
    %dma_start3A_10 = tpu.memref_slice %arg10[%add3A_9, %dma_start3A] : memref<10240x128xf32, #tpu.memory_space<vmem_shared>> -> memref<128x128xf32, #tpu.memory_space<vmem_shared>>
    %dma_start3A_11 = arith.constant 0 : i32
    %dma_start3A_12 = tpu.memref_slice %arg10[%add3A_9, %dma_start3A_11] : memref<10240x128xf32, #tpu.memory_space<vmem_shared>> -> memref<128x128xf32, #tpu.memory_space<vmem_shared>>
    tpu.enqueue_dma source(%arg8 : memref<128x128xf32, #tpu.memory_space<vmem>>) target(%dma_start3A_12 : memref<128x128xf32, #tpu.memory_space<vmem_shared>>) target_semaphore(%arg15 : memref<!tpu.dma_semaphore, #tpu.memory_space<semaphore_mem>>)
    %add3A_13 = arith.constant 128 : i32
    %add3A_14 = arith.addi %mul3A_7, %add3A_13 : i32
    %dma_start3A_15 = arith.constant 0 : i32
    %dma_start3A_16 = tpu.memref_slice %arg10[%add3A_14, %dma_start3A_15] : memref<10240x128xf32, #tpu.memory_space<vmem_shared>> -> memref<128x128xf32, #tpu.memory_space<vmem_shared>>
    %dma_start3A_17 = arith.constant 0 : i32
    %dma_start3A_18 = tpu.memref_slice %arg10[%add3A_14, %dma_start3A_17] : memref<10240x128xf32, #tpu.memory_space<vmem_shared>> -> memref<128x128xf32, #tpu.memory_space<vmem_shared>>
    tpu.enqueue_dma source(%arg8 : memref<128x128xf32, #tpu.memory_space<vmem>>) target(%dma_start3A_18 : memref<128x128xf32, #tpu.memory_space<vmem_shared>>) target_semaphore(%arg15 : memref<!tpu.dma_semaphore, #tpu.memory_space<semaphore_mem>>)
    %add3A_19 = arith.constant 256 : i32
    %add3A_20 = arith.addi %mul3A_7, %add3A_19 : i32
    %dma_start3A_21 = arith.constant 0 : i32
    %dma_start3A_22 = tpu.memref_slice %arg10[%add3A_20, %dma_start3A_21] : memref<10240x128xf32, #tpu.memory_space<vmem_shared>> -> memref<128x128xf32, #tpu.memory_space<vmem_shared>>
    %dma_start3A_23 = arith.constant 0 : i32
    %dma_start3A_24 = tpu.memref_slice %arg10[%add3A_20, %dma_start3A_23] : memref<10240x128xf32, #tpu.memory_space<vmem_shared>> -> memref<128x128xf32, #tpu.memory_space<vmem_shared>>
    tpu.enqueue_dma source(%arg8 : memref<128x128xf32, #tpu.memory_space<vmem>>) target(%dma_start3A_24 : memref<128x128xf32, #tpu.memory_space<vmem_shared>>) target_semaphore(%arg15 : memref<!tpu.dma_semaphore, #tpu.memory_space<semaphore_mem>>)
    %add3A_25 = arith.constant 384 : i32
    %add3A_26 = arith.addi %mul3A_7, %add3A_25 : i32
    %dma_start3A_27 = arith.constant 0 : i32
    %dma_start3A_28 = tpu.memref_slice %arg10[%add3A_26, %dma_start3A_27] : memref<10240x128xf32, #tpu.memory_space<vmem_shared>> -> memref<128x128xf32, #tpu.memory_space<vmem_shared>>
    %dma_start3A_29 = arith.constant 0 : i32
    %dma_start3A_30 = tpu.memref_slice %arg10[%add3A_26, %dma_start3A_29] : memref<10240x128xf32, #tpu.memory_space<vmem_shared>> -> memref<128x128xf32, #tpu.memory_space<vmem_shared>>
    tpu.enqueue_dma source(%arg8 : memref<128x128xf32, #tpu.memory_space<vmem>>) target(%dma_start3A_30 : memref<128x128xf32, #tpu.memory_space<vmem_shared>>) target_semaphore(%arg15 : memref<!tpu.dma_semaphore, #tpu.memory_space<semaphore_mem>>)
    %add3A_31 = arith.constant 512 : i32
    %add3A_32 = arith.addi %mul3A_7, %add3A_31 : i32
    %dma_start3A_33 = arith.constant 0 : i32
    %dma_start3A_34 = tpu.memref_slice %arg10[%add3A_32, %dma_start3A_33] : memref<10240x128xf32, #tpu.memory_space<vmem_shared>> -> memref<128x128xf32, #tpu.memory_space<vmem_shared>>
    %dma_start3A_35 = arith.constant 0 : i32
    %dma_start3A_36 = tpu.memref_slice %arg10[%add3A_32, %dma_start3A_35] : memref<10240x128xf32, #tpu.memory_space<vmem_shared>> -> memref<128x128xf32, #tpu.memory_space<vmem_shared>>
    tpu.enqueue_dma source(%arg8 : memref<128x128xf32, #tpu.memory_space<vmem>>) target(%dma_start3A_36 : memref<128x128xf32, #tpu.memory_space<vmem_shared>>) target_semaphore(%arg15 : memref<!tpu.dma_semaphore, #tpu.memory_space<semaphore_mem>>)
    %run_scoped3A = arith.constant 1 : i32
    "tpu.region"() ({
      %run_scoped3A_216 = tpu.sem_alloc : memref<!tpu.dma_semaphore, #tpu.memory_space<semaphore_mem>>
      %dma_start3A_217 = arith.constant 0 : i32
      %dma_start3A_218 = arith.constant 0 : i32
      %dma_start3A_219 = tpu.memref_slice %arg2[%run_scoped3A, %add3A, %dma_start3A_217, %dma_start3A_218] : memref<2x32x80x128xi32, #tpu.memory_space<hbm>> -> memref<1x1x80x128xi32, #tpu.memory_space<hbm>>
      %dma_start3A_220 = tpu.memref_squeeze %dma_start3A_219 : memref<1x1x80x128xi32, #tpu.memory_space<hbm>> -> memref<80x128xi32, #tpu.memory_space<hbm>>
      %dma_start3A_221 = arith.constant 0 : i32
      %dma_start3A_222 = arith.constant 0 : i32
      %dma_start3A_223 = tpu.memref_slice %arg2[%run_scoped3A, %add3A, %dma_start3A_221, %dma_start3A_222] : memref<2x32x80x128xi32, #tpu.memory_space<hbm>> -> memref<1x1x80x128xi32, #tpu.memory_space<hbm>>
      %dma_start3A_224 = tpu.memref_squeeze %dma_start3A_223 : memref<1x1x80x128xi32, #tpu.memory_space<hbm>> -> memref<80x128xi32, #tpu.memory_space<hbm>>
      tpu.enqueue_dma source(%dma_start3A_224 : memref<80x128xi32, #tpu.memory_space<hbm>>) target(%arg5 : memref<80x128xi32, #tpu.memory_space<vmem>>) target_semaphore(%run_scoped3A_216 : memref<!tpu.dma_semaphore, #tpu.memory_space<semaphore_mem>>)
      %dma_wait3A_225 = arith.constant 0 : i32
      %dma_wait3A_226 = arith.constant 0 : i32
      %dma_wait3A_227 = tpu.memref_slice %arg2[%run_scoped3A, %add3A, %dma_wait3A_225, %dma_wait3A_226] : memref<2x32x80x128xi32, #tpu.memory_space<hbm>> -> memref<1x1x80x128xi32, #tpu.memory_space<hbm>>
      %dma_wait3A_228 = tpu.memref_squeeze %dma_wait3A_227 : memref<1x1x80x128xi32, #tpu.memory_space<hbm>> -> memref<80x128xi32, #tpu.memory_space<hbm>>
      %dma_wait3A_229 = arith.constant 0 : i32
      %dma_wait3A_230 = arith.constant 0 : i32
      %dma_wait3A_231 = tpu.memref_slice %arg2[%run_scoped3A, %add3A, %dma_wait3A_229, %dma_wait3A_230] : memref<2x32x80x128xi32, #tpu.memory_space<hbm>> -> memref<1x1x80x128xi32, #tpu.memory_space<hbm>>
      %dma_wait3A_232 = tpu.memref_squeeze %dma_wait3A_231 : memref<1x1x80x128xi32, #tpu.memory_space<hbm>> -> memref<80x128xi32, #tpu.memory_space<hbm>>
      tpu.wait_dma2 semaphore(%run_scoped3A_216 : memref<!tpu.dma_semaphore, #tpu.memory_space<semaphore_mem>>) src(%dma_wait3A_232 : memref<80x128xi32, #tpu.memory_space<hbm>>) dst(%arg5 : memref<80x128xi32, #tpu.memory_space<vmem>>)
      tpu.yield
    }) : () -> ()
    %dma_start3A_37 = arith.constant 0 : i32
    %dma_start3A_38 = arith.constant 0 : i32
    %dma_start3A_39 = arith.constant 0 : i32
    %dma_start3A_40 = tpu.memref_slice %arg2[%dma_start3A_37, %add3A, %dma_start3A_38, %dma_start3A_39] : memref<2x32x80x128xi32, #tpu.memory_space<hbm>> -> memref<1x1x1x128xi32, #tpu.memory_space<hbm>>
    %dma_start3A_41 = tpu.memref_squeeze %dma_start3A_40 : memref<1x1x1x128xi32, #tpu.memory_space<hbm>> -> memref<128xi32, #tpu.memory_space<hbm>>
    %dma_start3A_42 = arith.constant 0 : i32
    %dma_start3A_43 = tpu.memref_slice %arg2[%dma_start3A_37, %add3A, %dma_start3A_38, %dma_start3A_42] : memref<2x32x80x128xi32, #tpu.memory_space<hbm>> -> memref<1x1x1x128xi32, #tpu.memory_space<hbm>>
    %dma_start3A_44 = tpu.memref_squeeze %dma_start3A_43 : memref<1x1x1x128xi32, #tpu.memory_space<hbm>> -> memref<128xi32, #tpu.memory_space<hbm>>
    tpu.enqueue_dma source(%dma_start3A_44 : memref<128xi32, #tpu.memory_space<hbm>>) target(%arg6 : memref<128xi32, #tpu.memory_space<vmem>>) target_semaphore(%arg13 : memref<!tpu.dma_semaphore, #tpu.memory_space<semaphore_mem>>)
    %dma_start3A_45 = arith.constant 0 : i32
    %dma_start3A_46 = arith.constant 1 : i32
    %dma_start3A_47 = arith.constant 0 : i32
    %dma_start3A_48 = tpu.memref_slice %arg2[%dma_start3A_45, %add3A, %dma_start3A_46, %dma_start3A_47] : memref<2x32x80x128xi32, #tpu.memory_space<hbm>> -> memref<1x1x1x128xi32, #tpu.memory_space<hbm>>
    %dma_start3A_49 = tpu.memref_squeeze %dma_start3A_48 : memref<1x1x1x128xi32, #tpu.memory_space<hbm>> -> memref<128xi32, #tpu.memory_space<hbm>>
    %dma_start3A_50 = arith.constant 0 : i32
    %dma_start3A_51 = tpu.memref_slice %arg2[%dma_start3A_45, %add3A, %dma_start3A_46, %dma_start3A_50] : memref<2x32x80x128xi32, #tpu.memory_space<hbm>> -> memref<1x1x1x128xi32, #tpu.memory_space<hbm>>
    %dma_start3A_52 = tpu.memref_squeeze %dma_start3A_51 : memref<1x1x1x128xi32, #tpu.memory_space<hbm>> -> memref<128xi32, #tpu.memory_space<hbm>>
    tpu.enqueue_dma source(%dma_start3A_52 : memref<128xi32, #tpu.memory_space<hbm>>) target(%arg7 : memref<128xi32, #tpu.memory_space<vmem>>) target_semaphore(%arg14 : memref<!tpu.dma_semaphore, #tpu.memory_space<semaphore_mem>>)
    %add3A_53 = arith.constant 0 : i32
    %add3A_54 = arith.addi %mul3A_7, %add3A_53 : i32
    %dma_wait3A = arith.constant 0 : i32
    %dma_wait3A_55 = tpu.memref_slice %arg10[%add3A_54, %dma_wait3A] : memref<10240x128xf32, #tpu.memory_space<vmem_shared>> -> memref<128x128xf32, #tpu.memory_space<vmem_shared>>
    %dma_wait3A_56 = arith.constant 0 : i32
    %dma_wait3A_57 = tpu.memref_slice %arg10[%add3A_54, %dma_wait3A_56] : memref<10240x128xf32, #tpu.memory_space<vmem_shared>> -> memref<128x128xf32, #tpu.memory_space<vmem_shared>>
    tpu.wait_dma2 semaphore(%arg15 : memref<!tpu.dma_semaphore, #tpu.memory_space<semaphore_mem>>) src(%arg8 : memref<128x128xf32, #tpu.memory_space<vmem>>) dst(%dma_wait3A_57 : memref<128x128xf32, #tpu.memory_space<vmem_shared>>)
    %add3A_58 = arith.constant 128 : i32
    %add3A_59 = arith.addi %mul3A_7, %add3A_58 : i32
    %dma_wait3A_60 = arith.constant 0 : i32
    %dma_wait3A_61 = tpu.memref_slice %arg10[%add3A_59, %dma_wait3A_60] : memref<10240x128xf32, #tpu.memory_space<vmem_shared>> -> memref<128x128xf32, #tpu.memory_space<vmem_shared>>
    %dma_wait3A_62 = arith.constant 0 : i32
    %dma_wait3A_63 = tpu.memref_slice %arg10[%add3A_59, %dma_wait3A_62] : memref<10240x128xf32, #tpu.memory_space<vmem_shared>> -> memref<128x128xf32, #tpu.memory_space<vmem_shared>>
    tpu.wait_dma2 semaphore(%arg15 : memref<!tpu.dma_semaphore, #tpu.memory_space<semaphore_mem>>) src(%arg8 : memref<128x128xf32, #tpu.memory_space<vmem>>) dst(%dma_wait3A_63 : memref<128x128xf32, #tpu.memory_space<vmem_shared>>)
    %add3A_64 = arith.constant 256 : i32
    %add3A_65 = arith.addi %mul3A_7, %add3A_64 : i32
    %dma_wait3A_66 = arith.constant 0 : i32
    %dma_wait3A_67 = tpu.memref_slice %arg10[%add3A_65, %dma_wait3A_66] : memref<10240x128xf32, #tpu.memory_space<vmem_shared>> -> memref<128x128xf32, #tpu.memory_space<vmem_shared>>
    %dma_wait3A_68 = arith.constant 0 : i32
    %dma_wait3A_69 = tpu.memref_slice %arg10[%add3A_65, %dma_wait3A_68] : memref<10240x128xf32, #tpu.memory_space<vmem_shared>> -> memref<128x128xf32, #tpu.memory_space<vmem_shared>>
    tpu.wait_dma2 semaphore(%arg15 : memref<!tpu.dma_semaphore, #tpu.memory_space<semaphore_mem>>) src(%arg8 : memref<128x128xf32, #tpu.memory_space<vmem>>) dst(%dma_wait3A_69 : memref<128x128xf32, #tpu.memory_space<vmem_shared>>)
    %add3A_70 = arith.constant 384 : i32
    %add3A_71 = arith.addi %mul3A_7, %add3A_70 : i32
    %dma_wait3A_72 = arith.constant 0 : i32
    %dma_wait3A_73 = tpu.memref_slice %arg10[%add3A_71, %dma_wait3A_72] : memref<10240x128xf32, #tpu.memory_space<vmem_shared>> -> memref<128x128xf32, #tpu.memory_space<vmem_shared>>
    %dma_wait3A_74 = arith.constant 0 : i32
    %dma_wait3A_75 = tpu.memref_slice %arg10[%add3A_71, %dma_wait3A_74] : memref<10240x128xf32, #tpu.memory_space<vmem_shared>> -> memref<128x128xf32, #tpu.memory_space<vmem_shared>>
    tpu.wait_dma2 semaphore(%arg15 : memref<!tpu.dma_semaphore, #tpu.memory_space<semaphore_mem>>) src(%arg8 : memref<128x128xf32, #tpu.memory_space<vmem>>) dst(%dma_wait3A_75 : memref<128x128xf32, #tpu.memory_space<vmem_shared>>)
    %add3A_76 = arith.constant 512 : i32
    %add3A_77 = arith.addi %mul3A_7, %add3A_76 : i32
    %dma_wait3A_78 = arith.constant 0 : i32
    %dma_wait3A_79 = tpu.memref_slice %arg10[%add3A_77, %dma_wait3A_78] : memref<10240x128xf32, #tpu.memory_space<vmem_shared>> -> memref<128x128xf32, #tpu.memory_space<vmem_shared>>
    %dma_wait3A_80 = arith.constant 0 : i32
    %dma_wait3A_81 = tpu.memref_slice %arg10[%add3A_77, %dma_wait3A_80] : memref<10240x128xf32, #tpu.memory_space<vmem_shared>> -> memref<128x128xf32, #tpu.memory_space<vmem_shared>>
    tpu.wait_dma2 semaphore(%arg15 : memref<!tpu.dma_semaphore, #tpu.memory_space<semaphore_mem>>) src(%arg8 : memref<128x128xf32, #tpu.memory_space<vmem>>) dst(%dma_wait3A_81 : memref<128x128xf32, #tpu.memory_space<vmem_shared>>)
    %barrier3A = arith.constant 0 : index
    tpu.barrier barrier_id(%barrier3A)
    %dma_wait3A_82 = arith.constant 0 : i32
    %dma_wait3A_83 = arith.constant 0 : i32
    %dma_wait3A_84 = arith.constant 0 : i32
    %dma_wait3A_85 = tpu.memref_slice %arg2[%dma_wait3A_82, %add3A, %dma_wait3A_83, %dma_wait3A_84] : memref<2x32x80x128xi32, #tpu.memory_space<hbm>> -> memref<1x1x1x128xi32, #tpu.memory_space<hbm>>
    %dma_wait3A_86 = tpu.memref_squeeze %dma_wait3A_85 : memref<1x1x1x128xi32, #tpu.memory_space<hbm>> -> memref<128xi32, #tpu.memory_space<hbm>>
    %dma_wait3A_87 = arith.constant 0 : i32
    %dma_wait3A_88 = tpu.memref_slice %arg2[%dma_wait3A_82, %add3A, %dma_wait3A_83, %dma_wait3A_87] : memref<2x32x80x128xi32, #tpu.memory_space<hbm>> -> memref<1x1x1x128xi32, #tpu.memory_space<hbm>>
    %dma_wait3A_89 = tpu.memref_squeeze %dma_wait3A_88 : memref<1x1x1x128xi32, #tpu.memory_space<hbm>> -> memref<128xi32, #tpu.memory_space<hbm>>
    tpu.wait_dma2 semaphore(%arg13 : memref<!tpu.dma_semaphore, #tpu.memory_space<semaphore_mem>>) src(%dma_wait3A_89 : memref<128xi32, #tpu.memory_space<hbm>>) dst(%arg6 : memref<128xi32, #tpu.memory_space<vmem>>)
    %dma_start3A_90 = arith.constant 0 : i32
    %dma_start3A_91 = arith.constant 0 : i32
    %dma_start3A_92 = tpu.memref_slice %arg3[%dma_start3A_90, %dma_start3A_91] : memref<10240x128xf32, #tpu.memory_space<hbm>> -> memref<10240x128xf32, #tpu.memory_space<hbm>>
    tpu.enqueue_indirect_dma source(%dma_start3A_92 : memref<10240x128xf32, #tpu.memory_space<hbm>>) target(%arg8 : memref<128x128xf32, #tpu.memory_space<vmem>>) offsets(%arg6 : memref<128xi32, #tpu.memory_space<vmem>>) semaphore(%arg11 : memref<!tpu.dma_semaphore, #tpu.memory_space<semaphore_mem>>)
    %dma_wait3A_93 = arith.constant 0 : i32
    %dma_wait3A_94 = arith.constant 1 : i32
    %dma_wait3A_95 = arith.constant 0 : i32
    %dma_wait3A_96 = tpu.memref_slice %arg2[%dma_wait3A_93, %add3A, %dma_wait3A_94, %dma_wait3A_95] : memref<2x32x80x128xi32, #tpu.memory_space<hbm>> -> memref<1x1x1x128xi32, #tpu.memory_space<hbm>>
    %dma_wait3A_97 = tpu.memref_squeeze %dma_wait3A_96 : memref<1x1x1x128xi32, #tpu.memory_space<hbm>> -> memref<128xi32, #tpu.memory_space<hbm>>
    %dma_wait3A_98 = arith.constant 0 : i32
    %dma_wait3A_99 = tpu.memref_slice %arg2[%dma_wait3A_93, %add3A, %dma_wait3A_94, %dma_wait3A_98] : memref<2x32x80x128xi32, #tpu.memory_space<hbm>> -> memref<1x1x1x128xi32, #tpu.memory_space<hbm>>
    %dma_wait3A_100 = tpu.memref_squeeze %dma_wait3A_99 : memref<1x1x1x128xi32, #tpu.memory_space<hbm>> -> memref<128xi32, #tpu.memory_space<hbm>>
    tpu.wait_dma2 semaphore(%arg14 : memref<!tpu.dma_semaphore, #tpu.memory_space<semaphore_mem>>) src(%dma_wait3A_100 : memref<128xi32, #tpu.memory_space<hbm>>) dst(%arg7 : memref<128xi32, #tpu.memory_space<vmem>>)
    %dma_start3A_101 = arith.constant 0 : i32
    %dma_start3A_102 = arith.constant 0 : i32
    %dma_start3A_103 = tpu.memref_slice %arg3[%dma_start3A_101, %dma_start3A_102] : memref<10240x128xf32, #tpu.memory_space<hbm>> -> memref<10240x128xf32, #tpu.memory_space<hbm>>
    tpu.enqueue_indirect_dma source(%dma_start3A_103 : memref<10240x128xf32, #tpu.memory_space<hbm>>) target(%arg9 : memref<128x128xf32, #tpu.memory_space<vmem>>) offsets(%arg7 : memref<128xi32, #tpu.memory_space<vmem>>) semaphore(%arg12 : memref<!tpu.dma_semaphore, #tpu.memory_space<semaphore_mem>>)
    %dma_wait3A_104 = arith.constant 0 : i32
    %dma_wait3A_105 = arith.constant 0 : i32
    %dma_wait3A_106 = tpu.memref_slice %arg3[%dma_wait3A_104, %dma_wait3A_105] : memref<10240x128xf32, #tpu.memory_space<hbm>> -> memref<10240x128xf32, #tpu.memory_space<hbm>>
    tpu.wait_indirect_dma semaphore(%arg11 : memref<!tpu.dma_semaphore, #tpu.memory_space<semaphore_mem>>) src(%dma_wait3A_106 : memref<10240x128xf32, #tpu.memory_space<hbm>>) dst(%arg8 : memref<128x128xf32, #tpu.memory_space<vmem>>)
    %dma_start3A_107 = arith.constant 0 : i32
    %dma_start3A_108 = arith.constant 2 : i32
    %dma_start3A_109 = arith.constant 0 : i32
    %dma_start3A_110 = tpu.memref_slice %arg2[%dma_start3A_107, %add3A, %dma_start3A_108, %dma_start3A_109] : memref<2x32x80x128xi32, #tpu.memory_space<hbm>> -> memref<1x1x1x128xi32, #tpu.memory_space<hbm>>
    %dma_start3A_111 = tpu.memref_squeeze %dma_start3A_110 : memref<1x1x1x128xi32, #tpu.memory_space<hbm>> -> memref<128xi32, #tpu.memory_space<hbm>>
    %dma_start3A_112 = arith.constant 0 : i32
    %dma_start3A_113 = tpu.memref_slice %arg2[%dma_start3A_107, %add3A, %dma_start3A_108, %dma_start3A_112] : memref<2x32x80x128xi32, #tpu.memory_space<hbm>> -> memref<1x1x1x128xi32, #tpu.memory_space<hbm>>
    %dma_start3A_114 = tpu.memref_squeeze %dma_start3A_113 : memref<1x1x1x128xi32, #tpu.memory_space<hbm>> -> memref<128xi32, #tpu.memory_space<hbm>>
    tpu.enqueue_dma source(%dma_start3A_114 : memref<128xi32, #tpu.memory_space<hbm>>) target(%arg6 : memref<128xi32, #tpu.memory_space<vmem>>) target_semaphore(%arg13 : memref<!tpu.dma_semaphore, #tpu.memory_space<semaphore_mem>>)
    %dma_start3A_115 = arith.constant 0 : i32
    %dma_start3A_116 = arith.constant 0 : i32
    %dma_start3A_117 = tpu.memref_slice %arg5[%dma_start3A_115, %dma_start3A_116] : memref<80x128xi32, #tpu.memory_space<vmem>> -> memref<1x128xi32, #tpu.memory_space<vmem>>
    %dma_start3A_118 = tpu.memref_squeeze %dma_start3A_117 : memref<1x128xi32, #tpu.memory_space<vmem>> -> memref<128xi32, #tpu.memory_space<vmem>>
    %dma_start3A_119 = arith.constant 0 : i32
    %dma_start3A_120 = arith.constant 0 : i32
    %dma_start3A_121 = tpu.memref_slice %arg10[%dma_start3A_119, %dma_start3A_120] : memref<10240x128xf32, #tpu.memory_space<vmem_shared>> -> memref<10240x128xf32, #tpu.memory_space<vmem_shared>>
    tpu.enqueue_indirect_dma source(%arg8 : memref<128x128xf32, #tpu.memory_space<vmem>>) target(%dma_start3A_121 : memref<10240x128xf32, #tpu.memory_space<vmem_shared>>) offsets(%dma_start3A_118 : memref<128xi32, #tpu.memory_space<vmem>>) semaphore(%arg15 : memref<!tpu.dma_semaphore, #tpu.memory_space<semaphore_mem>>) {add = true}
    %dma_wait3A_122 = arith.constant 0 : i32
    %dma_wait3A_123 = arith.constant 0 : i32
    %dma_wait3A_124 = tpu.memref_slice %arg3[%dma_wait3A_122, %dma_wait3A_123] : memref<10240x128xf32, #tpu.memory_space<hbm>> -> memref<10240x128xf32, #tpu.memory_space<hbm>>
    tpu.wait_indirect_dma semaphore(%arg12 : memref<!tpu.dma_semaphore, #tpu.memory_space<semaphore_mem>>) src(%dma_wait3A_124 : memref<10240x128xf32, #tpu.memory_space<hbm>>) dst(%arg9 : memref<128x128xf32, #tpu.memory_space<vmem>>)
    %dma_start3A_125 = arith.constant 0 : i32
    %dma_start3A_126 = arith.constant 3 : i32
    %dma_start3A_127 = arith.constant 0 : i32
    %dma_start3A_128 = tpu.memref_slice %arg2[%dma_start3A_125, %add3A, %dma_start3A_126, %dma_start3A_127] : memref<2x32x80x128xi32, #tpu.memory_space<hbm>> -> memref<1x1x1x128xi32, #tpu.memory_space<hbm>>
    %dma_start3A_129 = tpu.memref_squeeze %dma_start3A_128 : memref<1x1x1x128xi32, #tpu.memory_space<hbm>> -> memref<128xi32, #tpu.memory_space<hbm>>
    %dma_start3A_130 = arith.constant 0 : i32
    %dma_start3A_131 = tpu.memref_slice %arg2[%dma_start3A_125, %add3A, %dma_start3A_126, %dma_start3A_130] : memref<2x32x80x128xi32, #tpu.memory_space<hbm>> -> memref<1x1x1x128xi32, #tpu.memory_space<hbm>>
    %dma_start3A_132 = tpu.memref_squeeze %dma_start3A_131 : memref<1x1x1x128xi32, #tpu.memory_space<hbm>> -> memref<128xi32, #tpu.memory_space<hbm>>
    tpu.enqueue_dma source(%dma_start3A_132 : memref<128xi32, #tpu.memory_space<hbm>>) target(%arg7 : memref<128xi32, #tpu.memory_space<vmem>>) target_semaphore(%arg14 : memref<!tpu.dma_semaphore, #tpu.memory_space<semaphore_mem>>)
    %dma_start3A_133 = arith.constant 1 : i32
    %dma_start3A_134 = arith.constant 0 : i32
    %dma_start3A_135 = tpu.memref_slice %arg5[%dma_start3A_133, %dma_start3A_134] : memref<80x128xi32, #tpu.memory_space<vmem>> -> memref<1x128xi32, #tpu.memory_space<vmem>>
    %dma_start3A_136 = tpu.memref_squeeze %dma_start3A_135 : memref<1x128xi32, #tpu.memory_space<vmem>> -> memref<128xi32, #tpu.memory_space<vmem>>
    %dma_start3A_137 = arith.constant 0 : i32
    %dma_start3A_138 = arith.constant 0 : i32
    %dma_start3A_139 = tpu.memref_slice %arg10[%dma_start3A_137, %dma_start3A_138] : memref<10240x128xf32, #tpu.memory_space<vmem_shared>> -> memref<10240x128xf32, #tpu.memory_space<vmem_shared>>
    tpu.enqueue_indirect_dma source(%arg9 : memref<128x128xf32, #tpu.memory_space<vmem>>) target(%dma_start3A_139 : memref<10240x128xf32, #tpu.memory_space<vmem_shared>>) offsets(%dma_start3A_136 : memref<128xi32, #tpu.memory_space<vmem>>) semaphore(%arg16 : memref<!tpu.dma_semaphore, #tpu.memory_space<semaphore_mem>>) {add = true}
    %scan3A_140 = arith.constant 0 : i32
    %scan3A_141 = arith.constant 38 : i32
    %scan3A_142 = arith.addi %scan3A_140, %scan3A_141 : i32
    %scan3A_143 = arith.constant 1 : i32
    scf.for %scan3A_216 = %scan3A_140 to %scan3A_142 step %scan3A_143  : i32 {
      %mul3A_217 = arith.constant 1 : i32
      %mul3A_218 = arith.muli %scan3A_216, %mul3A_217 : i32
      %add3A_219 = arith.constant 1 : i32
      %add3A_220 = arith.addi %add3A_219, %mul3A_218 : i32
      %mul3A_221 = arith.constant 2 : i32
      %mul3A_222 = arith.muli %mul3A_221, %add3A_220 : i32
      %add3A_223 = arith.constant 0 : i32
      %add3A_224 = arith.addi %mul3A_222, %add3A_223 : i32
      %sub3A = arith.constant 2 : i32
      %sub3A_225 = arith.subi %add3A_224, %sub3A : i32
      %dma_wait3A_226 = arith.constant 0 : i32
      %dma_wait3A_227 = tpu.memref_slice %arg5[%sub3A_225, %dma_wait3A_226] : memref<80x128xi32, #tpu.memory_space<vmem>> -> memref<1x128xi32, #tpu.memory_space<vmem>>
      %dma_wait3A_228 = tpu.memref_squeeze %dma_wait3A_227 : memref<1x128xi32, #tpu.memory_space<vmem>> -> memref<128xi32, #tpu.memory_space<vmem>>
      %dma_wait3A_229 = arith.constant 0 : i32
      %dma_wait3A_230 = arith.constant 0 : i32
      %dma_wait3A_231 = tpu.memref_slice %arg10[%dma_wait3A_229, %dma_wait3A_230] : memref<10240x128xf32, #tpu.memory_space<vmem_shared>> -> memref<10240x128xf32, #tpu.memory_space<vmem_shared>>
      tpu.wait_indirect_dma semaphore(%arg15 : memref<!tpu.dma_semaphore, #tpu.memory_space<semaphore_mem>>) src(%arg8 : memref<128x128xf32, #tpu.memory_space<vmem>>) dst(%dma_wait3A_231 : memref<10240x128xf32, #tpu.memory_space<vmem_shared>>)
      %dma_wait3A_232 = arith.constant 0 : i32
      %dma_wait3A_233 = arith.constant 0 : i32
      %dma_wait3A_234 = tpu.memref_slice %arg2[%dma_wait3A_232, %add3A, %add3A_224, %dma_wait3A_233] : memref<2x32x80x128xi32, #tpu.memory_space<hbm>> -> memref<1x1x1x128xi32, #tpu.memory_space<hbm>>
      %dma_wait3A_235 = tpu.memref_squeeze %dma_wait3A_234 : memref<1x1x1x128xi32, #tpu.memory_space<hbm>> -> memref<128xi32, #tpu.memory_space<hbm>>
      %dma_wait3A_236 = arith.constant 0 : i32
      %dma_wait3A_237 = tpu.memref_slice %arg2[%dma_wait3A_232, %add3A, %add3A_224, %dma_wait3A_236] : memref<2x32x80x128xi32, #tpu.memory_space<hbm>> -> memref<1x1x1x128xi32, #tpu.memory_space<hbm>>
      %dma_wait3A_238 = tpu.memref_squeeze %dma_wait3A_237 : memref<1x1x1x128xi32, #tpu.memory_space<hbm>> -> memref<128xi32, #tpu.memory_space<hbm>>
      tpu.wait_dma2 semaphore(%arg13 : memref<!tpu.dma_semaphore, #tpu.memory_space<semaphore_mem>>) src(%dma_wait3A_238 : memref<128xi32, #tpu.memory_space<hbm>>) dst(%arg6 : memref<128xi32, #tpu.memory_space<vmem>>)
      %dma_start3A_239 = arith.constant 0 : i32
      %dma_start3A_240 = arith.constant 0 : i32
      %dma_start3A_241 = tpu.memref_slice %arg3[%dma_start3A_239, %dma_start3A_240] : memref<10240x128xf32, #tpu.memory_space<hbm>> -> memref<10240x128xf32, #tpu.memory_space<hbm>>
      tpu.enqueue_indirect_dma source(%dma_start3A_241 : memref<10240x128xf32, #tpu.memory_space<hbm>>) target(%arg8 : memref<128x128xf32, #tpu.memory_space<vmem>>) offsets(%arg6 : memref<128xi32, #tpu.memory_space<vmem>>) semaphore(%arg11 : memref<!tpu.dma_semaphore, #tpu.memory_space<semaphore_mem>>)
      %mul3A_242 = arith.constant 2 : i32
      %mul3A_243 = arith.muli %mul3A_242, %add3A_220 : i32
      %add3A_244 = arith.constant 1 : i32
      %add3A_245 = arith.addi %mul3A_243, %add3A_244 : i32
      %sub3A_246 = arith.constant 2 : i32
      %sub3A_247 = arith.subi %add3A_245, %sub3A_246 : i32
      %dma_wait3A_248 = arith.constant 0 : i32
      %dma_wait3A_249 = tpu.memref_slice %arg5[%sub3A_247, %dma_wait3A_248] : memref<80x128xi32, #tpu.memory_space<vmem>> -> memref<1x128xi32, #tpu.memory_space<vmem>>
      %dma_wait3A_250 = tpu.memref_squeeze %dma_wait3A_249 : memref<1x128xi32, #tpu.memory_space<vmem>> -> memref<128xi32, #tpu.memory_space<vmem>>
      %dma_wait3A_251 = arith.constant 0 : i32
      %dma_wait3A_252 = arith.constant 0 : i32
      %dma_wait3A_253 = tpu.memref_slice %arg10[%dma_wait3A_251, %dma_wait3A_252] : memref<10240x128xf32, #tpu.memory_space<vmem_shared>> -> memref<10240x128xf32, #tpu.memory_space<vmem_shared>>
      tpu.wait_indirect_dma semaphore(%arg16 : memref<!tpu.dma_semaphore, #tpu.memory_space<semaphore_mem>>) src(%arg9 : memref<128x128xf32, #tpu.memory_space<vmem>>) dst(%dma_wait3A_253 : memref<10240x128xf32, #tpu.memory_space<vmem_shared>>)
      %dma_wait3A_254 = arith.constant 0 : i32
      %dma_wait3A_255 = arith.constant 0 : i32
      %dma_wait3A_256 = tpu.memref_slice %arg2[%dma_wait3A_254, %add3A, %add3A_245, %dma_wait3A_255] : memref<2x32x80x128xi32, #tpu.memory_space<hbm>> -> memref<1x1x1x128xi32, #tpu.memory_space<hbm>>
      %dma_wait3A_257 = tpu.memref_squeeze %dma_wait3A_256 : memref<1x1x1x128xi32, #tpu.memory_space<hbm>> -> memref<128xi32, #tpu.memory_space<hbm>>
      %dma_wait3A_258 = arith.constant 0 : i32
      %dma_wait3A_259 = tpu.memref_slice %arg2[%dma_wait3A_254, %add3A, %add3A_245, %dma_wait3A_258] : memref<2x32x80x128xi32, #tpu.memory_space<hbm>> -> memref<1x1x1x128xi32, #tpu.memory_space<hbm>>
      %dma_wait3A_260 = tpu.memref_squeeze %dma_wait3A_259 : memref<1x1x1x128xi32, #tpu.memory_space<hbm>> -> memref<128xi32, #tpu.memory_space<hbm>>
      tpu.wait_dma2 semaphore(%arg14 : memref<!tpu.dma_semaphore, #tpu.memory_space<semaphore_mem>>) src(%dma_wait3A_260 : memref<128xi32, #tpu.memory_space<hbm>>) dst(%arg7 : memref<128xi32, #tpu.memory_space<vmem>>)
      %dma_start3A_261 = arith.constant 0 : i32
      %dma_start3A_262 = arith.constant 0 : i32
      %dma_start3A_263 = tpu.memref_slice %arg3[%dma_start3A_261, %dma_start3A_262] : memref<10240x128xf32, #tpu.memory_space<hbm>> -> memref<10240x128xf32, #tpu.memory_space<hbm>>
      tpu.enqueue_indirect_dma source(%dma_start3A_263 : memref<10240x128xf32, #tpu.memory_space<hbm>>) target(%arg9 : memref<128x128xf32, #tpu.memory_space<vmem>>) offsets(%arg7 : memref<128xi32, #tpu.memory_space<vmem>>) semaphore(%arg12 : memref<!tpu.dma_semaphore, #tpu.memory_space<semaphore_mem>>)
      %mul3A_264 = arith.constant 2 : i32
      %mul3A_265 = arith.muli %mul3A_264, %add3A_220 : i32
      %add3A_266 = arith.constant 0 : i32
      %add3A_267 = arith.addi %mul3A_265, %add3A_266 : i32
      %dma_wait3A_268 = arith.constant 0 : i32
      %dma_wait3A_269 = arith.constant 0 : i32
      %dma_wait3A_270 = tpu.memref_slice %arg3[%dma_wait3A_268, %dma_wait3A_269] : memref<10240x128xf32, #tpu.memory_space<hbm>> -> memref<10240x128xf32, #tpu.memory_space<hbm>>
      tpu.wait_indirect_dma semaphore(%arg11 : memref<!tpu.dma_semaphore, #tpu.memory_space<semaphore_mem>>) src(%dma_wait3A_270 : memref<10240x128xf32, #tpu.memory_space<hbm>>) dst(%arg8 : memref<128x128xf32, #tpu.memory_space<vmem>>)
      %add3A_271 = arith.constant 2 : i32
      %add3A_272 = arith.addi %add3A_267, %add3A_271 : i32
      %dma_start3A_273 = arith.constant 0 : i32
      %dma_start3A_274 = arith.constant 0 : i32
      %dma_start3A_275 = tpu.memref_slice %arg2[%dma_start3A_273, %add3A, %add3A_272, %dma_start3A_274] : memref<2x32x80x128xi32, #tpu.memory_space<hbm>> -> memref<1x1x1x128xi32, #tpu.memory_space<hbm>>
      %dma_start3A_276 = tpu.memref_squeeze %dma_start3A_275 : memref<1x1x1x128xi32, #tpu.memory_space<hbm>> -> memref<128xi32, #tpu.memory_space<hbm>>
      %dma_start3A_277 = arith.constant 0 : i32
      %dma_start3A_278 = tpu.memref_slice %arg2[%dma_start3A_273, %add3A, %add3A_272, %dma_start3A_277] : memref<2x32x80x128xi32, #tpu.memory_space<hbm>> -> memref<1x1x1x128xi32, #tpu.memory_space<hbm>>
      %dma_start3A_279 = tpu.memref_squeeze %dma_start3A_278 : memref<1x1x1x128xi32, #tpu.memory_space<hbm>> -> memref<128xi32, #tpu.memory_space<hbm>>
      tpu.enqueue_dma source(%dma_start3A_279 : memref<128xi32, #tpu.memory_space<hbm>>) target(%arg6 : memref<128xi32, #tpu.memory_space<vmem>>) target_semaphore(%arg13 : memref<!tpu.dma_semaphore, #tpu.memory_space<semaphore_mem>>)
      %dma_start3A_280 = arith.constant 0 : i32
      %dma_start3A_281 = tpu.memref_slice %arg5[%add3A_267, %dma_start3A_280] : memref<80x128xi32, #tpu.memory_space<vmem>> -> memref<1x128xi32, #tpu.memory_space<vmem>>
      %dma_start3A_282 = tpu.memref_squeeze %dma_start3A_281 : memref<1x128xi32, #tpu.memory_space<vmem>> -> memref<128xi32, #tpu.memory_space<vmem>>
      %dma_start3A_283 = arith.constant 0 : i32
      %dma_start3A_284 = arith.constant 0 : i32
      %dma_start3A_285 = tpu.memref_slice %arg10[%dma_start3A_283, %dma_start3A_284] : memref<10240x128xf32, #tpu.memory_space<vmem_shared>> -> memref<10240x128xf32, #tpu.memory_space<vmem_shared>>
      tpu.enqueue_indirect_dma source(%arg8 : memref<128x128xf32, #tpu.memory_space<vmem>>) target(%dma_start3A_285 : memref<10240x128xf32, #tpu.memory_space<vmem_shared>>) offsets(%dma_start3A_282 : memref<128xi32, #tpu.memory_space<vmem>>) semaphore(%arg15 : memref<!tpu.dma_semaphore, #tpu.memory_space<semaphore_mem>>) {add = true}
      %mul3A_286 = arith.constant 2 : i32
      %mul3A_287 = arith.muli %mul3A_286, %add3A_220 : i32
      %add3A_288 = arith.constant 1 : i32
      %add3A_289 = arith.addi %mul3A_287, %add3A_288 : i32
      %dma_wait3A_290 = arith.constant 0 : i32
      %dma_wait3A_291 = arith.constant 0 : i32
      %dma_wait3A_292 = tpu.memref_slice %arg3[%dma_wait3A_290, %dma_wait3A_291] : memref<10240x128xf32, #tpu.memory_space<hbm>> -> memref<10240x128xf32, #tpu.memory_space<hbm>>
      tpu.wait_indirect_dma semaphore(%arg12 : memref<!tpu.dma_semaphore, #tpu.memory_space<semaphore_mem>>) src(%dma_wait3A_292 : memref<10240x128xf32, #tpu.memory_space<hbm>>) dst(%arg9 : memref<128x128xf32, #tpu.memory_space<vmem>>)
      %add3A_293 = arith.constant 2 : i32
      %add3A_294 = arith.addi %add3A_289, %add3A_293 : i32
      %dma_start3A_295 = arith.constant 0 : i32
      %dma_start3A_296 = arith.constant 0 : i32
      %dma_start3A_297 = tpu.memref_slice %arg2[%dma_start3A_295, %add3A, %add3A_294, %dma_start3A_296] : memref<2x32x80x128xi32, #tpu.memory_space<hbm>> -> memref<1x1x1x128xi32, #tpu.memory_space<hbm>>
      %dma_start3A_298 = tpu.memref_squeeze %dma_start3A_297 : memref<1x1x1x128xi32, #tpu.memory_space<hbm>> -> memref<128xi32, #tpu.memory_space<hbm>>
      %dma_start3A_299 = arith.constant 0 : i32
      %dma_start3A_300 = tpu.memref_slice %arg2[%dma_start3A_295, %add3A, %add3A_294, %dma_start3A_299] : memref<2x32x80x128xi32, #tpu.memory_space<hbm>> -> memref<1x1x1x128xi32, #tpu.memory_space<hbm>>
      %dma_start3A_301 = tpu.memref_squeeze %dma_start3A_300 : memref<1x1x1x128xi32, #tpu.memory_space<hbm>> -> memref<128xi32, #tpu.memory_space<hbm>>
      tpu.enqueue_dma source(%dma_start3A_301 : memref<128xi32, #tpu.memory_space<hbm>>) target(%arg7 : memref<128xi32, #tpu.memory_space<vmem>>) target_semaphore(%arg14 : memref<!tpu.dma_semaphore, #tpu.memory_space<semaphore_mem>>)
      %dma_start3A_302 = arith.constant 0 : i32
      %dma_start3A_303 = tpu.memref_slice %arg5[%add3A_289, %dma_start3A_302] : memref<80x128xi32, #tpu.memory_space<vmem>> -> memref<1x128xi32, #tpu.memory_space<vmem>>
      %dma_start3A_304 = tpu.memref_squeeze %dma_start3A_303 : memref<1x128xi32, #tpu.memory_space<vmem>> -> memref<128xi32, #tpu.memory_space<vmem>>
      %dma_start3A_305 = arith.constant 0 : i32
      %dma_start3A_306 = arith.constant 0 : i32
      %dma_start3A_307 = tpu.memref_slice %arg10[%dma_start3A_305, %dma_start3A_306] : memref<10240x128xf32, #tpu.memory_space<vmem_shared>> -> memref<10240x128xf32, #tpu.memory_space<vmem_shared>>
      tpu.enqueue_indirect_dma source(%arg9 : memref<128x128xf32, #tpu.memory_space<vmem>>) target(%dma_start3A_307 : memref<10240x128xf32, #tpu.memory_space<vmem_shared>>) offsets(%dma_start3A_304 : memref<128xi32, #tpu.memory_space<vmem>>) semaphore(%arg16 : memref<!tpu.dma_semaphore, #tpu.memory_space<semaphore_mem>>) {add = true}
    }
    %scan3A_144 = arith.constant 38 : i32
    %dma_wait3A_145 = arith.constant 76 : i32
    %dma_wait3A_146 = arith.constant 0 : i32
    %dma_wait3A_147 = tpu.memref_slice %arg5[%dma_wait3A_145, %dma_wait3A_146] : memref<80x128xi32, #tpu.memory_space<vmem>> -> memref<1x128xi32, #tpu.memory_space<vmem>>
    %dma_wait3A_148 = tpu.memref_squeeze %dma_wait3A_147 : memref<1x128xi32, #tpu.memory_space<vmem>> -> memref<128xi32, #tpu.memory_space<vmem>>
    %dma_wait3A_149 = arith.constant 0 : i32
    %dma_wait3A_150 = arith.constant 0 : i32
    %dma_wait3A_151 = tpu.memref_slice %arg10[%dma_wait3A_149, %dma_wait3A_150] : memref<10240x128xf32, #tpu.memory_space<vmem_shared>> -> memref<10240x128xf32, #tpu.memory_space<vmem_shared>>
    tpu.wait_indirect_dma semaphore(%arg15 : memref<!tpu.dma_semaphore, #tpu.memory_space<semaphore_mem>>) src(%arg8 : memref<128x128xf32, #tpu.memory_space<vmem>>) dst(%dma_wait3A_151 : memref<10240x128xf32, #tpu.memory_space<vmem_shared>>)
    %dma_wait3A_152 = arith.constant 0 : i32
    %dma_wait3A_153 = arith.constant 78 : i32
    %dma_wait3A_154 = arith.constant 0 : i32
    %dma_wait3A_155 = tpu.memref_slice %arg2[%dma_wait3A_152, %add3A, %dma_wait3A_153, %dma_wait3A_154] : memref<2x32x80x128xi32, #tpu.memory_space<hbm>> -> memref<1x1x1x128xi32, #tpu.memory_space<hbm>>
    %dma_wait3A_156 = tpu.memref_squeeze %dma_wait3A_155 : memref<1x1x1x128xi32, #tpu.memory_space<hbm>> -> memref<128xi32, #tpu.memory_space<hbm>>
    %dma_wait3A_157 = arith.constant 0 : i32
    %dma_wait3A_158 = tpu.memref_slice %arg2[%dma_wait3A_152, %add3A, %dma_wait3A_153, %dma_wait3A_157] : memref<2x32x80x128xi32, #tpu.memory_space<hbm>> -> memref<1x1x1x128xi32, #tpu.memory_space<hbm>>
    %dma_wait3A_159 = tpu.memref_squeeze %dma_wait3A_158 : memref<1x1x1x128xi32, #tpu.memory_space<hbm>> -> memref<128xi32, #tpu.memory_space<hbm>>
    tpu.wait_dma2 semaphore(%arg13 : memref<!tpu.dma_semaphore, #tpu.memory_space<semaphore_mem>>) src(%dma_wait3A_159 : memref<128xi32, #tpu.memory_space<hbm>>) dst(%arg6 : memref<128xi32, #tpu.memory_space<vmem>>)
    %dma_start3A_160 = arith.constant 0 : i32
    %dma_start3A_161 = arith.constant 0 : i32
    %dma_start3A_162 = tpu.memref_slice %arg3[%dma_start3A_160, %dma_start3A_161] : memref<10240x128xf32, #tpu.memory_space<hbm>> -> memref<10240x128xf32, #tpu.memory_space<hbm>>
    tpu.enqueue_indirect_dma source(%dma_start3A_162 : memref<10240x128xf32, #tpu.memory_space<hbm>>) target(%arg8 : memref<128x128xf32, #tpu.memory_space<vmem>>) offsets(%arg6 : memref<128xi32, #tpu.memory_space<vmem>>) semaphore(%arg11 : memref<!tpu.dma_semaphore, #tpu.memory_space<semaphore_mem>>)
    %dma_wait3A_163 = arith.constant 77 : i32
    %dma_wait3A_164 = arith.constant 0 : i32
    %dma_wait3A_165 = tpu.memref_slice %arg5[%dma_wait3A_163, %dma_wait3A_164] : memref<80x128xi32, #tpu.memory_space<vmem>> -> memref<1x128xi32, #tpu.memory_space<vmem>>
    %dma_wait3A_166 = tpu.memref_squeeze %dma_wait3A_165 : memref<1x128xi32, #tpu.memory_space<vmem>> -> memref<128xi32, #tpu.memory_space<vmem>>
    %dma_wait3A_167 = arith.constant 0 : i32
    %dma_wait3A_168 = arith.constant 0 : i32
    %dma_wait3A_169 = tpu.memref_slice %arg10[%dma_wait3A_167, %dma_wait3A_168] : memref<10240x128xf32, #tpu.memory_space<vmem_shared>> -> memref<10240x128xf32, #tpu.memory_space<vmem_shared>>
    tpu.wait_indirect_dma semaphore(%arg16 : memref<!tpu.dma_semaphore, #tpu.memory_space<semaphore_mem>>) src(%arg9 : memref<128x128xf32, #tpu.memory_space<vmem>>) dst(%dma_wait3A_169 : memref<10240x128xf32, #tpu.memory_space<vmem_shared>>)
    %dma_wait3A_170 = arith.constant 0 : i32
    %dma_wait3A_171 = arith.constant 79 : i32
    %dma_wait3A_172 = arith.constant 0 : i32
    %dma_wait3A_173 = tpu.memref_slice %arg2[%dma_wait3A_170, %add3A, %dma_wait3A_171, %dma_wait3A_172] : memref<2x32x80x128xi32, #tpu.memory_space<hbm>> -> memref<1x1x1x128xi32, #tpu.memory_space<hbm>>
    %dma_wait3A_174 = tpu.memref_squeeze %dma_wait3A_173 : memref<1x1x1x128xi32, #tpu.memory_space<hbm>> -> memref<128xi32, #tpu.memory_space<hbm>>
    %dma_wait3A_175 = arith.constant 0 : i32
    %dma_wait3A_176 = tpu.memref_slice %arg2[%dma_wait3A_170, %add3A, %dma_wait3A_171, %dma_wait3A_175] : memref<2x32x80x128xi32, #tpu.memory_space<hbm>> -> memref<1x1x1x128xi32, #tpu.memory_space<hbm>>
    %dma_wait3A_177 = tpu.memref_squeeze %dma_wait3A_176 : memref<1x1x1x128xi32, #tpu.memory_space<hbm>> -> memref<128xi32, #tpu.memory_space<hbm>>
    tpu.wait_dma2 semaphore(%arg14 : memref<!tpu.dma_semaphore, #tpu.memory_space<semaphore_mem>>) src(%dma_wait3A_177 : memref<128xi32, #tpu.memory_space<hbm>>) dst(%arg7 : memref<128xi32, #tpu.memory_space<vmem>>)
    %dma_start3A_178 = arith.constant 0 : i32
    %dma_start3A_179 = arith.constant 0 : i32
    %dma_start3A_180 = tpu.memref_slice %arg3[%dma_start3A_178, %dma_start3A_179] : memref<10240x128xf32, #tpu.memory_space<hbm>> -> memref<10240x128xf32, #tpu.memory_space<hbm>>
    tpu.enqueue_indirect_dma source(%dma_start3A_180 : memref<10240x128xf32, #tpu.memory_space<hbm>>) target(%arg9 : memref<128x128xf32, #tpu.memory_space<vmem>>) offsets(%arg7 : memref<128xi32, #tpu.memory_space<vmem>>) semaphore(%arg12 : memref<!tpu.dma_semaphore, #tpu.memory_space<semaphore_mem>>)
    %dma_wait3A_181 = arith.constant 0 : i32
    %dma_wait3A_182 = arith.constant 0 : i32
    %dma_wait3A_183 = tpu.memref_slice %arg3[%dma_wait3A_181, %dma_wait3A_182] : memref<10240x128xf32, #tpu.memory_space<hbm>> -> memref<10240x128xf32, #tpu.memory_space<hbm>>
    tpu.wait_indirect_dma semaphore(%arg11 : memref<!tpu.dma_semaphore, #tpu.memory_space<semaphore_mem>>) src(%dma_wait3A_183 : memref<10240x128xf32, #tpu.memory_space<hbm>>) dst(%arg8 : memref<128x128xf32, #tpu.memory_space<vmem>>)
    %dma_start3A_184 = arith.constant 78 : i32
    %dma_start3A_185 = arith.constant 0 : i32
    %dma_start3A_186 = tpu.memref_slice %arg5[%dma_start3A_184, %dma_start3A_185] : memref<80x128xi32, #tpu.memory_space<vmem>> -> memref<1x128xi32, #tpu.memory_space<vmem>>
    %dma_start3A_187 = tpu.memref_squeeze %dma_start3A_186 : memref<1x128xi32, #tpu.memory_space<vmem>> -> memref<128xi32, #tpu.memory_space<vmem>>
    %dma_start3A_188 = arith.constant 0 : i32
    %dma_start3A_189 = arith.constant 0 : i32
    %dma_start3A_190 = tpu.memref_slice %arg10[%dma_start3A_188, %dma_start3A_189] : memref<10240x128xf32, #tpu.memory_space<vmem_shared>> -> memref<10240x128xf32, #tpu.memory_space<vmem_shared>>
    tpu.enqueue_indirect_dma source(%arg8 : memref<128x128xf32, #tpu.memory_space<vmem>>) target(%dma_start3A_190 : memref<10240x128xf32, #tpu.memory_space<vmem_shared>>) offsets(%dma_start3A_187 : memref<128xi32, #tpu.memory_space<vmem>>) semaphore(%arg15 : memref<!tpu.dma_semaphore, #tpu.memory_space<semaphore_mem>>) {add = true}
    %dma_wait3A_191 = arith.constant 0 : i32
    %dma_wait3A_192 = arith.constant 0 : i32
    %dma_wait3A_193 = tpu.memref_slice %arg3[%dma_wait3A_191, %dma_wait3A_192] : memref<10240x128xf32, #tpu.memory_space<hbm>> -> memref<10240x128xf32, #tpu.memory_space<hbm>>
    tpu.wait_indirect_dma semaphore(%arg12 : memref<!tpu.dma_semaphore, #tpu.memory_space<semaphore_mem>>) src(%dma_wait3A_193 : memref<10240x128xf32, #tpu.memory_space<hbm>>) dst(%arg9 : memref<128x128xf32, #tpu.memory_space<vmem>>)
    %dma_start3A_194 = arith.constant 79 : i32
    %dma_start3A_195 = arith.constant 0 : i32
    %dma_start3A_196 = tpu.memref_slice %arg5[%dma_start3A_194, %dma_start3A_195] : memref<80x128xi32, #tpu.memory_space<vmem>> -> memref<1x128xi32, #tpu.memory_space<vmem>>
    %dma_start3A_197 = tpu.memref_squeeze %dma_start3A_196 : memref<1x128xi32, #tpu.memory_space<vmem>> -> memref<128xi32, #tpu.memory_space<vmem>>
    %dma_start3A_198 = arith.constant 0 : i32
    %dma_start3A_199 = arith.constant 0 : i32
    %dma_start3A_200 = tpu.memref_slice %arg10[%dma_start3A_198, %dma_start3A_199] : memref<10240x128xf32, #tpu.memory_space<vmem_shared>> -> memref<10240x128xf32, #tpu.memory_space<vmem_shared>>
    tpu.enqueue_indirect_dma source(%arg9 : memref<128x128xf32, #tpu.memory_space<vmem>>) target(%dma_start3A_200 : memref<10240x128xf32, #tpu.memory_space<vmem_shared>>) offsets(%dma_start3A_197 : memref<128xi32, #tpu.memory_space<vmem>>) semaphore(%arg16 : memref<!tpu.dma_semaphore, #tpu.memory_space<semaphore_mem>>) {add = true}
    %dma_wait3A_201 = arith.constant 78 : i32
    %dma_wait3A_202 = arith.constant 0 : i32
    %dma_wait3A_203 = tpu.memref_slice %arg5[%dma_wait3A_201, %dma_wait3A_202] : memref<80x128xi32, #tpu.memory_space<vmem>> -> memref<1x128xi32, #tpu.memory_space<vmem>>
    %dma_wait3A_204 = tpu.memref_squeeze %dma_wait3A_203 : memref<1x128xi32, #tpu.memory_space<vmem>> -> memref<128xi32, #tpu.memory_space<vmem>>
    %dma_wait3A_205 = arith.constant 0 : i32
    %dma_wait3A_206 = arith.constant 0 : i32
    %dma_wait3A_207 = tpu.memref_slice %arg10[%dma_wait3A_205, %dma_wait3A_206] : memref<10240x128xf32, #tpu.memory_space<vmem_shared>> -> memref<10240x128xf32, #tpu.memory_space<vmem_shared>>
    tpu.wait_indirect_dma semaphore(%arg15 : memref<!tpu.dma_semaphore, #tpu.memory_space<semaphore_mem>>) src(%arg8 : memref<128x128xf32, #tpu.memory_space<vmem>>) dst(%dma_wait3A_207 : memref<10240x128xf32, #tpu.memory_space<vmem_shared>>)
    %dma_wait3A_208 = arith.constant 79 : i32
    %dma_wait3A_209 = arith.constant 0 : i32
    %dma_wait3A_210 = tpu.memref_slice %arg5[%dma_wait3A_208, %dma_wait3A_209] : memref<80x128xi32, #tpu.memory_space<vmem>> -> memref<1x128xi32, #tpu.memory_space<vmem>>
    %dma_wait3A_211 = tpu.memref_squeeze %dma_wait3A_210 : memref<1x128xi32, #tpu.memory_space<vmem>> -> memref<128xi32, #tpu.memory_space<vmem>>
    %dma_wait3A_212 = arith.constant 0 : i32
    %dma_wait3A_213 = arith.constant 0 : i32
    %dma_wait3A_214 = tpu.memref_slice %arg10[%dma_wait3A_212, %dma_wait3A_213] : memref<10240x128xf32, #tpu.memory_space<vmem_shared>> -> memref<10240x128xf32, #tpu.memory_space<vmem_shared>>
    tpu.wait_indirect_dma semaphore(%arg16 : memref<!tpu.dma_semaphore, #tpu.memory_space<semaphore_mem>>) src(%arg9 : memref<128x128xf32, #tpu.memory_space<vmem>>) dst(%dma_wait3A_214 : memref<10240x128xf32, #tpu.memory_space<vmem_shared>>)
    %barrier3A_215 = arith.constant 0 : index
    tpu.barrier barrier_id(%barrier3A_215)
    "tpu.region"() ({
      %run_scoped3A_216 = tpu.sem_alloc : memref<!tpu.dma_semaphore, #tpu.memory_space<semaphore_mem>>
      %dma_start3A_217 = arith.constant 0 : i32
      %dma_start3A_218 = tpu.memref_slice %arg4[%arg0, %mul3A_7, %dma_start3A_217] : memref<2x10240x128xf32, #tpu.memory_space<hbm>> -> memref<1x640x128xf32, #tpu.memory_space<hbm>>
      %dma_start3A_219 = tpu.memref_squeeze %dma_start3A_218 : memref<1x640x128xf32, #tpu.memory_space<hbm>> -> memref<640x128xf32, #tpu.memory_space<hbm>>
      %dma_start3A_220 = arith.constant 0 : i32
      %dma_start3A_221 = tpu.memref_slice %arg10[%mul3A_7, %dma_start3A_220] : memref<10240x128xf32, #tpu.memory_space<vmem_shared>> -> memref<640x128xf32, #tpu.memory_space<vmem_shared>>
      tpu.enqueue_dma source(%dma_start3A_221 : memref<640x128xf32, #tpu.memory_space<vmem_shared>>) target(%dma_start3A_219 : memref<640x128xf32, #tpu.memory_space<hbm>>) target_semaphore(%run_scoped3A_216 : memref<!tpu.dma_semaphore, #tpu.memory_space<semaphore_mem>>)
      %dma_wait3A_222 = arith.constant 0 : i32
      %dma_wait3A_223 = tpu.memref_slice %arg4[%arg0, %mul3A_7, %dma_wait3A_222] : memref<2x10240x128xf32, #tpu.memory_space<hbm>> -> memref<1x640x128xf32, #tpu.memory_space<hbm>>
      %dma_wait3A_224 = tpu.memref_squeeze %dma_wait3A_223 : memref<1x640x128xf32, #tpu.memory_space<hbm>> -> memref<640x128xf32, #tpu.memory_space<hbm>>
      %dma_wait3A_225 = arith.constant 0 : i32
      %dma_wait3A_226 = tpu.memref_slice %arg10[%mul3A_7, %dma_wait3A_225] : memref<10240x128xf32, #tpu.memory_space<vmem_shared>> -> memref<640x128xf32, #tpu.memory_space<vmem_shared>>
      tpu.wait_dma2 semaphore(%run_scoped3A_216 : memref<!tpu.dma_semaphore, #tpu.memory_space<semaphore_mem>>) src(%dma_wait3A_226 : memref<640x128xf32, #tpu.memory_space<vmem_shared>>) dst(%dma_wait3A_224 : memref<640x128xf32, #tpu.memory_space<hbm>>)
      tpu.yield
    }) : () -> ()
    return
  }
}

module attributes {stable_mosaic.version = 14 : i64} {
  func.func @_tc_first_body(%arg0: i32, %arg1: memref<2x1x1x128xf32, #tpu.memory_space<vmem>>, %arg2: memref<128x128xf32, #tpu.memory_space<vmem>>, %arg3: memref<128x128xf32, #tpu.memory_space<vmem>>, %arg4: memref<128x128xf32, #tpu.memory_space<vmem>>, %arg5: memref<1x1x128xf32, #tpu.memory_space<vmem>>) attributes {dimension_semantics = [#tpu.dimension_semantics<arbitrary>], iteration_bounds = array<i64: 80>, scalar_prefetch = 0 : i64, scratch_operands = 0 : i64, tpu.core_type = #tpu.core_type<tc>, window_params = [{transform_indices = @transform_0, window_bounds = array<i64: 2, 1, 1, 128>}, {transform_indices = @transform_1, window_bounds = array<i64: 128, 128>}, {pipeline_mode = #tpu.pipeline_mode<synchronous>, transform_indices = @transform_2, window_bounds = array<i64: 128, 128>}, {transform_indices = @transform_3, window_bounds = array<i64: 128, 128>}, {transform_indices = @transform_4, window_bounds = array<i64: 1, 1, 128>}]} {
    %get3A = arith.constant 0 : index
    %get3A_0 = arith.constant 0 : index
    %get3A_1 = arith.constant 0 : index
    %get3A_2 = arith.constant 0 : index
    %get3A_3 = vector.load %arg1[%get3A, %get3A_0, %get3A_1, %get3A_2] : memref<2x1x1x128xf32, #tpu.memory_space<vmem>>, vector<1x1x1x128xf32>
    %get3A_4 = vector.shape_cast %get3A_3 : vector<1x1x1x128xf32> to vector<128xf32>
    %get3A_5 = arith.constant 1 : index
    %get3A_6 = arith.constant 0 : index
    %get3A_7 = arith.constant 0 : index
    %get3A_8 = arith.constant 0 : index
    %get3A_9 = vector.load %arg1[%get3A_5, %get3A_6, %get3A_7, %get3A_8] : memref<2x1x1x128xf32, #tpu.memory_space<vmem>>, vector<1x1x1x128xf32>
    %get3A_10 = vector.shape_cast %get3A_9 : vector<1x1x1x128xf32> to vector<128xf32>
    %add3A = arith.addf %get3A_4, %get3A_10 : vector<128xf32>
    %add3A_11 = arith.constant 1.000000e+00 : f32
    %add3A_12 = vector.broadcast %add3A_11 : f32 to vector<128xf32>
    %add3A_13 = arith.addf %add3A, %add3A_12 : vector<128xf32>
    %mul3A = arith.constant 128 : i32
    %mul3A_14 = arith.muli %arg0, %mul3A : i32
    %iota3A = tpu.iota {dimensions = array<i32: 1>} : vector<1x128xi32>
    %iota3A_15 = vector.shape_cast %iota3A : vector<1x128xi32> to vector<128xi32>
    %add3A_16 = vector.broadcast %mul3A_14 : i32 to vector<128xi32>
    %add3A_17 = arith.addi %add3A_16, %iota3A_15 : vector<128xi32>
    %lt3A = arith.constant 10000 : i32
    %lt3A_18 = vector.broadcast %lt3A : i32 to vector<128xi32>
    %lt3A_19 = arith.cmpi slt, %add3A_17, %lt3A_18 : vector<128xi32>
    %rsqrt3A = math.rsqrt %add3A_13 : vector<128xf32>
    %jit3A = arith.constant 0.000000e+00 : f32
    %broadcast_in_dim3A = vector.broadcast %jit3A : f32 to vector<128xf32>
    %select_n3A = arith.select %lt3A_19, %rsqrt3A, %broadcast_in_dim3A : vector<128xi1>, vector<128xf32>
    %swap3A = arith.constant 0 : index
    %swap3A_20 = arith.constant 0 : index
    %swap3A_21 = arith.constant 0 : index
    %swap3A_22 = vector.load %arg5[%swap3A, %swap3A_20, %swap3A_21] : memref<1x1x128xf32, #tpu.memory_space<vmem>>, vector<1x1x128xf32>
    %swap3A_23 = vector.shape_cast %swap3A_22 : vector<1x1x128xf32> to vector<128xf32>
    %swap3A_24 = vector.shape_cast %select_n3A : vector<128xf32> to vector<1x1x128xf32>
    tpu.vector_store %arg5[%swap3A, %swap3A_20, %swap3A_21], %swap3A_24 {strides = array<i32>} : memref<1x1x128xf32, #tpu.memory_space<vmem>>, vector<1x1x128xf32>,
    %get3A_25 = arith.constant 0 : index
    %get3A_26 = arith.constant 0 : index
    %get3A_27 = vector.load %arg2[%get3A_25, %get3A_26] : memref<128x128xf32, #tpu.memory_space<vmem>>, vector<128x128xf32>
    %get3A_28 = arith.constant 0 : index
    %get3A_29 = arith.constant 0 : index
    %get3A_30 = vector.load %arg3[%get3A_28, %get3A_29] : memref<128x128xf32, #tpu.memory_space<vmem>>, vector<128x128xf32>
    %dot_general3A = arith.constant dense<0.000000e+00> : vector<128x128xf32>
    %dot_general3A_31 = tpu.matmul %get3A_27, %get3A_30, %dot_general3A {dimension_numbers = #tpu.dot_dimension_numbers<[1], [0], [0], [1], [0, 0, 1, 1], [], []>, transpose_lhs_hint = false} : vector<128x128xf32>, vector<128x128xf32>, vector<128x128xf32> -> vector<128x128xf32>
    %broadcast_in_dim3A_32 = vector.shape_cast %select_n3A : vector<128xf32> to vector<128x1xf32>
    %mul3A_33 = vector.broadcast %broadcast_in_dim3A_32 : vector<128x1xf32> to vector<128x128xf32>
    %mul3A_34 = arith.mulf %dot_general3A_31, %mul3A_33 : vector<128x128xf32>
    %swap3A_35 = arith.constant 0 : index
    %swap3A_36 = arith.constant 0 : index
    %swap3A_37 = vector.load %arg4[%swap3A_35, %swap3A_36] : memref<128x128xf32, #tpu.memory_space<vmem>>, vector<128x128xf32>
    tpu.vector_store %arg4[%swap3A_35, %swap3A_36], %mul3A_34 {strides = array<i32>} : memref<128x128xf32, #tpu.memory_space<vmem>>, vector<128x128xf32>,
    return
  }
  func.func @transform_0(%arg0: i32) -> (i32, i32, i32, i32) {
    %c0_i32 = arith.constant 0 : i32
    %c0_i32_0 = arith.constant 0 : i32
    %c0_i32_1 = arith.constant 0 : i32
    %c0_i32_2 = arith.constant 0 : i32
    return %c0_i32, %arg0, %c0_i32_0, %c0_i32_1 : i32, i32, i32, i32
  }
  func.func @transform_1(%arg0: i32) -> (i32, i32) {
    %c0_i32 = arith.constant 0 : i32
    %c0_i32_0 = arith.constant 0 : i32
    return %arg0, %c0_i32 : i32, i32
  }
  func.func @transform_2(%arg0: i32) -> (i32, i32) {
    %c0_i32 = arith.constant 0 : i32
    %c0_i32_0 = arith.constant 0 : i32
    %c0_i32_1 = arith.constant 0 : i32
    return %c0_i32, %c0_i32_0 : i32, i32
  }
  func.func @transform_3(%arg0: i32) -> (i32, i32) {
    %c0_i32 = arith.constant 0 : i32
    %c0_i32_0 = arith.constant 0 : i32
    return %arg0, %c0_i32 : i32, i32
  }
  func.func @transform_4(%arg0: i32) -> (i32, i32, i32) {
    %c0_i32 = arith.constant 0 : i32
    %c0_i32_0 = arith.constant 0 : i32
    %c0_i32_1 = arith.constant 0 : i32
    return %arg0, %c0_i32, %c0_i32_0 : i32, i32, i32
  }
}

module attributes {stable_mosaic.version = 14 : i64} {
  func.func @_tc_mid_body(%arg0: i32, %arg1: memref<2x128x128xf32, #tpu.memory_space<vmem>>, %arg2: memref<128x128xf32, #tpu.memory_space<vmem>>, %arg3: memref<1x1x128xf32, #tpu.memory_space<vmem>>, %arg4: memref<1x128xf32, #tpu.memory_space<vmem>>, %arg5: memref<128x128xf32, #tpu.memory_space<vmem>>, %arg6: memref<128x128xf32, #tpu.memory_space<vmem>>) attributes {dimension_semantics = [#tpu.dimension_semantics<arbitrary>], iteration_bounds = array<i64: 80>, scalar_prefetch = 0 : i64, scratch_operands = 0 : i64, tpu.core_type = #tpu.core_type<tc>, window_params = [{transform_indices = @transform_0, window_bounds = array<i64: 2, 128, 128>}, {transform_indices = @transform_1, window_bounds = array<i64: 128, 128>}, {transform_indices = @transform_2, window_bounds = array<i64: 1, 1, 128>}, {pipeline_mode = #tpu.pipeline_mode<synchronous>, transform_indices = @transform_3, window_bounds = array<i64: 1, 128>}, {pipeline_mode = #tpu.pipeline_mode<synchronous>, transform_indices = @transform_4, window_bounds = array<i64: 128, 128>}, {transform_indices = @transform_5, window_bounds = array<i64: 128, 128>}]} {
    %get3A = arith.constant 0 : index
    %get3A_0 = arith.constant 0 : index
    %get3A_1 = arith.constant 0 : index
    %get3A_2 = vector.load %arg3[%get3A, %get3A_0, %get3A_1] : memref<1x1x128xf32, #tpu.memory_space<vmem>>, vector<1x1x128xf32>
    %get3A_3 = vector.shape_cast %get3A_2 : vector<1x1x128xf32> to vector<128xf32>
    %broadcast_in_dim3A = vector.shape_cast %get3A_3 : vector<128xf32> to vector<128x1xf32>
    %get3A_4 = arith.constant 0 : index
    %get3A_5 = arith.constant 0 : index
    %get3A_6 = arith.constant 0 : index
    %get3A_7 = vector.load %arg1[%get3A_4, %get3A_5, %get3A_6] : memref<2x128x128xf32, #tpu.memory_space<vmem>>, vector<1x128x128xf32>
    %get3A_8 = vector.shape_cast %get3A_7 : vector<1x128x128xf32> to vector<128x128xf32>
    %get3A_9 = arith.constant 1 : index
    %get3A_10 = arith.constant 0 : index
    %get3A_11 = arith.constant 0 : index
    %get3A_12 = vector.load %arg1[%get3A_9, %get3A_10, %get3A_11] : memref<2x128x128xf32, #tpu.memory_space<vmem>>, vector<1x128x128xf32>
    %get3A_13 = vector.shape_cast %get3A_12 : vector<1x128x128xf32> to vector<128x128xf32>
    %add3A = arith.addf %get3A_8, %get3A_13 : vector<128x128xf32>
    %get3A_14 = arith.constant 0 : index
    %get3A_15 = arith.constant 0 : index
    %get3A_16 = vector.load %arg2[%get3A_14, %get3A_15] : memref<128x128xf32, #tpu.memory_space<vmem>>, vector<128x128xf32>
    %add3A_17 = arith.addf %add3A, %get3A_16 : vector<128x128xf32>
    %mul3A = vector.broadcast %broadcast_in_dim3A : vector<128x1xf32> to vector<128x128xf32>
    %mul3A_18 = arith.mulf %add3A_17, %mul3A : vector<128x128xf32>
    %get3A_19 = arith.constant 0 : index
    %get3A_20 = arith.constant 0 : index
    %get3A_21 = vector.load %arg4[%get3A_19, %get3A_20] : memref<1x128xf32, #tpu.memory_space<vmem>>, vector<1x128xf32>
    %get3A_22 = vector.shape_cast %get3A_21 : vector<1x128xf32> to vector<128xf32>
    %broadcast_in_dim3A_23 = vector.shape_cast %get3A_22 : vector<128xf32> to vector<1x128xf32>
    %add3A_24 = vector.broadcast %broadcast_in_dim3A_23 : vector<1x128xf32> to vector<128x128xf32>
    %add3A_25 = arith.addf %mul3A_18, %add3A_24 : vector<128x128xf32>
    %max3A = arith.constant 0.000000e+00 : f32
    %max3A_26 = vector.broadcast %max3A : f32 to vector<128x128xf32>
    %max3A_27 = arith.maximumf %add3A_25, %max3A_26 : vector<128x128xf32>
    %get3A_28 = arith.constant 0 : index
    %get3A_29 = arith.constant 0 : index
    %get3A_30 = vector.load %arg5[%get3A_28, %get3A_29] : memref<128x128xf32, #tpu.memory_space<vmem>>, vector<128x128xf32>
    %dot_general3A = arith.constant dense<0.000000e+00> : vector<128x128xf32>
    %dot_general3A_31 = tpu.matmul %max3A_27, %get3A_30, %dot_general3A {dimension_numbers = #tpu.dot_dimension_numbers<[1], [0], [0], [1], [0, 0, 1, 1], [], []>, transpose_lhs_hint = false} : vector<128x128xf32>, vector<128x128xf32>, vector<128x128xf32> -> vector<128x128xf32>
    %mul3A_32 = vector.broadcast %broadcast_in_dim3A : vector<128x1xf32> to vector<128x128xf32>
    %mul3A_33 = arith.mulf %dot_general3A_31, %mul3A_32 : vector<128x128xf32>
    %swap3A = arith.constant 0 : index
    %swap3A_34 = arith.constant 0 : index
    %swap3A_35 = vector.load %arg6[%swap3A, %swap3A_34] : memref<128x128xf32, #tpu.memory_space<vmem>>, vector<128x128xf32>
    tpu.vector_store %arg6[%swap3A, %swap3A_34], %mul3A_33 {strides = array<i32>} : memref<128x128xf32, #tpu.memory_space<vmem>>, vector<128x128xf32>,
    return
  }
  func.func @transform_0(%arg0: i32) -> (i32, i32, i32) {
    %c0_i32 = arith.constant 0 : i32
    %c0_i32_0 = arith.constant 0 : i32
    %c0_i32_1 = arith.constant 0 : i32
    return %c0_i32, %arg0, %c0_i32_0 : i32, i32, i32
  }
  func.func @transform_1(%arg0: i32) -> (i32, i32) {
    %c0_i32 = arith.constant 0 : i32
    %c0_i32_0 = arith.constant 0 : i32
    return %arg0, %c0_i32 : i32, i32
  }
  func.func @transform_2(%arg0: i32) -> (i32, i32, i32) {
    %c0_i32 = arith.constant 0 : i32
    %c0_i32_0 = arith.constant 0 : i32
    %c0_i32_1 = arith.constant 0 : i32
    return %arg0, %c0_i32, %c0_i32_0 : i32, i32, i32
  }
  func.func @transform_3(%arg0: i32) -> (i32, i32) {
    %c0_i32 = arith.constant 0 : i32
    %c0_i32_0 = arith.constant 0 : i32
    %c0_i32_1 = arith.constant 0 : i32
    return %c0_i32, %c0_i32_0 : i32, i32
  }
  func.func @transform_4(%arg0: i32) -> (i32, i32) {
    %c0_i32 = arith.constant 0 : i32
    %c0_i32_0 = arith.constant 0 : i32
    %c0_i32_1 = arith.constant 0 : i32
    return %c0_i32, %c0_i32_0 : i32, i32
  }
  func.func @transform_5(%arg0: i32) -> (i32, i32) {
    %c0_i32 = arith.constant 0 : i32
    %c0_i32_0 = arith.constant 0 : i32
    return %arg0, %c0_i32 : i32, i32
  }
}

module attributes {stable_mosaic.version = 14 : i64} {
  func.func @_tc_last_body(%arg0: i32, %arg1: memref<2x128x128xf32, #tpu.memory_space<vmem>>, %arg2: memref<128x128xf32, #tpu.memory_space<vmem>>, %arg3: memref<1x1x128xf32, #tpu.memory_space<vmem>>, %arg4: memref<1x128xf32, #tpu.memory_space<vmem>>, %arg5: memref<1x1x128xi32, #tpu.memory_space<vmem>>, %arg6: memref<128x128xf32, #tpu.memory_space<vmem>>, %arg7: memref<1x128xf32, #tpu.memory_space<vmem>>, %arg8: memref<128x128xf32, #tpu.memory_space<vmem>>, %arg9: memref<1x128xf32, #tpu.memory_space<vmem>>, %arg10: memref<64x128xf32, #tpu.memory_space<vmem>>, %arg11: memref<64x128xf32, #tpu.memory_space<vmem>>, %arg12: memref<64x128xf32, #tpu.memory_space<vmem>>) attributes {dimension_semantics = [#tpu.dimension_semantics<arbitrary>], iteration_bounds = array<i64: 80>, scalar_prefetch = 0 : i64, scratch_operands = 2 : i64, tpu.core_type = #tpu.core_type<tc>, window_params = [{transform_indices = @transform_0, window_bounds = array<i64: 2, 128, 128>}, {transform_indices = @transform_1, window_bounds = array<i64: 128, 128>}, {transform_indices = @transform_2, window_bounds = array<i64: 1, 1, 128>}, {pipeline_mode = #tpu.pipeline_mode<synchronous>, transform_indices = @transform_3, window_bounds = array<i64: 1, 128>}, {transform_indices = @transform_4, window_bounds = array<i64: 1, 1, 128>}, {pipeline_mode = #tpu.pipeline_mode<synchronous>, transform_indices = @transform_5, window_bounds = array<i64: 128, 128>}, {pipeline_mode = #tpu.pipeline_mode<synchronous>, transform_indices = @transform_6, window_bounds = array<i64: 1, 128>}, {pipeline_mode = #tpu.pipeline_mode<synchronous>, transform_indices = @transform_7, window_bounds = array<i64: 128, 128>}, {pipeline_mode = #tpu.pipeline_mode<synchronous>, transform_indices = @transform_8, window_bounds = array<i64: 1, 128>}, {pipeline_mode = #tpu.pipeline_mode<synchronous>, transform_indices = @transform_9, window_bounds = array<i64: 64, 128>}]} {
    %eq3A = arith.constant 0 : i32
    %eq3A_0 = arith.cmpi eq, %arg0, %eq3A : i32
    %convert_element_type3A = arith.extui %eq3A_0 : i1 to i32
    %cond3A = arith.constant 0 : i32
    %cond3A_1 = arith.cmpi ne, %convert_element_type3A, %cond3A : i32
    scf.if %cond3A_1 {
      %broadcast_in_dim3A_64 = arith.constant 0.000000e+00 : f32
      %broadcast_in_dim3A_65 = vector.broadcast %broadcast_in_dim3A_64 : f32 to vector<64x128xf32>
      %swap3A_66 = arith.constant 0 : index
      %swap3A_67 = arith.constant 0 : index
      %swap3A_68 = vector.load %arg11[%swap3A_66, %swap3A_67] : memref<64x128xf32, #tpu.memory_space<vmem>>, vector<64x128xf32>
      tpu.vector_store %arg11[%swap3A_66, %swap3A_67], %broadcast_in_dim3A_65 {strides = array<i32>} : memref<64x128xf32, #tpu.memory_space<vmem>>, vector<64x128xf32>,
      %broadcast_in_dim3A_69 = arith.constant 0.000000e+00 : f32
      %broadcast_in_dim3A_70 = vector.broadcast %broadcast_in_dim3A_69 : f32 to vector<64x128xf32>
      %swap3A_71 = arith.constant 0 : index
      %swap3A_72 = arith.constant 0 : index
      %swap3A_73 = vector.load %arg12[%swap3A_71, %swap3A_72] : memref<64x128xf32, #tpu.memory_space<vmem>>, vector<64x128xf32>
      tpu.vector_store %arg12[%swap3A_71, %swap3A_72], %broadcast_in_dim3A_70 {strides = array<i32>} : memref<64x128xf32, #tpu.memory_space<vmem>>, vector<64x128xf32>,
    } else {
    }
    %get3A = arith.constant 0 : index
    %get3A_2 = arith.constant 0 : index
    %get3A_3 = arith.constant 0 : index
    %get3A_4 = vector.load %arg3[%get3A, %get3A_2, %get3A_3] : memref<1x1x128xf32, #tpu.memory_space<vmem>>, vector<1x1x128xf32>
    %get3A_5 = vector.shape_cast %get3A_4 : vector<1x1x128xf32> to vector<128xf32>
    %broadcast_in_dim3A = vector.shape_cast %get3A_5 : vector<128xf32> to vector<128x1xf32>
    %get3A_6 = arith.constant 0 : index
    %get3A_7 = arith.constant 0 : index
    %get3A_8 = arith.constant 0 : index
    %get3A_9 = vector.load %arg1[%get3A_6, %get3A_7, %get3A_8] : memref<2x128x128xf32, #tpu.memory_space<vmem>>, vector<1x128x128xf32>
    %get3A_10 = vector.shape_cast %get3A_9 : vector<1x128x128xf32> to vector<128x128xf32>
    %get3A_11 = arith.constant 1 : index
    %get3A_12 = arith.constant 0 : index
    %get3A_13 = arith.constant 0 : index
    %get3A_14 = vector.load %arg1[%get3A_11, %get3A_12, %get3A_13] : memref<2x128x128xf32, #tpu.memory_space<vmem>>, vector<1x128x128xf32>
    %get3A_15 = vector.shape_cast %get3A_14 : vector<1x128x128xf32> to vector<128x128xf32>
    %add3A = arith.addf %get3A_10, %get3A_15 : vector<128x128xf32>
    %get3A_16 = arith.constant 0 : index
    %get3A_17 = arith.constant 0 : index
    %get3A_18 = vector.load %arg2[%get3A_16, %get3A_17] : memref<128x128xf32, #tpu.memory_space<vmem>>, vector<128x128xf32>
    %add3A_19 = arith.addf %add3A, %get3A_18 : vector<128x128xf32>
    %mul3A = vector.broadcast %broadcast_in_dim3A : vector<128x1xf32> to vector<128x128xf32>
    %mul3A_20 = arith.mulf %add3A_19, %mul3A : vector<128x128xf32>
    %get3A_21 = arith.constant 0 : index
    %get3A_22 = arith.constant 0 : index
    %get3A_23 = vector.load %arg4[%get3A_21, %get3A_22] : memref<1x128xf32, #tpu.memory_space<vmem>>, vector<1x128xf32>
    %get3A_24 = vector.shape_cast %get3A_23 : vector<1x128xf32> to vector<128xf32>
    %broadcast_in_dim3A_25 = vector.shape_cast %get3A_24 : vector<128xf32> to vector<1x128xf32>
    %add3A_26 = vector.broadcast %broadcast_in_dim3A_25 : vector<1x128xf32> to vector<128x128xf32>
    %add3A_27 = arith.addf %mul3A_20, %add3A_26 : vector<128x128xf32>
    %max3A = arith.constant 0.000000e+00 : f32
    %max3A_28 = vector.broadcast %max3A : f32 to vector<128x128xf32>
    %max3A_29 = arith.maximumf %add3A_27, %max3A_28 : vector<128x128xf32>
    %get3A_30 = arith.constant 0 : index
    %get3A_31 = arith.constant 0 : index
    %get3A_32 = arith.constant 0 : index
    %get3A_33 = vector.load %arg5[%get3A_30, %get3A_31, %get3A_32] : memref<1x1x128xi32, #tpu.memory_space<vmem>>, vector<1x1x128xi32>
    %get3A_34 = vector.shape_cast %get3A_33 : vector<1x1x128xi32> to vector<128xi32>
    %broadcast_in_dim3A_35 = vector.shape_cast %get3A_34 : vector<128xi32> to vector<128x1xi32>
    %iota3A = tpu.iota {dimensions = array<i32: 1>} : vector<128x64xi32>
    %eq3A_36 = vector.broadcast %broadcast_in_dim3A_35 : vector<128x1xi32> to vector<128x64xi32>
    %eq3A_37 = arith.cmpi eq, %eq3A_36, %iota3A : vector<128x64xi32>
    %convert_element_type3A_38 = arith.extui %eq3A_37 : vector<128x64xi1> to vector<128x64xi32>
    %convert_element_type3A_39 = arith.sitofp %convert_element_type3A_38 : vector<128x64xi32> to vector<128x64xf32>
    %get3A_40 = arith.constant 0 : index
    %get3A_41 = arith.constant 0 : index
    %get3A_42 = vector.load %arg11[%get3A_40, %get3A_41] : memref<64x128xf32, #tpu.memory_space<vmem>>, vector<64x128xf32>
    %transpose3A = tpu.transpose %convert_element_type3A_39, [1, 0] : vector<128x64xf32> -> vector<64x128xf32>
    %dot_general3A = arith.constant dense<0.000000e+00> : vector<64x128xf32>
    %dot_general3A_43 = tpu.matmul %transpose3A, %max3A_29, %dot_general3A {dimension_numbers = #tpu.dot_dimension_numbers<[1], [0], [0], [1], [0, 0, 1, 1], [], []>, transpose_lhs_hint = false} : vector<64x128xf32>, vector<128x128xf32>, vector<64x128xf32> -> vector<64x128xf32>
    %add3A_44 = arith.addf %get3A_42, %dot_general3A_43 : vector<64x128xf32>
    %swap3A = arith.constant 0 : index
    %swap3A_45 = arith.constant 0 : index
    %swap3A_46 = vector.load %arg11[%swap3A, %swap3A_45] : memref<64x128xf32, #tpu.memory_space<vmem>>, vector<64x128xf32>
    tpu.vector_store %arg11[%swap3A, %swap3A_45], %add3A_44 {strides = array<i32>} : memref<64x128xf32, #tpu.memory_space<vmem>>, vector<64x128xf32>,
    %get3A_47 = arith.constant 0 : index
    %get3A_48 = arith.constant 0 : index
    %get3A_49 = vector.load %arg12[%get3A_47, %get3A_48] : memref<64x128xf32, #tpu.memory_space<vmem>>, vector<64x128xf32>
    %transpose3A_50 = tpu.transpose %convert_element_type3A_39, [1, 0] : vector<128x64xf32> -> vector<64x128xf32>
    %broadcast_in_dim3A_51 = arith.constant 1.000000e+00 : f32
    %broadcast_in_dim3A_52 = vector.broadcast %broadcast_in_dim3A_51 : f32 to vector<128x128xf32>
    %dot_general3A_53 = arith.constant dense<0.000000e+00> : vector<64x128xf32>
    %dot_general3A_54 = tpu.matmul %transpose3A_50, %broadcast_in_dim3A_52, %dot_general3A_53 {dimension_numbers = #tpu.dot_dimension_numbers<[1], [0], [0], [1], [0, 0, 1, 1], [], []>, transpose_lhs_hint = false} : vector<64x128xf32>, vector<128x128xf32>, vector<64x128xf32> -> vector<64x128xf32>
    %add3A_55 = arith.addf %get3A_49, %dot_general3A_54 : vector<64x128xf32>
    %swap3A_56 = arith.constant 0 : index
    %swap3A_57 = arith.constant 0 : index
    %swap3A_58 = vector.load %arg12[%swap3A_56, %swap3A_57] : memref<64x128xf32, #tpu.memory_space<vmem>>, vector<64x128xf32>
    tpu.vector_store %arg12[%swap3A_56, %swap3A_57], %add3A_55 {strides = array<i32>} : memref<64x128xf32, #tpu.memory_space<vmem>>, vector<64x128xf32>,
    %eq3A_59 = arith.constant 79 : i32
    %eq3A_60 = arith.cmpi eq, %arg0, %eq3A_59 : i32
    %convert_element_type3A_61 = arith.extui %eq3A_60 : i1 to i32
    %cond3A_62 = arith.constant 0 : i32
    %cond3A_63 = arith.cmpi ne, %convert_element_type3A_61, %cond3A_62 : i32
    scf.if %cond3A_63 {
      %get3A_64 = arith.constant 0 : index
      %get3A_65 = arith.constant 0 : index
      %get3A_66 = vector.load %arg12[%get3A_64, %get3A_65] : memref<64x128xf32, #tpu.memory_space<vmem>>, vector<64x1xf32>
      %max3A_67 = arith.constant 1.000000e+00 : f32
      %max3A_68 = vector.broadcast %max3A_67 : f32 to vector<64x1xf32>
      %max3A_69 = arith.maximumf %get3A_66, %max3A_68 : vector<64x1xf32>
      %get3A_70 = arith.constant 0 : index
      %get3A_71 = arith.constant 0 : index
      %get3A_72 = vector.load %arg11[%get3A_70, %get3A_71] : memref<64x128xf32, #tpu.memory_space<vmem>>, vector<64x128xf32>
      %div3A = vector.broadcast %max3A_69 : vector<64x1xf32> to vector<64x128xf32>
      %div3A_73 = arith.divf %get3A_72, %div3A : vector<64x128xf32>
      %get3A_74 = arith.constant 0 : index
      %get3A_75 = arith.constant 0 : index
      %get3A_76 = vector.load %arg6[%get3A_74, %get3A_75] : memref<128x128xf32, #tpu.memory_space<vmem>>, vector<128x128xf32>
      %dot_general3A_77 = arith.constant dense<0.000000e+00> : vector<64x128xf32>
      %dot_general3A_78 = tpu.matmul %div3A_73, %get3A_76, %dot_general3A_77 {dimension_numbers = #tpu.dot_dimension_numbers<[1], [0], [0], [1], [0, 0, 1, 1], [], []>, transpose_lhs_hint = false} : vector<64x128xf32>, vector<128x128xf32>, vector<64x128xf32> -> vector<64x128xf32>
      %get3A_79 = arith.constant 0 : index
      %get3A_80 = arith.constant 0 : index
      %get3A_81 = vector.load %arg7[%get3A_79, %get3A_80] : memref<1x128xf32, #tpu.memory_space<vmem>>, vector<1x128xf32>
      %get3A_82 = vector.shape_cast %get3A_81 : vector<1x128xf32> to vector<128xf32>
      %broadcast_in_dim3A_83 = vector.shape_cast %get3A_82 : vector<128xf32> to vector<1x128xf32>
      %add3A_84 = vector.broadcast %broadcast_in_dim3A_83 : vector<1x128xf32> to vector<64x128xf32>
      %add3A_85 = arith.addf %dot_general3A_78, %add3A_84 : vector<64x128xf32>
      %max3A_86 = arith.constant 0.000000e+00 : f32
      %max3A_87 = vector.broadcast %max3A_86 : f32 to vector<64x128xf32>
      %max3A_88 = arith.maximumf %add3A_85, %max3A_87 : vector<64x128xf32>
      %get3A_89 = arith.constant 0 : index
      %get3A_90 = arith.constant 0 : index
      %get3A_91 = vector.load %arg8[%get3A_89, %get3A_90] : memref<128x128xf32, #tpu.memory_space<vmem>>, vector<128x128xf32>
      %dot_general3A_92 = arith.constant dense<0.000000e+00> : vector<64x128xf32>
      %dot_general3A_93 = tpu.matmul %max3A_88, %get3A_91, %dot_general3A_92 {dimension_numbers = #tpu.dot_dimension_numbers<[1], [0], [0], [1], [0, 0, 1, 1], [], []>, transpose_lhs_hint = false} : vector<64x128xf32>, vector<128x128xf32>, vector<64x128xf32> -> vector<64x128xf32>
      %get3A_94 = arith.constant 0 : index
      %get3A_95 = arith.constant 0 : index
      %get3A_96 = vector.load %arg9[%get3A_94, %get3A_95] : memref<1x128xf32, #tpu.memory_space<vmem>>, vector<1x128xf32>
      %get3A_97 = vector.shape_cast %get3A_96 : vector<1x128xf32> to vector<128xf32>
      %broadcast_in_dim3A_98 = vector.shape_cast %get3A_97 : vector<128xf32> to vector<1x128xf32>
      %add3A_99 = vector.broadcast %broadcast_in_dim3A_98 : vector<1x128xf32> to vector<64x128xf32>
      %add3A_100 = arith.addf %dot_general3A_93, %add3A_99 : vector<64x128xf32>
      %swap3A_101 = arith.constant 0 : index
      %swap3A_102 = arith.constant 0 : index
      %swap3A_103 = vector.load %arg10[%swap3A_101, %swap3A_102] : memref<64x128xf32, #tpu.memory_space<vmem>>, vector<64x128xf32>
      tpu.vector_store %arg10[%swap3A_101, %swap3A_102], %add3A_100 {strides = array<i32>} : memref<64x128xf32, #tpu.memory_space<vmem>>, vector<64x128xf32>,
    } else {
    }
    return
  }
  func.func @transform_0(%arg0: i32) -> (i32, i32, i32) {
    %c0_i32 = arith.constant 0 : i32
    %c0_i32_0 = arith.constant 0 : i32
    %c0_i32_1 = arith.constant 0 : i32
    return %c0_i32, %arg0, %c0_i32_0 : i32, i32, i32
  }
  func.func @transform_1(%arg0: i32) -> (i32, i32) {
    %c0_i32 = arith.constant 0 : i32
    %c0_i32_0 = arith.constant 0 : i32
    return %arg0, %c0_i32 : i32, i32
  }
  func.func @transform_2(%arg0: i32) -> (i32, i32, i32) {
    %c0_i32 = arith.constant 0 : i32
    %c0_i32_0 = arith.constant 0 : i32
    %c0_i32_1 = arith.constant 0 : i32
    return %arg0, %c0_i32, %c0_i32_0 : i32, i32, i32
  }
  func.func @transform_3(%arg0: i32) -> (i32, i32) {
    %c0_i32 = arith.constant 0 : i32
    %c0_i32_0 = arith.constant 0 : i32
    %c0_i32_1 = arith.constant 0 : i32
    return %c0_i32, %c0_i32_0 : i32, i32
  }
  func.func @transform_4(%arg0: i32) -> (i32, i32, i32) {
    %c0_i32 = arith.constant 0 : i32
    %c0_i32_0 = arith.constant 0 : i32
    %c0_i32_1 = arith.constant 0 : i32
    return %arg0, %c0_i32, %c0_i32_0 : i32, i32, i32
  }
  func.func @transform_5(%arg0: i32) -> (i32, i32) {
    %c0_i32 = arith.constant 0 : i32
    %c0_i32_0 = arith.constant 0 : i32
    %c0_i32_1 = arith.constant 0 : i32
    return %c0_i32, %c0_i32_0 : i32, i32
  }
  func.func @transform_6(%arg0: i32) -> (i32, i32) {
    %c0_i32 = arith.constant 0 : i32
    %c0_i32_0 = arith.constant 0 : i32
    %c0_i32_1 = arith.constant 0 : i32
    return %c0_i32, %c0_i32_0 : i32, i32
  }
  func.func @transform_7(%arg0: i32) -> (i32, i32) {
    %c0_i32 = arith.constant 0 : i32
    %c0_i32_0 = arith.constant 0 : i32
    %c0_i32_1 = arith.constant 0 : i32
    return %c0_i32, %c0_i32_0 : i32, i32
  }
  func.func @transform_8(%arg0: i32) -> (i32, i32) {
    %c0_i32 = arith.constant 0 : i32
    %c0_i32_0 = arith.constant 0 : i32
    %c0_i32_1 = arith.constant 0 : i32
    return %c0_i32, %c0_i32_0 : i32, i32
  }
  func.func @transform_9(%arg0: i32) -> (i32, i32) {
    %c0_i32 = arith.constant 0 : i32
    %c0_i32_0 = arith.constant 0 : i32
    %c0_i32_1 = arith.constant 0 : i32
    return %c0_i32, %c0_i32_0 : i32, i32
  }
}

</mosaic_0001>

<sc_bundles>
// kernel: kernel.11.cloned.1.call-start
scs
__scs_entry_jumppad:
0x0: {  	(pc) =	sbr.rel $0x88, $3  }
0x1: {  	(tag) =	ssettag $0x0;
	lr =	simm.s32 $0x1  }
0x2: {  	[smem:$0x3F96] =	sst lr;
	_ =	strace $0xD0000000  }
0x3: {  	_ = 	snop  }
0x4: {  	_ = 	snop  }
0x5: {  	_ = 	snop  }
0x6: {  	_ = 	snop  }
0x7: {  	_ = 	snop  }
__scs_overlays_trampoline_lowered:
0x8: {  	[smem:$0x3FA5] =	sst s0  }
0x9: {  	[smem:$0x3FA6] =	sst s1  }
0xa: {  	[smem:$0x3FA7] =	sst s2  }
0xb: {  	[smem:$0x3FA8] =	sst s3  }
0xc: {  	[smem:$0x3FA9] =	sst s4  }
0xd: {  	[smem:$0x3FAA] =	sst s5  }
0xe: {  	[smem:$0x3FAB] =	sst s6  }
0xf: {  	[smem:$0x3FAC] =	sst s7  }
0x10: {  	[smem:$0x3FAD] =	sst s8  }
0x11: {  	[smem:$0x3FAE] =	sst s9;
	s0 =	simm.s32 @!p0 $0x0  }
0x12: {  	s1 =	sld [smem:$0x3F94];
	s0 =	simm.s32 @p0 $0x1  }
0x13: {  	[smem:$0x3FAF] =	sst s0;
	s0 =	simm.s32 @!p1 $0x0  }
0x14: {  	s2 =	sld [smem:$0x3F93];
	s0 =	simm.s32 @p1 $0x1  }
0x15: {  	[smem:$0x3FB0] =	sst s0;
	s0 =	simm.s32 @!p2 $0x0  }
0x16: {  	s3 =	sld [smem:$0x3FDB];
	s0 =	simm.s32 @p2 $0x1  }
0x17: {  	s4 =	simm.s32 $0x1BF5;
	[smem:$0x3FB2] =	sst s0  }
0x18: {  	s0 =	sld [smem:$0x3F95];
	_ =	swait.ge [sflag:s4], $0x0  }
0x19: {  	s7 =	sld [smem:$0x3F96]  }
0x1a: {  	s8 =	sadd.s32 $0xFFFFE003, lr  }
0x1b: {  	s9 =	sadd.s32 $0xFFFFFEF7, lr;
	s5 =	simm.s32 $0xFFFFFFFF;
	p2 =	slt.u32 s8, $0xFFFFF086  }
0x1c: {  	p1 =	slt.u32 s9, $0xF7A;
	s5 =	simm.s32 @!p2 $0x0  }
0x1d: {  	s5 =	simm.s32 @p1 $0x1;
	p0 =	seq.s32 s7, s2  }
0x1e: {  	s7 =	smul.u32 @!p0 $0xF7A, s2;
	p2 =	seq.s32 @!p0 s5, $0x0  }
0x1f: {  	s9 =	smul.u32 $0xF7A, s1;
	s8 =	simm.s32 @!p0 $0x1BF5;
	p2 =	por !p2, p0  }
0x20: {  	[sflag:s8] =	ssyncset.s32 @!p0 $0xFFFFF086;
	s6 =	sadd.s32 @!p0 s3, s7;
	s7 =	simm.s32 @!p0 $0x108  }
0x21: {  	s3 =	sadd.s32 s3, s9;
	s6 =	sadd.s32 @!p0 $0x88, s6;
	s7 =	simm.s32 @p2 $0x1082  }
0x22: {  	[simem:s7], [sflag:s8] =	dma.local @!p0 [hbm:s6], $0xF7A  }
0x23: {  	s9 =	sor.u32 $0xD0000000, s2;
	s6 =	simm.s32 $0x108;
	_ =	swait.ge @!p0 [sflag:s8], $0x0  }
0x24: {  	s3 =	sadd.s32 $0x88, s3;
	s6 =	simm.s32 @!p1 $0x1082;
	[sflag:s4] =	ssyncset.s32 $0xFFFFF086  }
0x25: {  	[simem:s6], [sflag:s4] =	dma.local [hbm:s3], $0xF7A  }
0x26: {  	[smem:$0x3F96] =	sst s1;
	(tag) =	ssettag s2;
	_ =	strace s9  }
0x27: {  	s1 =	sld [smem:$0x3FA6]  }
0x28: {  	s2 =	sld [smem:$0x3FA7]  }
0x29: {  	s4 =	sld [smem:$0x3FA9]  }
0x2a: {  	p0 =	seq.s32 s5, $0x0;
	s5 =	sld [smem:$0x3FAA]  }
0x2b: {  	s6 =	sld [smem:$0x3FAB]  }
0x2c: {  	s7 =	sld [smem:$0x3FAC]  }
0x2d: {  	s3 =	simm.s32 $0x108;
	s8 =	sld [smem:$0x3FAD]  }
0x2e: {  	s3 =	simm.s32 @!p0 $0x1082;
	s9 =	sld [smem:$0x3FAE]  }
0x2f: {  	lr =	sadd.s32 s0, s3;
	s0 =	sld [smem:$0x3FA5]  }
0x30: {  	s3 =	sld [smem:$0x3FA8]  }
0x31: {  	[smem:$0x3FB1] =	sst s10  }
0x32: {  	s10 =	sld [smem:$0x3FAF];
	_ =	sdelay $0x3  }
0x33: {  	p0 =	seq.s32 s10, $0x1;
	s10 =	sld [smem:$0x3FB1];
	_ =	sdelay $0x3  }
0x34: {  	[smem:$0x3FB1] =	sst s10  }
0x35: {  	s10 =	sld [smem:$0x3FB0];
	_ =	sdelay $0x3  }
0x36: {  	p1 =	seq.s32 s10, $0x1;
	s10 =	sld [smem:$0x3FB1];
	_ =	sdelay $0x3  }
0x37: {  	[smem:$0x3FB1] =	sst s10  }
0x38: {  	s10 =	sld [smem:$0x3FB2]  }
0x39: {  	_ = 	snop;
	(pc) =	sbr.ind lr, $3  }
0x3a: {  	_ = 	snop  }
0x3b: {  	_ = 	snop  }
0x3c: {  	p2 =	seq.s32 s10, $0x1;
	s10 =	sld [smem:$0x3FB1]  }
0x3d: {  	_ =	shalt  }
0x3e: {  	_ =	shalt  }
0x3f: {  	_ =	shalt  }
0x40: {  	_ =	shalt  }
0x41: {  	_ =	shalt  }
0x42: {  	_ =	shalt  }
0x43: {  	_ =	shalt  }
0x44: {  	_ =	shalt  }
0x45: {  	_ =	shalt  }
0x46: {  	_ =	shalt  }
0x47: {  	_ =	shalt  }
0x48: {  	_ =	shalt  }
0x49: {  	_ =	shalt  }
0x4a: {  	_ =	shalt  }
0x4b: {  	_ =	shalt  }
0x4c: {  	_ =	shalt  }
0x4d: {  	_ =	shalt  }
0x4e: {  	_ =	shalt  }
0x4f: {  	_ =	shalt  }
0x50: {  	_ =	shalt  }
0x51: {  	_ =	shalt  }
0x52: {  	_ =	shalt  }
0x53: {  	_ =	shalt  }
0x54: {  	_ =	shalt  }
0x55: {  	_ =	shalt  }
0x56: {  	_ =	shalt  }
0x57: {  	_ =	shalt  }
0x58: {  	_ =	shalt  }
0x59: {  	_ =	shalt  }
0x5a: {  	_ =	shalt  }
0x5b: {  	_ =	shalt  }
0x5c: {  	_ =	shalt  }
0x5d: {  	_ =	shalt  }
0x5e: {  	_ =	shalt  }
0x5f: {  	_ =	shalt  }
0x60: {  	_ =	shalt  }
0x61: {  	_ =	shalt  }
0x62: {  	_ =	shalt  }
0x63: {  	_ =	shalt  }
0x64: {  	_ =	shalt  }
0x65: {  	_ =	shalt  }
0x66: {  	_ =	shalt  }
0x67: {  	_ =	shalt  }
0x68: {  	_ =	shalt  }
0x69: {  	_ =	shalt  }
0x6a: {  	_ =	shalt  }
0x6b: {  	_ =	shalt  }
0x6c: {  	_ =	shalt  }
0x6d: {  	_ =	shalt  }
0x6e: {  	_ =	shalt  }
0x6f: {  	_ =	shalt  }
0x70: {  	_ =	shalt  }
0x71: {  	_ =	shalt  }
0x72: {  	_ =	shalt  }
0x73: {  	_ =	shalt  }
0x74: {  	_ =	shalt  }
0x75: {  	_ =	shalt  }
0x76: {  	_ =	shalt  }
0x77: {  	_ =	shalt  }
0x78: {  	_ =	shalt  }
0x79: {  	_ =	shalt  }
0x7a: {  	_ =	shalt  }
0x7b: {  	_ =	shalt  }
0x7c: {  	_ =	shalt  }
0x7d: {  	_ =	shalt  }
0x7e: {  	_ =	shalt  }
0x7f: {  	_ =	shalt  }
0x80: {  	_ =	shalt  }
0x81: {  	_ =	shalt  }
0x82: {  	_ =	shalt  }
0x83: {  	_ =	shalt  }
0x84: {  	_ =	shalt  }
0x85: {  	_ =	shalt  }
0x86: {  	_ =	shalt  }
0x87: {  	_ =	shalt  }
.Lfunc_end0:
.L_simem_size_0:
called_computation.1_lowered:
.L_overlay_start_0:
0x88: {  	s2 =	sld [smem:$0x3FD9]  }
0x89: {  	s3 =	sld [smem:$0x3FFE];
	_ =	sdelay $0x1  }
0x8a: {  	s1 =	srdreg.scid  }
0x8b: {  	s0 =	sand.u32 $0x1, s1  }
0x8c: {  	s16 =	sshll.u32 s0, $0xA;
	s2 =	sadd.s32 s3, s2  }
0x8d: {  	s2 =	sadd.s32 s2, s16  }
0x8e: {  	[smem:$0x3FBD] =	sst s2  }
0x8f: {  	_ = 	snop  }
0x90: {  	(tm) =	ssettm $0x1  }
0x91: {  	s17 =	sld [smem:$0x3FFB];
	_ =	sdelay $0x3  }
0x92: {  	_ =	strace s17  }
0x93: {  	s2 =	sld [smem:$0x3FFC];
	_ =	sdelay $0x3  }
0x94: {  	_ =	strace s2  }
0x95: {  	s2 =	sld [smem:$0x3FFD];
	_ =	sdelay $0x3  }
0x96: {  	_ =	strace s2  }
0x97: {  	_ =	strace $0x8FFFFFFF  }
0x98: {  	s18 =	sld [smem:$0x3FDB];
	_ =	sdelay $0x1  }
0x99: {  	s19 =	simm.s32 $_scs_section_size  }
0x9a: {  	s4 =	simm.s32 $_size__tile_overlayer_lowered;
	s5 =	simm.s32 $_tile_overlayer_lowered  }
0x9b: {  	s22 =	simm.s32 $0x1BFF;
	s21 =	sshll.u32 s5, $0x1;
	s2 =	sadd.s32 s19, s18  }
0x9c: {  	s6 =	simm.s32 $0x0;
	s20 =	sshll.u32 s4, $0x1;
	s4 =	sadd.s32 s21, s2  }
0x9d: {  	[timem:s6], [sflag:s22] =	dma.local [hbm:s4], s20  }
0x9e: {  	_ =	swait.ge [sflag:s22], s20  }
0x9f: {  	s3 =	ssub.s32 $0x0, s20;
	[sflag:s22] =	ssyncset.done $0x0  }
0xa0: {  	[sflag:s22] =	ssyncadd.s32 s3;
	_ =	sdelay $0x1  }
0xa1: {  	s23 =	simm.s32 $0x1B8B  }
0xa2: {  	_ =	swait.ge [sflag:s23], $0x1  }
0xa3: {  	[sflag:s23] =	ssyncset.done $0x0  }
0xa4: {  	s25 =	simm.s32 $0x1B8E;
	s24 =	sld [smem:$0x3FFE];
	[sflag:s23] =	ssyncadd.s32 $0xFFFFFFFF  }
0xa5: {  	s26 =	simm.s32 $execute0_lowered;
	[smem:$0x3FD2] =	sst s25  }
0xa6: {  	s4 =	sshll.u32 s26, $0x1;
	_ =	strace $0x80000049;
	[dreg:$0x1] =	wrdreg $0xFFFFFFFF  }
0xa7: {  	s28 =	simm.s32 $_size_execute0_lowered;
	s2 =	sadd.s32 s2, s4;
	[dreg:$0x0] =	wrdreg $0x0  }
0xa8: {  	s4 =	sshll.u32 s28, $0x1;
	[dreg:$0x2] =	wrdreg s2  }
0xa9: {  	[dreg:$0x3] =	wrdreg s4  }
0xaa: {  	[dreg:$0x4] =	wrdreg $0xC0  }
0xab: {  	_ =	task [dreg:s6], $0x5FFFF  }
0xac: {  	[dreg:$0x1] =	wrdreg $0xFFFFFFFF  }
0xad: {  	[dreg:$0x0] =	wrdreg $0x60  }
0xae: {  	[dreg:$0x2] =	wrdreg s24  }
0xaf: {  	[dreg:$0x3] =	wrdreg $0xA9000  }
0xb0: {  	[dreg:$0x4] =	wrdreg $0x9  }
0xb1: {  	_ =	task.clear_ibuf [dreg:s6], $0x5FFFF;
	_ =	strace $0x90000049  }
0xb2: {  	s29 =	simm.s32 $0x9;
	_ =	strace $0x8000004B  }
0xb3: {  	_ =	swait.ge [sflag:s29], $0x1  }
0xb4: {  	[sflag:s29] =	ssyncadd.s32 $0xFFFFFFFF  }
0xb5: {  	_ =	strace $0x9000004B  }
0xb6: {  	_ =	sfence  }
0xb7: {  	s30 =	sld [smem:$0x0];
	_ =	sdelay $0x2  }
0xb8: {  	s31 =	sshll.u32 s1, $0xD;
	s1 =	sshrl.u32 s1, $0x2  }
0xb9: {  	s3 =	sand.u32 $0x4000, s31;
	s1 =	sadd.s32 s1, s30  }
0xba: {  	s0 =	sor.u32 s3, s0;
	s1 =	sshll.u32 s1, $0x11  }
0xbb: {  	s0 =	sor.u32 s1, s0  }
0xbc: {  	s0 =	sadd.s32 $0x8F2B, s0  }
0xbd: {  	[sflag:s0] =	ssyncadd.remote.s32 $0x1  }
0xbe: {  	_ =	sfence.sel $0xFFFF  }
0xbf: {  	[dreg:$0x0] =	wrdreg $0xFFFFFFFF;
	(pc) =	sbr.abs _section_cstart, $3  }
0xc0: {  	[dreg:$0x1] =	wrdreg $0xFFFFFFFF  }
0xc1: {  	_ =	task.clear_ibuf [dreg:s6], $0x2FFFF;
	_ =	strace $0x9FFFFFFF  }
0xc2: {  	(tm) =	ssettm $0x7FFFFFFF  }
0xc3: {  	_ =	shalt  }
tec
execute0_lowered:
.L_overlay_start_1:
0x0: {  	(tag) =	ssettag $0x1  }
0x1: {  	s0 =	rddreg [dreg:$0x0]  }
0x2: {  	s1 =	rddreg [dreg:$0x1];
	s2 =	srdreg.scid;
	s3 =	simm.s32 $0x0  }
0x3: {  	s10 =	stileid.u32;
	s28 =	simm.s32 $0x6900;
	s29 =	simm.s32 $0x1  }
0x4: {  	s30 =	simm.s32 $0x2;
	s31 =	simm.s32 $0x6;
	s7 =	smul.u32 $0x14000, s10  }
0x5: {  	s2 =	sand.u32 $0x1, s2;
	[smem:$0x7FF] =	sst s3;
	s8 =	smul.u32 $0x50000, s10  }
0x6: {  	s4 =	sadd.s32 $0x3A00, s0;
	s5 =	sadd.s32 $0x17A00, s0;
	s6 =	smul.u32 $0x140000, s2  }
0x7: {  	_ =	strace $0x8000004A;
	s19 =	sshll.u32 s2, $0x4;
	s2 =	ssub.s32 $0x2, s2  }
0x8: {  	s20 =	sor.u32 s10, s19;
	s21 =	sshrl.u32 s2, $0x1;
	s8 =	sshrl.u32 s8, $0x2  }
0x9: {  	s19 =	simm.s32 $0x2900;
	s6 =	sadd.s32 s7, s6;
	s7 =	sadd.s32 s8, s1  }
0xa: {  	s2 =	ssub.s32 s2, s21;
	s21 =	simm.s32 $0x2800;
	s8 =	sadd.s32 $0x4000, s7  }
0xb: {  	s9 =	sshrl.u32 s6, $0x3;
	s22 =	sadd.s32 $0x8000, s7;
	[dreg:$0x3] =	wrdreg s8  }
0xc: {  	s6 =	smul.u32 $0x2800, s20;
	s24 =	sadd.s32 $0xC000, s7;
	[dreg:$0x4] =	wrdreg s22  }
0xd: {  	s25 =	sadd.s32 $0x10000, s7;
	s18 =	smax.u32 s2, $0x1;
	[dreg:$0x5] =	wrdreg s24  }
0xe: {  	s20 =	simm.s32 $0x7;
	s0 =	sadd.s32 s9, s0;
	[dreg:$0x6] =	wrdreg s25  }
0xf: {  	s22 =	simm.s32 $0x2880;
	s24 =	simm.s32 $0x3;
	s23 =	sshrl.u32 s6, $0x3  }
0x10: {  	s25 =	simm.s32 $0x80;
	s17 =	sadd.s32 $0x3FA00, s0;
	s12 =	sadd.s32 s4, s23  }
0x11: {  	s0 =	simm.s32 $0x0;
	s23 =	simm.s32 $0x5;
	s8 =	sadd.s32 $0xA000, s12  }
0x12: {  	s26 =	sadd.s32 $0x10, s12;
	s15 =	sadd.s32 $0x20, s12;
	[dreg:$0x7] =	wrdreg s8  }
0x13: {  	v0 =	vimm.f32 $0.0e+00;
	s16 =	sadd.s32 $0x30, s12;
	[dreg:$0x8] =	wrdreg s26;
	s26 =	simm.s32 $0x4  }
.LBB2_1:
0x14: {  	s2 =	simm.s32 $0x0;
	s8 =	simm.s32 $0x200  }
.LBB2_2:
0x15: {  	p0 =	sne.s32 s8, $0xFE00;
	[tilespmem:s2+$0x2970] =	vst v0  }
0x16: {  	[tilespmem:s2+$0x2900] =	vst v0  }
0x17: {  	[tilespmem:s2+$0x2910] =	vst v0  }
.Ltmp0:
0x18: {  	[tilespmem:s2+$0x2920] =	vst v0;
	(pc) =	sbr.rel @p0 .LBB2_2-.Ltmp0, $4  }
0x19: {  	[tilespmem:s2+$0x2930] =	vst v0  }
0x1a: {  	[tilespmem:s2+$0x2940] =	vst v0  }
0x1b: {  	[tilespmem:s2+$0x2950] =	vst v0  }
0x1c: {  	[tilespmem:s2+$0x2960] =	vst v0;
	s2 =	sshra.s32 s8, $0x2;
	s8 =	sadd.s32 $0x200, s8  }
0x1d: {  	[tilespmem:s2+$0x2970] =	vst v0  }
0x1e: {  	[tilespmem:s2+$0x2900] =	vst v0  }
0x1f: {  	[tilespmem:s2+$0x2910] =	vst v0  }
0x20: {  	[tilespmem:s2+$0x2920] =	vst v0  }
0x21: {  	[tilespmem:s2+$0x2930] =	vst v0  }
0x22: {  	[tilespmem:s2+$0x2940] =	vst v0  }
0x23: {  	[tilespmem:s2+$0x2950] =	vst v0  }
0x24: {  	[tilespmem:s2+$0x2960] =	vst v0  }
0x25: {  	[spmem:s7] =	stream.linear.scatter [tilespmem:s19], [sflag:$0x5], $0x4000, $0x38;
	[tilespmem:$0x1E900] =	vst v63  }
0x26: {  	s10 =	rddreg [dreg:$0x3]  }
0x27: {  	[spmem:s10] =	stream.linear.scatter [tilespmem:s19], [sflag:$0x5], $0x4000, $0x38;
	[tilespmem:$0x1E900] =	vst v63  }
0x28: {  	s11 =	rddreg [dreg:$0x4]  }
0x29: {  	[spmem:s11] =	stream.linear.scatter [tilespmem:s19], [sflag:$0x5], $0x4000, $0x38;
	[tilespmem:$0x1E900] =	vst v63  }
0x2a: {  	s13 =	rddreg [dreg:$0x5]  }
0x2b: {  	[spmem:s13] =	stream.linear.scatter [tilespmem:s19], [sflag:$0x5], $0x4000, $0x38;
	[tilespmem:$0x1E900] =	vst v63  }
0x2c: {  	s14 =	rddreg [dreg:$0x6]  }
0x2d: {  	[spmem:s14] =	stream.linear.scatter [tilespmem:s19], [sflag:$0x5], $0x4000, $0x38;
	[tilespmem:$0x1E900] =	vst v63  }
0x2e: {  	s8 =	rddreg [dreg:$0x7]  }
0x2f: {  	[tilespmem:s3], [sflag:$0x7] =	stream.linear.gather [hbm4b:s8+s3], $0x2800, $0x38;
	[tilespmem:$0x1E900] =	vst v63  }
0x30: {  	_ =	swait.ge [sflag:s20], $0x2800  }
0x31: {  	[sflag:s20] =	ssyncset.done $0x0  }
0x32: {  	[sflag:s20] =	ssyncadd.s32 $0xFFFFD800  }
0x33: {  	[tilespmem:s21], [sflag:$0x3] =	stream.linear.gather [hbm4b:s12+s3], $0x80, $0x38;
	[tilespmem:$0x1E900] =	vst v63  }
0x34: {  	s9 =	rddreg [dreg:$0x8]  }
0x35: {  	[tilespmem:s22], [sflag:$0x4] =	stream.linear.gather [hbm4b:s9+s3], $0x80, $0x38;
	[tilespmem:$0x1E900] =	vst v63  }
0x36: {  	_ =	swait.ge [sflag:s23], $0x4000  }
0x37: {  	[sflag:s23] =	ssyncset.done $0x0  }
0x38: {  	[sflag:s23] =	ssyncadd.s32 $0xFFFFC000  }
0x39: {  	_ =	swait.ge [sflag:s23], $0x4000  }
0x3a: {  	[sflag:s23] =	ssyncset.done $0x0  }
0x3b: {  	[sflag:s23] =	ssyncadd.s32 $0xFFFFC000  }
0x3c: {  	_ =	swait.ge [sflag:s23], $0x4000  }
0x3d: {  	[sflag:s23] =	ssyncset.done $0x0  }
0x3e: {  	[sflag:s23] =	ssyncadd.s32 $0xFFFFC000  }
0x3f: {  	_ =	swait.ge [sflag:s23], $0x4000  }
0x40: {  	[sflag:s23] =	ssyncset.done $0x0  }
0x41: {  	[sflag:s23] =	ssyncadd.s32 $0xFFFFC000  }
0x42: {  	_ =	swait.ge [sflag:s23], $0x4000  }
0x43: {  	[sflag:s23] =	ssyncset.done $0x0  }
0x44: {  	[sflag:s23] =	ssyncadd.s32 $0xFFFFC000  }
0x45: {  	[bflag:$0x0] =	sbarrier.arrive $0xFFFF  }
0x46: {  	_ =	swait.ge [sflag:s24], $0x80  }
0x47: {  	[sflag:s24] =	ssyncset.done $0x0  }
0x48: {  	[sflag:s24] =	ssyncadd.s32 $0xFFFFFF80  }
0x49: {  	[tilespmem:s19], [sflag:$0x1] =	stream.indirect.gather [hbm4b:s5+s25], $0x80, s21, s25, $0xb8;
	[tilespmem:$0x1E900] =	vst v63  }
0x4a: {  	_ =	swait.ge [sflag:s26], $0x80  }
0x4b: {  	[sflag:s26] =	ssyncset.done $0x0  }
0x4c: {  	[sflag:s26] =	ssyncadd.s32 $0xFFFFFF80  }
0x4d: {  	[tilespmem:s28], [sflag:$0x2] =	stream.indirect.gather [hbm4b:s5+s25], $0x80, s22, s25, $0xb8;
	[tilespmem:$0x1E900] =	vst v63  }
0x4e: {  	_ =	swait.ge [sflag:s29], $0x4000  }
0x4f: {  	[sflag:s29] =	ssyncset.done $0x0  }
0x50: {  	[sflag:s29] =	ssyncadd.s32 $0xFFFFC000  }
0x51: {  	[tilespmem:s21], [sflag:$0x3] =	stream.linear.gather [hbm4b:s15+s3], $0x80, $0x38;
	[tilespmem:$0x1E900] =	vst v63  }
0x52: {  	_ = 	snop  }
0x53: {  	[spmem:s1] =	stream.indirect.scatter.add.f32 [tilespmem:s19], [sflag:$0x5], $0x80, s3, s25, $0xb8;
	[tilespmem:$0x1E900] =	vst v63  }
0x54: {  	_ =	swait.ge [sflag:s30], $0x4000  }
0x55: {  	[sflag:s30] =	ssyncset.done $0x0  }
0x56: {  	[sflag:s30] =	ssyncadd.s32 $0xFFFFC000  }
0x57: {  	[tilespmem:s22], [sflag:$0x4] =	stream.linear.gather [hbm4b:s16+s3], $0x80, $0x38;
	[tilespmem:$0x1E900] =	vst v63  }
0x58: {  	_ = 	snop  }
0x59: {  	[spmem:s1] =	stream.indirect.scatter.add.f32 [tilespmem:s28], [sflag:$0x6], $0x80, s25, s25, $0xb8;
	[tilespmem:$0x1E900] =	vst v63  }
0x5a: {  	_ =	swait.ge [sflag:s23], $0x4000  }
0x5b: {  	[sflag:s23] =	ssyncset.done $0x0  }
0x5c: {  	[sflag:s23] =	ssyncadd.s32 $0xFFFFC000  }
0x5d: {  	_ =	swait.ge [sflag:s24], $0x80  }
0x5e: {  	[sflag:s24] =	ssyncset.done $0x0  }
0x5f: {  	[sflag:s24] =	ssyncadd.s32 $0xFFFFFF80  }
0x60: {  	[tilespmem:s19], [sflag:$0x1] =	stream.indirect.gather [hbm4b:s5+s25], $0x80, s21, s25, $0xb8;
	[tilespmem:$0x1E900] =	vst v63  }
0x61: {  	_ =	swait.ge [sflag:s31], $0x4000  }
0x62: {  	[sflag:s31] =	ssyncset.done $0x0  }
0x63: {  	[sflag:s31] =	ssyncadd.s32 $0xFFFFC000  }
0x64: {  	s10 =	simm.s32 $0x200;
	_ =	swait.ge [sflag:s26], $0x80  }
0x65: {  	s8 =	sand.u32 $0xFC00, s10;
	[sflag:s26] =	ssyncset.done $0x0  }
0x66: {  	s2 =	sand.u32 $0x300, s10;
	s8 =	sadd.s32 s6, s8;
	[sflag:s26] =	ssyncadd.s32 $0xFFFFFF80  }
0x67: {  	[tilespmem:s28], [sflag:$0x2] =	stream.indirect.gather [hbm4b:s5+s25], $0x80, s22, s25, $0xb8;
	[tilespmem:$0x1E900] =	vst v63  }
0x68: {  	s2 =	sor.u32 s2, s8;
	_ =	swait.ge [sflag:s29], $0x4000  }
0x69: {  	s11 =	simm.s32 $0x280;
	s2 =	sshrl.u32 s2, $0x3;
	[sflag:s29] =	ssyncset.done $0x0  }
0x6a: {  	s2 =	sadd.s32 s4, s2;
	s9 =	sand.u32 $0xFC00, s11;
	[sflag:s29] =	ssyncadd.s32 $0xFFFFC000  }
0x6b: {  	[tilespmem:s21], [sflag:$0x3] =	stream.linear.gather [hbm4b:s2+s3], $0x80, $0x38;
	[tilespmem:$0x1E900] =	vst v63  }
0x6c: {  	s13 =	simm.s32 $0x100;
	s8 =	sand.u32 $0x380, s11;
	s9 =	sadd.s32 s6, s9  }
0x6d: {  	[spmem:s1] =	stream.indirect.scatter.add.f32 [tilespmem:s19], [sflag:$0x5], $0x80, s13, s25, $0xb8;
	[tilespmem:$0x1E900] =	vst v63  }
0x6e: {  	s14 =	sor.u32 s8, s9;
	_ =	swait.ge [sflag:s30], $0x4000  }
0x6f: {  	s2 =	sshrl.u32 s14, $0x3;
	[sflag:s30] =	ssyncset.done $0x0  }
0x70: {  	s2 =	sadd.s32 s4, s2;
	[sflag:s30] =	ssyncadd.s32 $0xFFFFC000  }
0x71: {  	[tilespmem:s22], [sflag:$0x4] =	stream.linear.gather [hbm4b:s2+s3], $0x80, $0x38;
	[tilespmem:$0x1E900] =	vst v63  }
0x72: {  	s8 =	simm.s32 $0x380;
	s9 =	simm.s32 $0x180;
	s2 =	simm.s32 $0x180  }
.LBB2_4:
0x73: {  	p0 =	sne.s32 s8, $0x2780  }
0x74: {  	s2 =	sadd.s32 $0x100, s2;
	s10 =	smov.u32 s8;
	s8 =	sadd.s32 $0x100, s8  }
0x75: {  	[spmem:s1] =	stream.indirect.scatter.add.f32 [tilespmem:s28], [sflag:$0x6], $0x80, s9, s25, $0xb8;
	[tilespmem:$0x1E900] =	vst v63  }
0x76: {  	s9 =	smov.u32 s2;
	_ =	swait.ge [sflag:s23], $0x4000  }
0x77: {  	[sflag:s23] =	ssyncset.done $0x0  }
0x78: {  	[sflag:s23] =	ssyncadd.s32 $0xFFFFC000  }
0x79: {  	_ =	swait.ge [sflag:s24], $0x80  }
0x7a: {  	[sflag:s24] =	ssyncset.done $0x0  }
0x7b: {  	[sflag:s24] =	ssyncadd.s32 $0xFFFFFF80  }
0x7c: {  	[tilespmem:s19], [sflag:$0x1] =	stream.indirect.gather [hbm4b:s5+s25], $0x80, s21, s25, $0xb8;
	[tilespmem:$0x1E900] =	vst v63  }
0x7d: {  	_ =	swait.ge [sflag:s31], $0x4000  }
0x7e: {  	[sflag:s31] =	ssyncset.done $0x0  }
0x7f: {  	[sflag:s31] =	ssyncadd.s32 $0xFFFFC000  }
0x80: {  	_ =	swait.ge [sflag:s26], $0x80  }
0x81: {  	s11 =	sadd.s32 $0xFFFFFF80, s10;
	[sflag:s26] =	ssyncset.done $0x0  }
0x82: {  	s13 =	sand.u32 $0xFC00, s11;
	s11 =	sand.u32 $0x300, s11;
	[sflag:s26] =	ssyncadd.s32 $0xFFFFFF80  }
0x83: {  	[tilespmem:s28], [sflag:$0x2] =	stream.indirect.gather [hbm4b:s5+s25], $0x80, s22, s25, $0xb8;
	[tilespmem:$0x1E900] =	vst v63  }
0x84: {  	s13 =	sadd.s32 s6, s13;
	_ =	swait.ge [sflag:s29], $0x4000  }
0x85: {  	s11 =	sor.u32 s11, s13;
	[sflag:s29] =	ssyncset.done $0x0  }
0x86: {  	s11 =	sshrl.u32 s11, $0x3;
	[sflag:s29] =	ssyncadd.s32 $0xFFFFC000  }
0x87: {  	s14 =	sand.u32 $0xFC00, s10;
	s13 =	sadd.s32 $0xFFFFFF80, s2;
	s11 =	sadd.s32 s4, s11  }
0x88: {  	[tilespmem:s21], [sflag:$0x3] =	stream.linear.gather [hbm4b:s11+s3], $0x80, $0x38;
	[tilespmem:$0x1E900] =	vst v63  }
0x89: {  	s10 =	sand.u32 $0x380, s10;
	s11 =	sadd.s32 s6, s14  }
0x8a: {  	[spmem:s1] =	stream.indirect.scatter.add.f32 [tilespmem:s19], [sflag:$0x5], $0x80, s13, s25, $0xb8;
	[tilespmem:$0x1E900] =	vst v63  }
.Ltmp1:
0x8b: {  	_ = 	snop;
	(pc) =	sbr.rel @p0 .LBB2_4-.Ltmp1, $4  }
0x8c: {  	s10 =	sor.u32 s10, s11;
	_ =	swait.ge [sflag:s30], $0x4000  }
0x8d: {  	s10 =	sshrl.u32 s10, $0x3;
	[sflag:s30] =	ssyncset.done $0x0  }
0x8e: {  	s10 =	sadd.s32 s4, s10;
	[sflag:s30] =	ssyncadd.s32 $0xFFFFC000  }
0x8f: {  	[tilespmem:s22], [sflag:$0x4] =	stream.linear.gather [hbm4b:s10+s3], $0x80, $0x38;
	[tilespmem:$0x1E900] =	vst v63  }
0x90: {  	[spmem:s1] =	stream.indirect.scatter.add.f32 [tilespmem:s28], [sflag:$0x6], $0x80, s9, s25, $0xb8;
	[tilespmem:$0x1E900] =	vst v63  }
0x91: {  	_ =	swait.ge [sflag:s23], $0x4000  }
0x92: {  	[sflag:s23] =	ssyncset.done $0x0  }
0x93: {  	[sflag:s23] =	ssyncadd.s32 $0xFFFFC000  }
0x94: {  	_ =	swait.ge [sflag:s24], $0x80  }
0x95: {  	[sflag:s24] =	ssyncset.done $0x0  }
0x96: {  	[sflag:s24] =	ssyncadd.s32 $0xFFFFFF80  }
0x97: {  	[tilespmem:s19], [sflag:$0x1] =	stream.indirect.gather [hbm4b:s5+s25], $0x80, s21, s25, $0xb8;
	[tilespmem:$0x1E900] =	vst v63  }
0x98: {  	_ =	swait.ge [sflag:s31], $0x4000  }
0x99: {  	[sflag:s31] =	ssyncset.done $0x0  }
0x9a: {  	[sflag:s31] =	ssyncadd.s32 $0xFFFFC000  }
0x9b: {  	_ =	swait.ge [sflag:s26], $0x80  }
0x9c: {  	[sflag:s26] =	ssyncset.done $0x0  }
0x9d: {  	[sflag:s26] =	ssyncadd.s32 $0xFFFFFF80  }
0x9e: {  	[tilespmem:s28], [sflag:$0x2] =	stream.indirect.gather [hbm4b:s5+s25], $0x80, s22, s25, $0xb8;
	[tilespmem:$0x1E900] =	vst v63  }
0x9f: {  	_ =	swait.ge [sflag:s29], $0x4000  }
0xa0: {  	[sflag:s29] =	ssyncset.done $0x0  }
0xa1: {  	s2 =	simm.s32 $0x2700;
	[sflag:s29] =	ssyncadd.s32 $0xFFFFC000  }
0xa2: {  	[spmem:s1] =	stream.indirect.scatter.add.f32 [tilespmem:s19], [sflag:$0x5], $0x80, s2, s25, $0xb8;
	[tilespmem:$0x1E900] =	vst v63  }
0xa3: {  	_ =	swait.ge [sflag:s30], $0x4000  }
0xa4: {  	[sflag:s30] =	ssyncset.done $0x0  }
0xa5: {  	s13 =	simm.s32 $0x2780;
	[sflag:s30] =	ssyncadd.s32 $0xFFFFC000  }
0xa6: {  	[spmem:s1] =	stream.indirect.scatter.add.f32 [tilespmem:s28], [sflag:$0x6], $0x80, s13, s25, $0xb8;
	[tilespmem:$0x1E900] =	vst v63  }
0xa7: {  	_ =	swait.ge [sflag:s23], $0x4000  }
0xa8: {  	[sflag:s23] =	ssyncset.done $0x0  }
0xa9: {  	[sflag:s23] =	ssyncadd.s32 $0xFFFFC000  }
0xaa: {  	s14 =	stileid.u32;
	_ =	swait.ge [sflag:s31], $0x4000  }
0xab: {  	s8 =	sshrl.u32 s7, $0x3;
	s0 =	sadd.s32 $0x1, s0;
	[sflag:s31] =	ssyncset.done $0x0  }
0xac: {  	p0 =	sne.s32 s0, s18;
	s2 =	sshll.u32 s14, $0x6;
	[sflag:s31] =	ssyncadd.s32 $0xFFFFC000  }
.Ltmp2:
0xad: {  	s2 =	sor.u32 $0x1C07, s2;
	[bflag:$0x0] =	sbarrier.arrive $0xFFFF;
	(pc) =	sbr.rel @p0 .LBB2_1-.Ltmp2, $4  }
0xae: {  	[hbm:s17], [sflag:s2] =	dma.local [spmem:s8], $0x2800  }
0xaf: {  	_ =	swait.ge [sflag:s20], $0x2800  }
0xb0: {  	[sflag:s20] =	ssyncset.done $0x0  }
0xb1: {  	[sflag:s20] =	ssyncadd.s32 $0xFFFFD800  }
0xb2: {  	_ =	sfence.sel $0x180000  }
0xb3: {  	[bflag:$0x0] =	sbarrier.arrive $0xFFFF  }
0xb4: {  	_ =	strace $0x9000004A  }
0xb5: {  	s0 =	stileid.u32;
	[bflag:$0x2] =	sbarrier.arrive $0xFFFF  }
0xb6: {  	p0 =	sne.s32 s0, $0x0;
	s0 =	rddreg [dreg:$0x2]  }
0xb7: {  	s0 =	sadd.s32 @!p0 $0x100000, s0  }
0xb8: {  	[sflag:s0] =	ssyncadd.tile.s32 @!p0 $0x1;
	_ =	shalt  }
.Lfunc_end2:
_tile_overlayer_lowered:
.L_overlay_start_2:
0xb9: {  	(tag) =	ssettag $0x2  }
0xba: {  	s0 =	rddreg [dreg:$0x0];
	s2 =	stileid.u32  }
0xbb: {  	s1 =	rddreg [dreg:$0x1];
	p0 =	sne.s32 s2, $0x0  }
0xbc: {  	s3 =	rddreg [dreg:$0x2];
	[bflag:$0x3] =	sbarrier.arrive $0xFFFF;
	s2 =	simm.s32 @!p0 $0x1C07  }
0xbd: {  	[timem:s3], [sflag:s2] =	dma.local @!p0 [hbm:s0], s1  }
0xbe: {  	s0 =	simm.s32 @!p0 $0x7  }
0xbf: {  	_ =	swait.ge @!p0 [sflag:s0], s1  }
0xc0: {  	s1 =	ssub.s32 @!p0 $0x0, s1;
	[sflag:s0] =	ssyncset.done @!p0 $0x0  }
0xc1: {  	[sflag:s0] =	ssyncadd.s32 @!p0 s1  }
0xc2: {  	[bflag:$0x3] =	sbarrier.arrive $0xFFFF  }
0xc3: {  	_ =	shalt  }

// kernel: kernel.14.cloned.1.call-start
scs
__scs_entry_jumppad:
0x0: {  	(pc) =	sbr.rel $0x88, $3  }
0x1: {  	(tag) =	ssettag $0x0;
	lr =	simm.s32 $0x1  }
0x2: {  	[smem:$0x3F96] =	sst lr;
	_ =	strace $0xD0000000  }
0x3: {  	_ = 	snop  }
0x4: {  	_ = 	snop  }
0x5: {  	_ = 	snop  }
0x6: {  	_ = 	snop  }
0x7: {  	_ = 	snop  }
__scs_overlays_trampoline_lowered:
0x8: {  	[smem:$0x3FA5] =	sst s0  }
0x9: {  	[smem:$0x3FA6] =	sst s1  }
0xa: {  	[smem:$0x3FA7] =	sst s2  }
0xb: {  	[smem:$0x3FA8] =	sst s3  }
0xc: {  	[smem:$0x3FA9] =	sst s4  }
0xd: {  	[smem:$0x3FAA] =	sst s5  }
0xe: {  	[smem:$0x3FAB] =	sst s6  }
0xf: {  	[smem:$0x3FAC] =	sst s7  }
0x10: {  	[smem:$0x3FAD] =	sst s8  }
0x11: {  	[smem:$0x3FAE] =	sst s9;
	s0 =	simm.s32 @!p0 $0x0  }
0x12: {  	s1 =	sld [smem:$0x3F94];
	s0 =	simm.s32 @p0 $0x1  }
0x13: {  	[smem:$0x3FAF] =	sst s0;
	s0 =	simm.s32 @!p1 $0x0  }
0x14: {  	s2 =	sld [smem:$0x3F93];
	s0 =	simm.s32 @p1 $0x1  }
0x15: {  	[smem:$0x3FB0] =	sst s0;
	s0 =	simm.s32 @!p2 $0x0  }
0x16: {  	s3 =	sld [smem:$0x3FDB];
	s0 =	simm.s32 @p2 $0x1  }
0x17: {  	s4 =	simm.s32 $0x1BF5;
	[smem:$0x3FB2] =	sst s0  }
0x18: {  	s0 =	sld [smem:$0x3F95];
	_ =	swait.ge [sflag:s4], $0x0  }
0x19: {  	s7 =	sld [smem:$0x3F96]  }
0x1a: {  	s8 =	sadd.s32 $0xFFFFE003, lr  }
0x1b: {  	s9 =	sadd.s32 $0xFFFFFEF7, lr;
	s5 =	simm.s32 $0xFFFFFFFF;
	p2 =	slt.u32 s8, $0xFFFFF086  }
0x1c: {  	p1 =	slt.u32 s9, $0xF7A;
	s5 =	simm.s32 @!p2 $0x0  }
0x1d: {  	s5 =	simm.s32 @p1 $0x1;
	p0 =	seq.s32 s7, s2  }
0x1e: {  	s7 =	smul.u32 @!p0 $0xF7A, s2;
	p2 =	seq.s32 @!p0 s5, $0x0  }
0x1f: {  	s9 =	smul.u32 $0xF7A, s1;
	s8 =	simm.s32 @!p0 $0x1BF5;
	p2 =	por !p2, p0  }
0x20: {  	[sflag:s8] =	ssyncset.s32 @!p0 $0xFFFFF086;
	s6 =	sadd.s32 @!p0 s3, s7;
	s7 =	simm.s32 @!p0 $0x108  }
0x21: {  	s3 =	sadd.s32 s3, s9;
	s6 =	sadd.s32 @!p0 $0x88, s6;
	s7 =	simm.s32 @p2 $0x1082  }
0x22: {  	[simem:s7], [sflag:s8] =	dma.local @!p0 [hbm:s6], $0xF7A  }
0x23: {  	s9 =	sor.u32 $0xD0000000, s2;
	s6 =	simm.s32 $0x108;
	_ =	swait.ge @!p0 [sflag:s8], $0x0  }
0x24: {  	s3 =	sadd.s32 $0x88, s3;
	s6 =	simm.s32 @!p1 $0x1082;
	[sflag:s4] =	ssyncset.s32 $0xFFFFF086  }
0x25: {  	[simem:s6], [sflag:s4] =	dma.local [hbm:s3], $0xF7A  }
0x26: {  	[smem:$0x3F96] =	sst s1;
	(tag) =	ssettag s2;
	_ =	strace s9  }
0x27: {  	s1 =	sld [smem:$0x3FA6]  }
0x28: {  	s2 =	sld [smem:$0x3FA7]  }
0x29: {  	s4 =	sld [smem:$0x3FA9]  }
0x2a: {  	p0 =	seq.s32 s5, $0x0;
	s5 =	sld [smem:$0x3FAA]  }
0x2b: {  	s6 =	sld [smem:$0x3FAB]  }
0x2c: {  	s7 =	sld [smem:$0x3FAC]  }
0x2d: {  	s3 =	simm.s32 $0x108;
	s8 =	sld [smem:$0x3FAD]  }
0x2e: {  	s3 =	simm.s32 @!p0 $0x1082;
	s9 =	sld [smem:$0x3FAE]  }
0x2f: {  	lr =	sadd.s32 s0, s3;
	s0 =	sld [smem:$0x3FA5]  }
0x30: {  	s3 =	sld [smem:$0x3FA8]  }
0x31: {  	[smem:$0x3FB1] =	sst s10  }
0x32: {  	s10 =	sld [smem:$0x3FAF];
	_ =	sdelay $0x3  }
0x33: {  	p0 =	seq.s32 s10, $0x1;
	s10 =	sld [smem:$0x3FB1];
	_ =	sdelay $0x3  }
0x34: {  	[smem:$0x3FB1] =	sst s10  }
0x35: {  	s10 =	sld [smem:$0x3FB0];
	_ =	sdelay $0x3  }
0x36: {  	p1 =	seq.s32 s10, $0x1;
	s10 =	sld [smem:$0x3FB1];
	_ =	sdelay $0x3  }
0x37: {  	[smem:$0x3FB1] =	sst s10  }
0x38: {  	s10 =	sld [smem:$0x3FB2]  }
0x39: {  	_ = 	snop;
	(pc) =	sbr.ind lr, $3  }
0x3a: {  	_ = 	snop  }
0x3b: {  	_ = 	snop  }
0x3c: {  	p2 =	seq.s32 s10, $0x1;
	s10 =	sld [smem:$0x3FB1]  }
0x3d: {  	_ =	shalt  }
0x3e: {  	_ =	shalt  }
0x3f: {  	_ =	shalt  }
0x40: {  	_ =	shalt  }
0x41: {  	_ =	shalt  }
0x42: {  	_ =	shalt  }
0x43: {  	_ =	shalt  }
0x44: {  	_ =	shalt  }
0x45: {  	_ =	shalt  }
0x46: {  	_ =	shalt  }
0x47: {  	_ =	shalt  }
0x48: {  	_ =	shalt  }
0x49: {  	_ =	shalt  }
0x4a: {  	_ =	shalt  }
0x4b: {  	_ =	shalt  }
0x4c: {  	_ =	shalt  }
0x4d: {  	_ =	shalt  }
0x4e: {  	_ =	shalt  }
0x4f: {  	_ =	shalt  }
0x50: {  	_ =	shalt  }
0x51: {  	_ =	shalt  }
0x52: {  	_ =	shalt  }
0x53: {  	_ =	shalt  }
0x54: {  	_ =	shalt  }
0x55: {  	_ =	shalt  }
0x56: {  	_ =	shalt  }
0x57: {  	_ =	shalt  }
0x58: {  	_ =	shalt  }
0x59: {  	_ =	shalt  }
0x5a: {  	_ =	shalt  }
0x5b: {  	_ =	shalt  }
0x5c: {  	_ =	shalt  }
0x5d: {  	_ =	shalt  }
0x5e: {  	_ =	shalt  }
0x5f: {  	_ =	shalt  }
0x60: {  	_ =	shalt  }
0x61: {  	_ =	shalt  }
0x62: {  	_ =	shalt  }
0x63: {  	_ =	shalt  }
0x64: {  	_ =	shalt  }
0x65: {  	_ =	shalt  }
0x66: {  	_ =	shalt  }
0x67: {  	_ =	shalt  }
0x68: {  	_ =	shalt  }
0x69: {  	_ =	shalt  }
0x6a: {  	_ =	shalt  }
0x6b: {  	_ =	shalt  }
0x6c: {  	_ =	shalt  }
0x6d: {  	_ =	shalt  }
0x6e: {  	_ =	shalt  }
0x6f: {  	_ =	shalt  }
0x70: {  	_ =	shalt  }
0x71: {  	_ =	shalt  }
0x72: {  	_ =	shalt  }
0x73: {  	_ =	shalt  }
0x74: {  	_ =	shalt  }
0x75: {  	_ =	shalt  }
0x76: {  	_ =	shalt  }
0x77: {  	_ =	shalt  }
0x78: {  	_ =	shalt  }
0x79: {  	_ =	shalt  }
0x7a: {  	_ =	shalt  }
0x7b: {  	_ =	shalt  }
0x7c: {  	_ =	shalt  }
0x7d: {  	_ =	shalt  }
0x7e: {  	_ =	shalt  }
0x7f: {  	_ =	shalt  }
0x80: {  	_ =	shalt  }
0x81: {  	_ =	shalt  }
0x82: {  	_ =	shalt  }
0x83: {  	_ =	shalt  }
0x84: {  	_ =	shalt  }
0x85: {  	_ =	shalt  }
0x86: {  	_ =	shalt  }
0x87: {  	_ =	shalt  }
.Lfunc_end0:
.L_simem_size_0:
called_computation.2_lowered:
.L_overlay_start_0:
0x88: {  	s2 =	sld [smem:$0x3FD9]  }
0x89: {  	s3 =	sld [smem:$0x3FFE];
	_ =	sdelay $0x1  }
0x8a: {  	s1 =	srdreg.scid  }
0x8b: {  	s0 =	sand.u32 $0x1, s1  }
0x8c: {  	s16 =	sshll.u32 s0, $0xA;
	s2 =	sadd.s32 s3, s2  }
0x8d: {  	s2 =	sadd.s32 s2, s16  }
0x8e: {  	[smem:$0x3FBD] =	sst s2  }
0x8f: {  	_ = 	snop  }
0x90: {  	(tm) =	ssettm $0x1  }
0x91: {  	s17 =	sld [smem:$0x3FFB];
	_ =	sdelay $0x3  }
0x92: {  	_ =	strace s17  }
0x93: {  	s2 =	sld [smem:$0x3FFC];
	_ =	sdelay $0x3  }
0x94: {  	_ =	strace s2  }
0x95: {  	s2 =	sld [smem:$0x3FFD];
	_ =	sdelay $0x3  }
0x96: {  	_ =	strace s2  }
0x97: {  	_ =	strace $0x8FFFFFFF  }
0x98: {  	s18 =	sld [smem:$0x3FDB];
	_ =	sdelay $0x1  }
0x99: {  	s19 =	simm.s32 $_scs_section_size  }
0x9a: {  	s4 =	simm.s32 $_size__tile_overlayer_lowered;
	s5 =	simm.s32 $_tile_overlayer_lowered  }
0x9b: {  	s22 =	simm.s32 $0x1BFF;
	s21 =	sshll.u32 s5, $0x1;
	s2 =	sadd.s32 s19, s18  }
0x9c: {  	s6 =	simm.s32 $0x0;
	s20 =	sshll.u32 s4, $0x1;
	s4 =	sadd.s32 s21, s2  }
0x9d: {  	[timem:s6], [sflag:s22] =	dma.local [hbm:s4], s20  }
0x9e: {  	_ =	swait.ge [sflag:s22], s20  }
0x9f: {  	s3 =	ssub.s32 $0x0, s20;
	[sflag:s22] =	ssyncset.done $0x0  }
0xa0: {  	[sflag:s22] =	ssyncadd.s32 s3;
	_ =	sdelay $0x1  }
0xa1: {  	s23 =	simm.s32 $0x1B8B  }
0xa2: {  	_ =	swait.ge [sflag:s23], $0x1  }
0xa3: {  	[sflag:s23] =	ssyncset.done $0x0  }
0xa4: {  	s25 =	simm.s32 $0x1B8E;
	s24 =	sld [smem:$0x3FFE];
	[sflag:s23] =	ssyncadd.s32 $0xFFFFFFFF  }
0xa5: {  	s26 =	simm.s32 $execute0_lowered;
	[smem:$0x3FD2] =	sst s25  }
0xa6: {  	s4 =	sshll.u32 s26, $0x1;
	_ =	strace $0x8000004C;
	[dreg:$0x1] =	wrdreg $0xFFFFFFFF  }
0xa7: {  	s28 =	simm.s32 $_size_execute0_lowered;
	s2 =	sadd.s32 s2, s4;
	[dreg:$0x0] =	wrdreg $0x0  }
0xa8: {  	s4 =	sshll.u32 s28, $0x1;
	[dreg:$0x2] =	wrdreg s2  }
0xa9: {  	[dreg:$0x3] =	wrdreg s4  }
0xaa: {  	[dreg:$0x4] =	wrdreg $0xC0  }
0xab: {  	_ =	task [dreg:s6], $0x5FFFF  }
0xac: {  	[dreg:$0x1] =	wrdreg $0xFFFFFFFF  }
0xad: {  	[dreg:$0x0] =	wrdreg $0x60  }
0xae: {  	[dreg:$0x2] =	wrdreg s24  }
0xaf: {  	[dreg:$0x3] =	wrdreg $0xA9000  }
0xb0: {  	[dreg:$0x4] =	wrdreg $0x9  }
0xb1: {  	_ =	task.clear_ibuf [dreg:s6], $0x5FFFF;
	_ =	strace $0x9000004C  }
0xb2: {  	s29 =	simm.s32 $0x9;
	_ =	strace $0x8000004E  }
0xb3: {  	_ =	swait.ge [sflag:s29], $0x1  }
0xb4: {  	[sflag:s29] =	ssyncadd.s32 $0xFFFFFFFF  }
0xb5: {  	_ =	strace $0x9000004E  }
0xb6: {  	_ =	sfence  }
0xb7: {  	s30 =	sld [smem:$0x0];
	_ =	sdelay $0x2  }
0xb8: {  	s31 =	sshll.u32 s1, $0xD;
	s1 =	sshrl.u32 s1, $0x2  }
0xb9: {  	s3 =	sand.u32 $0x4000, s31;
	s1 =	sadd.s32 s1, s30  }
0xba: {  	s0 =	sor.u32 s3, s0;
	s1 =	sshll.u32 s1, $0x11  }
0xbb: {  	s0 =	sor.u32 s1, s0  }
0xbc: {  	s0 =	sadd.s32 $0x8F2B, s0  }
0xbd: {  	[sflag:s0] =	ssyncadd.remote.s32 $0x1  }
0xbe: {  	_ =	sfence.sel $0xFFFF  }
0xbf: {  	[dreg:$0x0] =	wrdreg $0xFFFFFFFF;
	(pc) =	sbr.abs _section_cstart, $3  }
0xc0: {  	[dreg:$0x1] =	wrdreg $0xFFFFFFFF  }
0xc1: {  	_ =	task.clear_ibuf [dreg:s6], $0x2FFFF;
	_ =	strace $0x9FFFFFFF  }
0xc2: {  	(tm) =	ssettm $0x7FFFFFFF  }
0xc3: {  	_ =	shalt  }
tec
execute0_lowered:
.L_overlay_start_1:
0x0: {  	(tag) =	ssettag $0x1  }
0x1: {  	s0 =	rddreg [dreg:$0x0]  }
0x2: {  	s1 =	rddreg [dreg:$0x1];
	s2 =	srdreg.scid;
	s3 =	simm.s32 $0x0  }
0x3: {  	s10 =	stileid.u32;
	s28 =	simm.s32 $0x6900;
	s29 =	simm.s32 $0x1  }
0x4: {  	s30 =	simm.s32 $0x2;
	s31 =	simm.s32 $0x6;
	s7 =	smul.u32 $0x14000, s10  }
0x5: {  	s2 =	sand.u32 $0x1, s2;
	[smem:$0x7FF] =	sst s3;
	s8 =	smul.u32 $0x50000, s10  }
0x6: {  	s4 =	sadd.s32 $0x3A00, s0;
	s5 =	sadd.s32 $0x17A00, s0;
	s6 =	smul.u32 $0x140000, s2  }
0x7: {  	_ =	strace $0x8000004D;
	s19 =	sshll.u32 s2, $0x4;
	s2 =	ssub.s32 $0x2, s2  }
0x8: {  	s20 =	sor.u32 s10, s19;
	s21 =	sshrl.u32 s2, $0x1;
	s8 =	sshrl.u32 s8, $0x2  }
0x9: {  	s19 =	simm.s32 $0x2900;
	s6 =	sadd.s32 s7, s6;
	s7 =	sadd.s32 s8, s1  }
0xa: {  	s2 =	ssub.s32 s2, s21;
	s21 =	simm.s32 $0x2800;
	s8 =	sadd.s32 $0x4000, s7  }
0xb: {  	s9 =	sshrl.u32 s6, $0x3;
	s22 =	sadd.s32 $0x8000, s7;
	[dreg:$0x3] =	wrdreg s8  }
0xc: {  	s6 =	smul.u32 $0x2800, s20;
	s24 =	sadd.s32 $0xC000, s7;
	[dreg:$0x4] =	wrdreg s22  }
0xd: {  	s25 =	sadd.s32 $0x10000, s7;
	s18 =	smax.u32 s2, $0x1;
	[dreg:$0x5] =	wrdreg s24  }
0xe: {  	s20 =	simm.s32 $0x7;
	s0 =	sadd.s32 s9, s0;
	[dreg:$0x6] =	wrdreg s25  }
0xf: {  	s22 =	simm.s32 $0x2880;
	s24 =	simm.s32 $0x3;
	s23 =	sshrl.u32 s6, $0x3  }
0x10: {  	s25 =	simm.s32 $0x80;
	s17 =	sadd.s32 $0x3FA00, s0;
	s12 =	sadd.s32 s4, s23  }
0x11: {  	s0 =	simm.s32 $0x0;
	s23 =	simm.s32 $0x5;
	s8 =	sadd.s32 $0xA000, s12  }
0x12: {  	s26 =	sadd.s32 $0x10, s12;
	s15 =	sadd.s32 $0x20, s12;
	[dreg:$0x7] =	wrdreg s8  }
0x13: {  	v0 =	vimm.f32 $0.0e+00;
	s16 =	sadd.s32 $0x30, s12;
	[dreg:$0x8] =	wrdreg s26;
	s26 =	simm.s32 $0x4  }
.LBB2_1:
0x14: {  	s2 =	simm.s32 $0x0;
	s8 =	simm.s32 $0x200  }
.LBB2_2:
0x15: {  	p0 =	sne.s32 s8, $0xFE00;
	[tilespmem:s2+$0x2970] =	vst v0  }
0x16: {  	[tilespmem:s2+$0x2900] =	vst v0  }
0x17: {  	[tilespmem:s2+$0x2910] =	vst v0  }
.Ltmp0:
0x18: {  	[tilespmem:s2+$0x2920] =	vst v0;
	(pc) =	sbr.rel @p0 .LBB2_2-.Ltmp0, $4  }
0x19: {  	[tilespmem:s2+$0x2930] =	vst v0  }
0x1a: {  	[tilespmem:s2+$0x2940] =	vst v0  }
0x1b: {  	[tilespmem:s2+$0x2950] =	vst v0  }
0x1c: {  	[tilespmem:s2+$0x2960] =	vst v0;
	s2 =	sshra.s32 s8, $0x2;
	s8 =	sadd.s32 $0x200, s8  }
0x1d: {  	[tilespmem:s2+$0x2970] =	vst v0  }
0x1e: {  	[tilespmem:s2+$0x2900] =	vst v0  }
0x1f: {  	[tilespmem:s2+$0x2910] =	vst v0  }
0x20: {  	[tilespmem:s2+$0x2920] =	vst v0  }
0x21: {  	[tilespmem:s2+$0x2930] =	vst v0  }
0x22: {  	[tilespmem:s2+$0x2940] =	vst v0  }
0x23: {  	[tilespmem:s2+$0x2950] =	vst v0  }
0x24: {  	[tilespmem:s2+$0x2960] =	vst v0  }
0x25: {  	[spmem:s7] =	stream.linear.scatter [tilespmem:s19], [sflag:$0x5], $0x4000, $0x38;
	[tilespmem:$0x1E900] =	vst v63  }
0x26: {  	s10 =	rddreg [dreg:$0x3]  }
0x27: {  	[spmem:s10] =	stream.linear.scatter [tilespmem:s19], [sflag:$0x5], $0x4000, $0x38;
	[tilespmem:$0x1E900] =	vst v63  }
0x28: {  	s11 =	rddreg [dreg:$0x4]  }
0x29: {  	[spmem:s11] =	stream.linear.scatter [tilespmem:s19], [sflag:$0x5], $0x4000, $0x38;
	[tilespmem:$0x1E900] =	vst v63  }
0x2a: {  	s13 =	rddreg [dreg:$0x5]  }
0x2b: {  	[spmem:s13] =	stream.linear.scatter [tilespmem:s19], [sflag:$0x5], $0x4000, $0x38;
	[tilespmem:$0x1E900] =	vst v63  }
0x2c: {  	s14 =	rddreg [dreg:$0x6]  }
0x2d: {  	[spmem:s14] =	stream.linear.scatter [tilespmem:s19], [sflag:$0x5], $0x4000, $0x38;
	[tilespmem:$0x1E900] =	vst v63  }
0x2e: {  	s8 =	rddreg [dreg:$0x7]  }
0x2f: {  	[tilespmem:s3], [sflag:$0x7] =	stream.linear.gather [hbm4b:s8+s3], $0x2800, $0x38;
	[tilespmem:$0x1E900] =	vst v63  }
0x30: {  	_ =	swait.ge [sflag:s20], $0x2800  }
0x31: {  	[sflag:s20] =	ssyncset.done $0x0  }
0x32: {  	[sflag:s20] =	ssyncadd.s32 $0xFFFFD800  }
0x33: {  	[tilespmem:s21], [sflag:$0x3] =	stream.linear.gather [hbm4b:s12+s3], $0x80, $0x38;
	[tilespmem:$0x1E900] =	vst v63  }
0x34: {  	s9 =	rddreg [dreg:$0x8]  }
0x35: {  	[tilespmem:s22], [sflag:$0x4] =	stream.linear.gather [hbm4b:s9+s3], $0x80, $0x38;
	[tilespmem:$0x1E900] =	vst v63  }
0x36: {  	_ =	swait.ge [sflag:s23], $0x4000  }
0x37: {  	[sflag:s23] =	ssyncset.done $0x0  }
0x38: {  	[sflag:s23] =	ssyncadd.s32 $0xFFFFC000  }
0x39: {  	_ =	swait.ge [sflag:s23], $0x4000  }
0x3a: {  	[sflag:s23] =	ssyncset.done $0x0  }
0x3b: {  	[sflag:s23] =	ssyncadd.s32 $0xFFFFC000  }
0x3c: {  	_ =	swait.ge [sflag:s23], $0x4000  }
0x3d: {  	[sflag:s23] =	ssyncset.done $0x0  }
0x3e: {  	[sflag:s23] =	ssyncadd.s32 $0xFFFFC000  }
0x3f: {  	_ =	swait.ge [sflag:s23], $0x4000  }
0x40: {  	[sflag:s23] =	ssyncset.done $0x0  }
0x41: {  	[sflag:s23] =	ssyncadd.s32 $0xFFFFC000  }
0x42: {  	_ =	swait.ge [sflag:s23], $0x4000  }
0x43: {  	[sflag:s23] =	ssyncset.done $0x0  }
0x44: {  	[sflag:s23] =	ssyncadd.s32 $0xFFFFC000  }
0x45: {  	[bflag:$0x0] =	sbarrier.arrive $0xFFFF  }
0x46: {  	_ =	swait.ge [sflag:s24], $0x80  }
0x47: {  	[sflag:s24] =	ssyncset.done $0x0  }
0x48: {  	[sflag:s24] =	ssyncadd.s32 $0xFFFFFF80  }
0x49: {  	[tilespmem:s19], [sflag:$0x1] =	stream.indirect.gather [hbm4b:s5+s25], $0x80, s21, s25, $0xb8;
	[tilespmem:$0x1E900] =	vst v63  }
0x4a: {  	_ =	swait.ge [sflag:s26], $0x80  }
0x4b: {  	[sflag:s26] =	ssyncset.done $0x0  }
0x4c: {  	[sflag:s26] =	ssyncadd.s32 $0xFFFFFF80  }
0x4d: {  	[tilespmem:s28], [sflag:$0x2] =	stream.indirect.gather [hbm4b:s5+s25], $0x80, s22, s25, $0xb8;
	[tilespmem:$0x1E900] =	vst v63  }
0x4e: {  	_ =	swait.ge [sflag:s29], $0x4000  }
0x4f: {  	[sflag:s29] =	ssyncset.done $0x0  }
0x50: {  	[sflag:s29] =	ssyncadd.s32 $0xFFFFC000  }
0x51: {  	[tilespmem:s21], [sflag:$0x3] =	stream.linear.gather [hbm4b:s15+s3], $0x80, $0x38;
	[tilespmem:$0x1E900] =	vst v63  }
0x52: {  	_ = 	snop  }
0x53: {  	[spmem:s1] =	stream.indirect.scatter.add.f32 [tilespmem:s19], [sflag:$0x5], $0x80, s3, s25, $0xb8;
	[tilespmem:$0x1E900] =	vst v63  }
0x54: {  	_ =	swait.ge [sflag:s30], $0x4000  }
0x55: {  	[sflag:s30] =	ssyncset.done $0x0  }
0x56: {  	[sflag:s30] =	ssyncadd.s32 $0xFFFFC000  }
0x57: {  	[tilespmem:s22], [sflag:$0x4] =	stream.linear.gather [hbm4b:s16+s3], $0x80, $0x38;
	[tilespmem:$0x1E900] =	vst v63  }
0x58: {  	_ = 	snop  }
0x59: {  	[spmem:s1] =	stream.indirect.scatter.add.f32 [tilespmem:s28], [sflag:$0x6], $0x80, s25, s25, $0xb8;
	[tilespmem:$0x1E900] =	vst v63  }
0x5a: {  	_ =	swait.ge [sflag:s23], $0x4000  }
0x5b: {  	[sflag:s23] =	ssyncset.done $0x0  }
0x5c: {  	[sflag:s23] =	ssyncadd.s32 $0xFFFFC000  }
0x5d: {  	_ =	swait.ge [sflag:s24], $0x80  }
0x5e: {  	[sflag:s24] =	ssyncset.done $0x0  }
0x5f: {  	[sflag:s24] =	ssyncadd.s32 $0xFFFFFF80  }
0x60: {  	[tilespmem:s19], [sflag:$0x1] =	stream.indirect.gather [hbm4b:s5+s25], $0x80, s21, s25, $0xb8;
	[tilespmem:$0x1E900] =	vst v63  }
0x61: {  	_ =	swait.ge [sflag:s31], $0x4000  }
0x62: {  	[sflag:s31] =	ssyncset.done $0x0  }
0x63: {  	[sflag:s31] =	ssyncadd.s32 $0xFFFFC000  }
0x64: {  	s10 =	simm.s32 $0x200;
	_ =	swait.ge [sflag:s26], $0x80  }
0x65: {  	s8 =	sand.u32 $0xFC00, s10;
	[sflag:s26] =	ssyncset.done $0x0  }
0x66: {  	s2 =	sand.u32 $0x300, s10;
	s8 =	sadd.s32 s6, s8;
	[sflag:s26] =	ssyncadd.s32 $0xFFFFFF80  }
0x67: {  	[tilespmem:s28], [sflag:$0x2] =	stream.indirect.gather [hbm4b:s5+s25], $0x80, s22, s25, $0xb8;
	[tilespmem:$0x1E900] =	vst v63  }
0x68: {  	s2 =	sor.u32 s2, s8;
	_ =	swait.ge [sflag:s29], $0x4000  }
0x69: {  	s11 =	simm.s32 $0x280;
	s2 =	sshrl.u32 s2, $0x3;
	[sflag:s29] =	ssyncset.done $0x0  }
0x6a: {  	s2 =	sadd.s32 s4, s2;
	s9 =	sand.u32 $0xFC00, s11;
	[sflag:s29] =	ssyncadd.s32 $0xFFFFC000  }
0x6b: {  	[tilespmem:s21], [sflag:$0x3] =	stream.linear.gather [hbm4b:s2+s3], $0x80, $0x38;
	[tilespmem:$0x1E900] =	vst v63  }
0x6c: {  	s13 =	simm.s32 $0x100;
	s8 =	sand.u32 $0x380, s11;
	s9 =	sadd.s32 s6, s9  }
0x6d: {  	[spmem:s1] =	stream.indirect.scatter.add.f32 [tilespmem:s19], [sflag:$0x5], $0x80, s13, s25, $0xb8;
	[tilespmem:$0x1E900] =	vst v63  }
0x6e: {  	s14 =	sor.u32 s8, s9;
	_ =	swait.ge [sflag:s30], $0x4000  }
0x6f: {  	s2 =	sshrl.u32 s14, $0x3;
	[sflag:s30] =	ssyncset.done $0x0  }
0x70: {  	s2 =	sadd.s32 s4, s2;
	[sflag:s30] =	ssyncadd.s32 $0xFFFFC000  }
0x71: {  	[tilespmem:s22], [sflag:$0x4] =	stream.linear.gather [hbm4b:s2+s3], $0x80, $0x38;
	[tilespmem:$0x1E900] =	vst v63  }
0x72: {  	s8 =	simm.s32 $0x380;
	s9 =	simm.s32 $0x180;
	s2 =	simm.s32 $0x180  }
.LBB2_4:
0x73: {  	p0 =	sne.s32 s8, $0x2780  }
0x74: {  	s2 =	sadd.s32 $0x100, s2;
	s10 =	smov.u32 s8;
	s8 =	sadd.s32 $0x100, s8  }
0x75: {  	[spmem:s1] =	stream.indirect.scatter.add.f32 [tilespmem:s28], [sflag:$0x6], $0x80, s9, s25, $0xb8;
	[tilespmem:$0x1E900] =	vst v63  }
0x76: {  	s9 =	smov.u32 s2;
	_ =	swait.ge [sflag:s23], $0x4000  }
0x77: {  	[sflag:s23] =	ssyncset.done $0x0  }
0x78: {  	[sflag:s23] =	ssyncadd.s32 $0xFFFFC000  }
0x79: {  	_ =	swait.ge [sflag:s24], $0x80  }
0x7a: {  	[sflag:s24] =	ssyncset.done $0x0  }
0x7b: {  	[sflag:s24] =	ssyncadd.s32 $0xFFFFFF80  }
0x7c: {  	[tilespmem:s19], [sflag:$0x1] =	stream.indirect.gather [hbm4b:s5+s25], $0x80, s21, s25, $0xb8;
	[tilespmem:$0x1E900] =	vst v63  }
0x7d: {  	_ =	swait.ge [sflag:s31], $0x4000  }
0x7e: {  	[sflag:s31] =	ssyncset.done $0x0  }
0x7f: {  	[sflag:s31] =	ssyncadd.s32 $0xFFFFC000  }
0x80: {  	_ =	swait.ge [sflag:s26], $0x80  }
0x81: {  	s11 =	sadd.s32 $0xFFFFFF80, s10;
	[sflag:s26] =	ssyncset.done $0x0  }
0x82: {  	s13 =	sand.u32 $0xFC00, s11;
	s11 =	sand.u32 $0x300, s11;
	[sflag:s26] =	ssyncadd.s32 $0xFFFFFF80  }
0x83: {  	[tilespmem:s28], [sflag:$0x2] =	stream.indirect.gather [hbm4b:s5+s25], $0x80, s22, s25, $0xb8;
	[tilespmem:$0x1E900] =	vst v63  }
0x84: {  	s13 =	sadd.s32 s6, s13;
	_ =	swait.ge [sflag:s29], $0x4000  }
0x85: {  	s11 =	sor.u32 s11, s13;
	[sflag:s29] =	ssyncset.done $0x0  }
0x86: {  	s11 =	sshrl.u32 s11, $0x3;
	[sflag:s29] =	ssyncadd.s32 $0xFFFFC000  }
0x87: {  	s14 =	sand.u32 $0xFC00, s10;
	s13 =	sadd.s32 $0xFFFFFF80, s2;
	s11 =	sadd.s32 s4, s11  }
0x88: {  	[tilespmem:s21], [sflag:$0x3] =	stream.linear.gather [hbm4b:s11+s3], $0x80, $0x38;
	[tilespmem:$0x1E900] =	vst v63  }
0x89: {  	s10 =	sand.u32 $0x380, s10;
	s11 =	sadd.s32 s6, s14  }
0x8a: {  	[spmem:s1] =	stream.indirect.scatter.add.f32 [tilespmem:s19], [sflag:$0x5], $0x80, s13, s25, $0xb8;
	[tilespmem:$0x1E900] =	vst v63  }
.Ltmp1:
0x8b: {  	_ = 	snop;
	(pc) =	sbr.rel @p0 .LBB2_4-.Ltmp1, $4  }
0x8c: {  	s10 =	sor.u32 s10, s11;
	_ =	swait.ge [sflag:s30], $0x4000  }
0x8d: {  	s10 =	sshrl.u32 s10, $0x3;
	[sflag:s30] =	ssyncset.done $0x0  }
0x8e: {  	s10 =	sadd.s32 s4, s10;
	[sflag:s30] =	ssyncadd.s32 $0xFFFFC000  }
0x8f: {  	[tilespmem:s22], [sflag:$0x4] =	stream.linear.gather [hbm4b:s10+s3], $0x80, $0x38;
	[tilespmem:$0x1E900] =	vst v63  }
0x90: {  	[spmem:s1] =	stream.indirect.scatter.add.f32 [tilespmem:s28], [sflag:$0x6], $0x80, s9, s25, $0xb8;
	[tilespmem:$0x1E900] =	vst v63  }
0x91: {  	_ =	swait.ge [sflag:s23], $0x4000  }
0x92: {  	[sflag:s23] =	ssyncset.done $0x0  }
0x93: {  	[sflag:s23] =	ssyncadd.s32 $0xFFFFC000  }
0x94: {  	_ =	swait.ge [sflag:s24], $0x80  }
0x95: {  	[sflag:s24] =	ssyncset.done $0x0  }
0x96: {  	[sflag:s24] =	ssyncadd.s32 $0xFFFFFF80  }
0x97: {  	[tilespmem:s19], [sflag:$0x1] =	stream.indirect.gather [hbm4b:s5+s25], $0x80, s21, s25, $0xb8;
	[tilespmem:$0x1E900] =	vst v63  }
0x98: {  	_ =	swait.ge [sflag:s31], $0x4000  }
0x99: {  	[sflag:s31] =	ssyncset.done $0x0  }
0x9a: {  	[sflag:s31] =	ssyncadd.s32 $0xFFFFC000  }
0x9b: {  	_ =	swait.ge [sflag:s26], $0x80  }
0x9c: {  	[sflag:s26] =	ssyncset.done $0x0  }
0x9d: {  	[sflag:s26] =	ssyncadd.s32 $0xFFFFFF80  }
0x9e: {  	[tilespmem:s28], [sflag:$0x2] =	stream.indirect.gather [hbm4b:s5+s25], $0x80, s22, s25, $0xb8;
	[tilespmem:$0x1E900] =	vst v63  }
0x9f: {  	_ =	swait.ge [sflag:s29], $0x4000  }
0xa0: {  	[sflag:s29] =	ssyncset.done $0x0  }
0xa1: {  	s2 =	simm.s32 $0x2700;
	[sflag:s29] =	ssyncadd.s32 $0xFFFFC000  }
0xa2: {  	[spmem:s1] =	stream.indirect.scatter.add.f32 [tilespmem:s19], [sflag:$0x5], $0x80, s2, s25, $0xb8;
	[tilespmem:$0x1E900] =	vst v63  }
0xa3: {  	_ =	swait.ge [sflag:s30], $0x4000  }
0xa4: {  	[sflag:s30] =	ssyncset.done $0x0  }
0xa5: {  	s13 =	simm.s32 $0x2780;
	[sflag:s30] =	ssyncadd.s32 $0xFFFFC000  }
0xa6: {  	[spmem:s1] =	stream.indirect.scatter.add.f32 [tilespmem:s28], [sflag:$0x6], $0x80, s13, s25, $0xb8;
	[tilespmem:$0x1E900] =	vst v63  }
0xa7: {  	_ =	swait.ge [sflag:s23], $0x4000  }
0xa8: {  	[sflag:s23] =	ssyncset.done $0x0  }
0xa9: {  	[sflag:s23] =	ssyncadd.s32 $0xFFFFC000  }
0xaa: {  	s14 =	stileid.u32;
	_ =	swait.ge [sflag:s31], $0x4000  }
0xab: {  	s8 =	sshrl.u32 s7, $0x3;
	s0 =	sadd.s32 $0x1, s0;
	[sflag:s31] =	ssyncset.done $0x0  }
0xac: {  	p0 =	sne.s32 s0, s18;
	s2 =	sshll.u32 s14, $0x6;
	[sflag:s31] =	ssyncadd.s32 $0xFFFFC000  }
.Ltmp2:
0xad: {  	s2 =	sor.u32 $0x1C07, s2;
	[bflag:$0x0] =	sbarrier.arrive $0xFFFF;
	(pc) =	sbr.rel @p0 .LBB2_1-.Ltmp2, $4  }
0xae: {  	[hbm:s17], [sflag:s2] =	dma.local [spmem:s8], $0x2800  }
0xaf: {  	_ =	swait.ge [sflag:s20], $0x2800  }
0xb0: {  	[sflag:s20] =	ssyncset.done $0x0  }
0xb1: {  	[sflag:s20] =	ssyncadd.s32 $0xFFFFD800  }
0xb2: {  	_ =	sfence.sel $0x180000  }
0xb3: {  	[bflag:$0x0] =	sbarrier.arrive $0xFFFF  }
0xb4: {  	_ =	strace $0x9000004D  }
0xb5: {  	s0 =	stileid.u32;
	[bflag:$0x2] =	sbarrier.arrive $0xFFFF  }
0xb6: {  	p0 =	sne.s32 s0, $0x0;
	s0 =	rddreg [dreg:$0x2]  }
0xb7: {  	s0 =	sadd.s32 @!p0 $0x100000, s0  }
0xb8: {  	[sflag:s0] =	ssyncadd.tile.s32 @!p0 $0x1;
	_ =	shalt  }
.Lfunc_end2:
_tile_overlayer_lowered:
.L_overlay_start_2:
0xb9: {  	(tag) =	ssettag $0x2  }
0xba: {  	s0 =	rddreg [dreg:$0x0];
	s2 =	stileid.u32  }
0xbb: {  	s1 =	rddreg [dreg:$0x1];
	p0 =	sne.s32 s2, $0x0  }
0xbc: {  	s3 =	rddreg [dreg:$0x2];
	[bflag:$0x3] =	sbarrier.arrive $0xFFFF;
	s2 =	simm.s32 @!p0 $0x1C07  }
0xbd: {  	[timem:s3], [sflag:s2] =	dma.local @!p0 [hbm:s0], s1  }
0xbe: {  	s0 =	simm.s32 @!p0 $0x7  }
0xbf: {  	_ =	swait.ge @!p0 [sflag:s0], s1  }
0xc0: {  	s1 =	ssub.s32 @!p0 $0x0, s1;
	[sflag:s0] =	ssyncset.done @!p0 $0x0  }
0xc1: {  	[sflag:s0] =	ssyncadd.s32 @!p0 s1  }
0xc2: {  	[bflag:$0x3] =	sbarrier.arrive $0xFFFF  }
0xc3: {  	_ =	shalt  }

// kernel: kernel.8.cloned.1.call-start
scs
__scs_entry_jumppad:
0x0: {  	(pc) =	sbr.rel $0x88, $3  }
0x1: {  	(tag) =	ssettag $0x0;
	lr =	simm.s32 $0x1  }
0x2: {  	[smem:$0x3F96] =	sst lr;
	_ =	strace $0xD0000000  }
0x3: {  	_ = 	snop  }
0x4: {  	_ = 	snop  }
0x5: {  	_ = 	snop  }
0x6: {  	_ = 	snop  }
0x7: {  	_ = 	snop  }
__scs_overlays_trampoline_lowered:
0x8: {  	[smem:$0x3FA5] =	sst s0  }
0x9: {  	[smem:$0x3FA6] =	sst s1  }
0xa: {  	[smem:$0x3FA7] =	sst s2  }
0xb: {  	[smem:$0x3FA8] =	sst s3  }
0xc: {  	[smem:$0x3FA9] =	sst s4  }
0xd: {  	[smem:$0x3FAA] =	sst s5  }
0xe: {  	[smem:$0x3FAB] =	sst s6  }
0xf: {  	[smem:$0x3FAC] =	sst s7  }
0x10: {  	[smem:$0x3FAD] =	sst s8  }
0x11: {  	[smem:$0x3FAE] =	sst s9;
	s0 =	simm.s32 @!p0 $0x0  }
0x12: {  	s1 =	sld [smem:$0x3F94];
	s0 =	simm.s32 @p0 $0x1  }
0x13: {  	[smem:$0x3FAF] =	sst s0;
	s0 =	simm.s32 @!p1 $0x0  }
0x14: {  	s2 =	sld [smem:$0x3F93];
	s0 =	simm.s32 @p1 $0x1  }
0x15: {  	[smem:$0x3FB0] =	sst s0;
	s0 =	simm.s32 @!p2 $0x0  }
0x16: {  	s3 =	sld [smem:$0x3FDB];
	s0 =	simm.s32 @p2 $0x1  }
0x17: {  	s4 =	simm.s32 $0x1BF5;
	[smem:$0x3FB2] =	sst s0  }
0x18: {  	s0 =	sld [smem:$0x3F95];
	_ =	swait.ge [sflag:s4], $0x0  }
0x19: {  	s7 =	sld [smem:$0x3F96]  }
0x1a: {  	s8 =	sadd.s32 $0xFFFFE003, lr  }
0x1b: {  	s9 =	sadd.s32 $0xFFFFFEF7, lr;
	s5 =	simm.s32 $0xFFFFFFFF;
	p2 =	slt.u32 s8, $0xFFFFF086  }
0x1c: {  	p1 =	slt.u32 s9, $0xF7A;
	s5 =	simm.s32 @!p2 $0x0  }
0x1d: {  	s5 =	simm.s32 @p1 $0x1;
	p0 =	seq.s32 s7, s2  }
0x1e: {  	s7 =	smul.u32 @!p0 $0xF7A, s2;
	p2 =	seq.s32 @!p0 s5, $0x0  }
0x1f: {  	s9 =	smul.u32 $0xF7A, s1;
	s8 =	simm.s32 @!p0 $0x1BF5;
	p2 =	por !p2, p0  }
0x20: {  	[sflag:s8] =	ssyncset.s32 @!p0 $0xFFFFF086;
	s6 =	sadd.s32 @!p0 s3, s7;
	s7 =	simm.s32 @!p0 $0x108  }
0x21: {  	s3 =	sadd.s32 s3, s9;
	s6 =	sadd.s32 @!p0 $0x88, s6;
	s7 =	simm.s32 @p2 $0x1082  }
0x22: {  	[simem:s7], [sflag:s8] =	dma.local @!p0 [hbm:s6], $0xF7A  }
0x23: {  	s9 =	sor.u32 $0xD0000000, s2;
	s6 =	simm.s32 $0x108;
	_ =	swait.ge @!p0 [sflag:s8], $0x0  }
0x24: {  	s3 =	sadd.s32 $0x88, s3;
	s6 =	simm.s32 @!p1 $0x1082;
	[sflag:s4] =	ssyncset.s32 $0xFFFFF086  }
0x25: {  	[simem:s6], [sflag:s4] =	dma.local [hbm:s3], $0xF7A  }
0x26: {  	[smem:$0x3F96] =	sst s1;
	(tag) =	ssettag s2;
	_ =	strace s9  }
0x27: {  	s1 =	sld [smem:$0x3FA6]  }
0x28: {  	s2 =	sld [smem:$0x3FA7]  }
0x29: {  	s4 =	sld [smem:$0x3FA9]  }
0x2a: {  	p0 =	seq.s32 s5, $0x0;
	s5 =	sld [smem:$0x3FAA]  }
0x2b: {  	s6 =	sld [smem:$0x3FAB]  }
0x2c: {  	s7 =	sld [smem:$0x3FAC]  }
0x2d: {  	s3 =	simm.s32 $0x108;
	s8 =	sld [smem:$0x3FAD]  }
0x2e: {  	s3 =	simm.s32 @!p0 $0x1082;
	s9 =	sld [smem:$0x3FAE]  }
0x2f: {  	lr =	sadd.s32 s0, s3;
	s0 =	sld [smem:$0x3FA5]  }
0x30: {  	s3 =	sld [smem:$0x3FA8]  }
0x31: {  	[smem:$0x3FB1] =	sst s10  }
0x32: {  	s10 =	sld [smem:$0x3FAF];
	_ =	sdelay $0x3  }
0x33: {  	p0 =	seq.s32 s10, $0x1;
	s10 =	sld [smem:$0x3FB1];
	_ =	sdelay $0x3  }
0x34: {  	[smem:$0x3FB1] =	sst s10  }
0x35: {  	s10 =	sld [smem:$0x3FB0];
	_ =	sdelay $0x3  }
0x36: {  	p1 =	seq.s32 s10, $0x1;
	s10 =	sld [smem:$0x3FB1];
	_ =	sdelay $0x3  }
0x37: {  	[smem:$0x3FB1] =	sst s10  }
0x38: {  	s10 =	sld [smem:$0x3FB2]  }
0x39: {  	_ = 	snop;
	(pc) =	sbr.ind lr, $3  }
0x3a: {  	_ = 	snop  }
0x3b: {  	_ = 	snop  }
0x3c: {  	p2 =	seq.s32 s10, $0x1;
	s10 =	sld [smem:$0x3FB1]  }
0x3d: {  	_ =	shalt  }
0x3e: {  	_ =	shalt  }
0x3f: {  	_ =	shalt  }
0x40: {  	_ =	shalt  }
0x41: {  	_ =	shalt  }
0x42: {  	_ =	shalt  }
0x43: {  	_ =	shalt  }
0x44: {  	_ =	shalt  }
0x45: {  	_ =	shalt  }
0x46: {  	_ =	shalt  }
0x47: {  	_ =	shalt  }
0x48: {  	_ =	shalt  }
0x49: {  	_ =	shalt  }
0x4a: {  	_ =	shalt  }
0x4b: {  	_ =	shalt  }
0x4c: {  	_ =	shalt  }
0x4d: {  	_ =	shalt  }
0x4e: {  	_ =	shalt  }
0x4f: {  	_ =	shalt  }
0x50: {  	_ =	shalt  }
0x51: {  	_ =	shalt  }
0x52: {  	_ =	shalt  }
0x53: {  	_ =	shalt  }
0x54: {  	_ =	shalt  }
0x55: {  	_ =	shalt  }
0x56: {  	_ =	shalt  }
0x57: {  	_ =	shalt  }
0x58: {  	_ =	shalt  }
0x59: {  	_ =	shalt  }
0x5a: {  	_ =	shalt  }
0x5b: {  	_ =	shalt  }
0x5c: {  	_ =	shalt  }
0x5d: {  	_ =	shalt  }
0x5e: {  	_ =	shalt  }
0x5f: {  	_ =	shalt  }
0x60: {  	_ =	shalt  }
0x61: {  	_ =	shalt  }
0x62: {  	_ =	shalt  }
0x63: {  	_ =	shalt  }
0x64: {  	_ =	shalt  }
0x65: {  	_ =	shalt  }
0x66: {  	_ =	shalt  }
0x67: {  	_ =	shalt  }
0x68: {  	_ =	shalt  }
0x69: {  	_ =	shalt  }
0x6a: {  	_ =	shalt  }
0x6b: {  	_ =	shalt  }
0x6c: {  	_ =	shalt  }
0x6d: {  	_ =	shalt  }
0x6e: {  	_ =	shalt  }
0x6f: {  	_ =	shalt  }
0x70: {  	_ =	shalt  }
0x71: {  	_ =	shalt  }
0x72: {  	_ =	shalt  }
0x73: {  	_ =	shalt  }
0x74: {  	_ =	shalt  }
0x75: {  	_ =	shalt  }
0x76: {  	_ =	shalt  }
0x77: {  	_ =	shalt  }
0x78: {  	_ =	shalt  }
0x79: {  	_ =	shalt  }
0x7a: {  	_ =	shalt  }
0x7b: {  	_ =	shalt  }
0x7c: {  	_ =	shalt  }
0x7d: {  	_ =	shalt  }
0x7e: {  	_ =	shalt  }
0x7f: {  	_ =	shalt  }
0x80: {  	_ =	shalt  }
0x81: {  	_ =	shalt  }
0x82: {  	_ =	shalt  }
0x83: {  	_ =	shalt  }
0x84: {  	_ =	shalt  }
0x85: {  	_ =	shalt  }
0x86: {  	_ =	shalt  }
0x87: {  	_ =	shalt  }
.Lfunc_end0:
.L_simem_size_0:
called_computation_lowered:
.L_overlay_start_0:
0x88: {  	s2 =	sld [smem:$0x3FD9]  }
0x89: {  	s3 =	sld [smem:$0x3FFE];
	_ =	sdelay $0x1  }
0x8a: {  	s1 =	srdreg.scid  }
0x8b: {  	s0 =	sand.u32 $0x1, s1  }
0x8c: {  	s16 =	sshll.u32 s0, $0xA;
	s2 =	sadd.s32 s3, s2  }
0x8d: {  	s2 =	sadd.s32 s2, s16  }
0x8e: {  	[smem:$0x3FBD] =	sst s2  }
0x8f: {  	_ = 	snop  }
0x90: {  	(tm) =	ssettm $0x1  }
0x91: {  	s17 =	sld [smem:$0x3FFB];
	_ =	sdelay $0x3  }
0x92: {  	_ =	strace s17  }
0x93: {  	s2 =	sld [smem:$0x3FFC];
	_ =	sdelay $0x3  }
0x94: {  	_ =	strace s2  }
0x95: {  	s2 =	sld [smem:$0x3FFD];
	_ =	sdelay $0x3  }
0x96: {  	_ =	strace s2  }
0x97: {  	_ =	strace $0x8FFFFFFF  }
0x98: {  	s18 =	sld [smem:$0x3FDB];
	_ =	sdelay $0x1  }
0x99: {  	s19 =	simm.s32 $_scs_section_size  }
0x9a: {  	s4 =	simm.s32 $_size__tile_overlayer_lowered;
	s5 =	simm.s32 $_tile_overlayer_lowered  }
0x9b: {  	s22 =	simm.s32 $0x1BFF;
	s21 =	sshll.u32 s5, $0x1;
	s2 =	sadd.s32 s19, s18  }
0x9c: {  	s6 =	simm.s32 $0x0;
	s20 =	sshll.u32 s4, $0x1;
	s4 =	sadd.s32 s21, s2  }
0x9d: {  	[timem:s6], [sflag:s22] =	dma.local [hbm:s4], s20  }
0x9e: {  	_ =	swait.ge [sflag:s22], s20  }
0x9f: {  	s3 =	ssub.s32 $0x0, s20;
	[sflag:s22] =	ssyncset.done $0x0  }
0xa0: {  	[sflag:s22] =	ssyncadd.s32 s3;
	_ =	sdelay $0x1  }
0xa1: {  	s23 =	simm.s32 $0x1B8B  }
0xa2: {  	_ =	swait.ge [sflag:s23], $0x1  }
0xa3: {  	[sflag:s23] =	ssyncset.done $0x0  }
0xa4: {  	s25 =	simm.s32 $0x1B8E;
	s24 =	sld [smem:$0x3FFE];
	[sflag:s23] =	ssyncadd.s32 $0xFFFFFFFF  }
0xa5: {  	s26 =	simm.s32 $execute0_lowered;
	[smem:$0x3FD2] =	sst s25  }
0xa6: {  	s4 =	sshll.u32 s26, $0x1;
	_ =	strace $0x80000046;
	[dreg:$0x1] =	wrdreg $0xFFFFFFFF  }
0xa7: {  	s28 =	simm.s32 $_size_execute0_lowered;
	s2 =	sadd.s32 s2, s4;
	[dreg:$0x0] =	wrdreg $0x0  }
0xa8: {  	s4 =	sshll.u32 s28, $0x1;
	[dreg:$0x2] =	wrdreg s2  }
0xa9: {  	[dreg:$0x3] =	wrdreg s4  }
0xaa: {  	[dreg:$0x4] =	wrdreg $0xC0  }
0xab: {  	_ =	task [dreg:s6], $0x5FFFF  }
0xac: {  	[dreg:$0x1] =	wrdreg $0xFFFFFFFF  }
0xad: {  	[dreg:$0x0] =	wrdreg $0x60  }
0xae: {  	[dreg:$0x2] =	wrdreg s24  }
0xaf: {  	[dreg:$0x3] =	wrdreg $0x2B000  }
0xb0: {  	[dreg:$0x4] =	wrdreg $0x9  }
0xb1: {  	_ =	task.clear_ibuf [dreg:s6], $0x5FFFF;
	_ =	strace $0x90000046  }
0xb2: {  	s29 =	simm.s32 $0x9;
	_ =	strace $0x80000048  }
0xb3: {  	_ =	swait.ge [sflag:s29], $0x1  }
0xb4: {  	[sflag:s29] =	ssyncadd.s32 $0xFFFFFFFF  }
0xb5: {  	_ =	strace $0x90000048  }
0xb6: {  	_ =	sfence  }
0xb7: {  	s30 =	sld [smem:$0x0];
	_ =	sdelay $0x2  }
0xb8: {  	s31 =	sshll.u32 s1, $0xD;
	s1 =	sshrl.u32 s1, $0x2  }
0xb9: {  	s3 =	sand.u32 $0x4000, s31;
	s1 =	sadd.s32 s1, s30  }
0xba: {  	s0 =	sor.u32 s3, s0;
	s1 =	sshll.u32 s1, $0x11  }
0xbb: {  	s0 =	sor.u32 s1, s0  }
0xbc: {  	s0 =	sadd.s32 $0x8F2B, s0  }
0xbd: {  	[sflag:s0] =	ssyncadd.remote.s32 $0x1  }
0xbe: {  	_ =	sfence.sel $0xFFFF  }
0xbf: {  	[dreg:$0x0] =	wrdreg $0xFFFFFFFF;
	(pc) =	sbr.abs _section_cstart, $3  }
0xc0: {  	[dreg:$0x1] =	wrdreg $0xFFFFFFFF  }
0xc1: {  	_ =	task.clear_ibuf [dreg:s6], $0x2FFFF;
	_ =	strace $0x9FFFFFFF  }
0xc2: {  	(tm) =	ssettm $0x7FFFFFFF  }
0xc3: {  	_ =	shalt  }
tec
execute0_lowered:
.L_overlay_start_1:
0x0: {  	(tag) =	ssettag $0x1  }
0x1: {  	s5 =	rddreg [dreg:$0x0]  }
0x2: {  	s2 =	rddreg [dreg:$0x1]  }
0x3: {  	s3 =	srdreg.scid;
	s1 =	stileid.u32  }
0x4: {  	s0 =	rddreg [dreg:$0x2];
	s10 =	simm.s32 $0x80;
	s11 =	simm.s32 $0x2800  }
0x5: {  	s12 =	simm.s32 $0x100;
	s13 =	simm.s32 $0x0;
	s6 =	smul.u32 $0x500, s1  }
0x6: {  	s4 =	sand.u32 $0x1, s3;
	s3 =	simm.s32 $0x0;
	s31 =	smul.u32 $0xA00, s1  }
0x7: {  	s7 =	sshll.u32 s4, $0x7;
	s8 =	sshll.u32 s4, $0x4;
	[smem:$0x7FF] =	sst s3  }
0x8: {  	s4 =	ssub.s32 $0x2, s4;
	s6 =	sor.u32 s7, s6;
	s30 =	sor.u32 s1, s8  }
0x9: {  	_ =	strace $0x80000047;
	s9 =	sshrl.u32 s4, $0x1;
	s7 =	smul.u32 $0x2800, s30  }
0xa: {  	s8 =	sshrl.u32 s31, $0x2;
	s6 =	sshrl.u32 s6, $0x3;
	s9 =	ssub.s32 s4, s9  }
0xb: {  	s4 =	sadd.s32 s8, s2;
	s6 =	sadd.s32 s6, s5;
	s7 =	sshrl.u32 s7, $0x3  }
0xc: {  	s8 =	simm.s32 $0x2880;
	s6 =	sadd.s32 $0x17A00, s6;
	s5 =	sadd.s32 s5, s7  }
0xd: {  	v0 =	vimm.f32 $1.000000000e+00;
	v1 =	vimm.f32 $0.0e+00;
	s7 =	smax.u32 s9, $0x1;
	s9 =	simm.s32 $0x1;
	s5 =	sadd.s32 $0xDA00, s5  }
.LBB2_1:
0xe: {  	[tilespmem:$0x2800] =	vst v0  }
0xf: {  	[tilespmem:$0x2810] =	vst v0  }
0x10: {  	[tilespmem:$0x2820] =	vst v0  }
0x11: {  	[tilespmem:$0x2830] =	vst v0  }
0x12: {  	[tilespmem:$0x2840] =	vst v0  }
0x13: {  	[tilespmem:$0x2850] =	vst v0  }
0x14: {  	[tilespmem:$0x2860] =	vst v0  }
0x15: {  	[tilespmem:$0x2870] =	vst v0  }
0x16: {  	[tilespmem:$0x2880] =	vst v1  }
0x17: {  	[tilespmem:$0x2890] =	vst v1  }
0x18: {  	[tilespmem:$0x28A0] =	vst v1  }
0x19: {  	[tilespmem:$0x28B0] =	vst v1  }
0x1a: {  	[tilespmem:$0x28C0] =	vst v1  }
0x1b: {  	[tilespmem:$0x28D0] =	vst v1  }
0x1c: {  	[tilespmem:$0x28E0] =	vst v1  }
0x1d: {  	[tilespmem:$0x28F0] =	vst v1  }
0x1e: {  	[tilespmem:$0x2900] =	vst v1  }
0x1f: {  	[tilespmem:$0x2910] =	vst v1  }
0x20: {  	[tilespmem:$0x2920] =	vst v1  }
0x21: {  	[tilespmem:$0x2930] =	vst v1  }
0x22: {  	[tilespmem:$0x2940] =	vst v1  }
0x23: {  	[tilespmem:$0x2950] =	vst v1  }
0x24: {  	[tilespmem:$0x2960] =	vst v1  }
0x25: {  	[tilespmem:$0x2970] =	vst v1  }
0x26: {  	[tilespmem:$0x2980] =	vst v1  }
0x27: {  	[tilespmem:$0x2990] =	vst v1  }
0x28: {  	[tilespmem:$0x29A0] =	vst v1  }
0x29: {  	[tilespmem:$0x29B0] =	vst v1  }
0x2a: {  	[tilespmem:$0x29C0] =	vst v1  }
0x2b: {  	[tilespmem:$0x29D0] =	vst v1  }
0x2c: {  	[tilespmem:$0x29E0] =	vst v1  }
0x2d: {  	[tilespmem:$0x29F0] =	vst v1  }
0x2e: {  	[tilespmem:$0x2A00] =	vst v1  }
0x2f: {  	[tilespmem:$0x2A10] =	vst v1  }
0x30: {  	[tilespmem:$0x2A20] =	vst v1  }
0x31: {  	[tilespmem:$0x2A30] =	vst v1  }
0x32: {  	[tilespmem:$0x2A40] =	vst v1  }
0x33: {  	[tilespmem:$0x2A50] =	vst v1  }
0x34: {  	[tilespmem:$0x2A60] =	vst v1  }
0x35: {  	[tilespmem:$0x2A70] =	vst v1  }
0x36: {  	[tilespmem:$0x2A80] =	vst v1  }
0x37: {  	[tilespmem:$0x2A90] =	vst v1  }
0x38: {  	[tilespmem:$0x2AA0] =	vst v1  }
0x39: {  	[tilespmem:$0x2AB0] =	vst v1  }
0x3a: {  	[tilespmem:$0x2AC0] =	vst v1  }
0x3b: {  	[tilespmem:$0x2AD0] =	vst v1  }
0x3c: {  	[tilespmem:$0x2AE0] =	vst v1  }
0x3d: {  	[tilespmem:$0x2AF0] =	vst v1  }
0x3e: {  	[spmem:s4] =	stream.linear.scatter [tilespmem:s8], [sflag:$0x1], $0x280, $0x38;
	[tilespmem:$0x2D80] =	vst v63  }
0x3f: {  	_ =	swait.ge [sflag:s9], $0x280  }
0x40: {  	[sflag:s9] =	ssyncset.done $0x0  }
0x41: {  	[sflag:s9] =	ssyncadd.s32 $0xFFFFFD80  }
0x42: {  	[tilespmem:s3], [sflag:$0x1] =	stream.linear.gather [hbm4b:s5+s3], $0x2800, $0x38;
	[tilespmem:$0x2D80] =	vst v63  }
0x43: {  	_ =	swait.ge [sflag:s9], $0x2800  }
0x44: {  	[sflag:s9] =	ssyncset.done $0x0  }
0x45: {  	[sflag:s9] =	ssyncadd.s32 $0xFFFFD800  }
0x46: {  	s14 =	simm.s32 $0x0;
	[bflag:$0x0] =	sbarrier.arrive $0xFFFF  }
0x47: {  	[spmem:s2] =	stream.indirect.scatter.add.f32 [tilespmem:s11], [sflag:$0x1], $0x1, s14, s10, $0xb8;
	[tilespmem:$0x2D80] =	vst v63  }
0x48: {  	_ =	swait.ge [sflag:s9], $0x80  }
0x49: {  	s14 =	simm.s32 $0x200;
	[sflag:s9] =	ssyncset.done $0x0  }
.LBB2_2:
0x4a: {  	s15 =	sshra.s32 s14, $0x2;
	[sflag:s9] =	ssyncadd.s32 $0xFFFFFF80;
	p0 =	sne.s32 s14, $0x9E00  }
0x4b: {  	[spmem:s2] =	stream.indirect.scatter.add.f32 [tilespmem:s11], [sflag:$0x1], $0x1, s15, s10, $0xb8;
	[tilespmem:$0x2D80] =	vst v63  }
.Ltmp0:
0x4c: {  	_ = 	snop;
	(pc) =	sbr.rel @p0 .LBB2_2-.Ltmp0, $4  }
0x4d: {  	_ = 	snop  }
0x4e: {  	s14 =	sadd.s32 $0x200, s14  }
0x4f: {  	_ =	swait.ge [sflag:s9], $0x80  }
0x50: {  	[sflag:s9] =	ssyncset.done $0x0  }
0x51: {  	[sflag:s9] =	ssyncadd.s32 $0xFFFFFF80  }
0x52: {  	[bflag:$0x0] =	sbarrier.arrive $0xFFFF  }
0x53: {  	[tilespmem:s8], [sflag:$0x1] =	stream.linear.gather [spmem:s4], $0x280, $0x38;
	[tilespmem:$0x2D80] =	vst v63  }
0x54: {  	s13 =	sadd.s32 $0x1, s13;
	_ =	swait.ge [sflag:s9], $0x280  }
0x55: {  	p0 =	sne.s32 s13, s7;
	[sflag:s9] =	ssyncset.done $0x0  }
.Ltmp1:
0x56: {  	[sflag:s9] =	ssyncadd.s32 $0xFFFFFD80;
	(pc) =	sbr.rel @p0 .LBB2_1-.Ltmp1, $4  }
0x57: {  	[hbm4b:s6+s10] =	stream.strided.scatter [tilespmem:s8], [sflag:$0x1], $0x280, s12, s10, $0x38;
	[tilespmem:$0x2D80] =	vst v63  }
0x58: {  	_ =	swait.ge [sflag:s9], $0x280  }
0x59: {  	[sflag:s9] =	ssyncset.done $0x0  }
0x5a: {  	[sflag:s9] =	ssyncadd.s32 $0xFFFFFD80  }
0x5b: {  	_ =	sfence.sel $0x180000  }
0x5c: {  	[bflag:$0x0] =	sbarrier.arrive $0xFFFF  }
0x5d: {  	p0 =	sne.s32 s1, $0x0;
	_ =	strace $0x90000047  }
0x5e: {  	s0 =	sadd.s32 @!p0 $0x100000, s0;
	[bflag:$0x2] =	sbarrier.arrive $0xFFFF  }
0x5f: {  	[sflag:s0] =	ssyncadd.tile.s32 @!p0 $0x1;
	_ =	shalt  }
.Lfunc_end2:
_tile_overlayer_lowered:
.L_overlay_start_2:
0x60: {  	(tag) =	ssettag $0x2  }
0x61: {  	s0 =	rddreg [dreg:$0x0];
	s2 =	stileid.u32  }
0x62: {  	s1 =	rddreg [dreg:$0x1];
	p0 =	sne.s32 s2, $0x0  }
0x63: {  	s3 =	rddreg [dreg:$0x2];
	[bflag:$0x3] =	sbarrier.arrive $0xFFFF;
	s2 =	simm.s32 @!p0 $0x1C01  }
0x64: {  	[timem:s3], [sflag:s2] =	dma.local @!p0 [hbm:s0], s1  }
0x65: {  	s0 =	simm.s32 @!p0 $0x1  }
0x66: {  	_ =	swait.ge @!p0 [sflag:s0], s1  }
0x67: {  	s1 =	ssub.s32 @!p0 $0x0, s1;
	[sflag:s0] =	ssyncset.done @!p0 $0x0  }
0x68: {  	[sflag:s0] =	ssyncadd.s32 @!p0 s1  }
0x69: {  	[bflag:$0x3] =	sbarrier.arrive $0xFFFF  }
0x6a: {  	_ =	shalt  }

</sc_bundles>
